<compile_context>
chip_gen: v7x
topology: tpu7x:2x2x1
jax: 0.10.2.dev20260603
libtpu: 0.0.44.dev20260713+nightly
codegen_flags: <defaults>
</compile_context>

<pallas_src>
import functools

import jax
import jax.numpy as jnp
from jax import lax
from jax.experimental import pallas as pl
from jax.experimental.pallas import tpu as pltpu
from jax.experimental.pallas import tpu_sc as plsc

K_NB = 32
_NEG = -3.0e38
_POS = 3.0e38



def _knn_body(xt_ref, x_ref, idx_ref, score_ref):
    xt = xt_ref[0]
    xb = x_ref[0]
    sqm = jnp.sum(xb * xb, axis=0, keepdims=True)
    inner = jnp.dot(xt, xb, preferred_element_type=jnp.float32)
    score_ref[...] = 2.0 * inner - sqm
    TN, N = score_ref.shape
    lane = lax.broadcasted_iota(jnp.int32, (TN, N), 1)
    for j in range(K_NB):
        s = score_ref[...]
        am = jnp.argmax(s, axis=1, keepdims=True).astype(jnp.int32)
        score_ref[...] = jnp.where(lane == am, _NEG, s)
        idx_ref[0, :, pl.dslice(j, 1)] = am


def _knn(x, xt):
    B, C, N = x.shape
    TN = 512
    return pl.pallas_call(
        _knn_body,
        grid=(B, N // TN),
        in_specs=[
            pl.BlockSpec((1, TN, C), lambda b, t: (b, t, 0)),
            pl.BlockSpec((1, C, N), lambda b, t: (b, 0, 0)),
        ],
        out_specs=pl.BlockSpec((1, TN, K_NB), lambda b, t: (b, t, 0)),
        out_shape=jax.ShapeDtypeStruct((B, N, K_NB), jnp.int32),
        scratch_shapes=[pltpu.VMEM((TN, N), jnp.float32)],
    )(xt, x)



def _sc_gather(x, idx):
    B, C, N = x.shape
    mesh = plsc.VectorSubcoreMesh(core_axis_name="c", subcore_axis_name="s")
    kpw = K_NB // 4
    xf = jnp.reshape(x, (B, C * N))
    idxf = jnp.reshape(idx, (B, N * K_NB))

    @functools.partial(
        pl.kernel,
        mesh=mesh,
        compiler_params=pltpu.CompilerParams(needs_layout_passes=False),
        out_type=jax.ShapeDtypeStruct((B, K_NB, C * N), jnp.float32),
        scratch_types=[
            pltpu.VMEM((C * N,), jnp.float32),
            pltpu.VMEM((N * K_NB,), jnp.int32),
            pltpu.VMEM((C * N,), jnp.float32),
        ],
    )
    def run(x_hbm, idx_hbm, out_hbm, xv, idxv, ob):
        wid = lax.axis_index("s") * 2 + lax.axis_index("c")
        b = wid // 4
        w = wid % 4
        pltpu.sync_copy(x_hbm.at[b], xv)
        pltpu.sync_copy(idx_hbm.at[b], idxv)
        for kl in range(kpw):
            kk = w * kpw + kl

            def chunk(i, _, kk=kk):
                nvec = lax.iota(jnp.int32, 16) + i * 16
                g = plsc.load_gather(idxv, [nvec * K_NB + kk])
                for c in range(C):
                    xm = plsc.load_gather(xv, [g + c * N])
                    xn = xv[pl.dslice(c * N + i * 16, 16)]
                    ob[pl.dslice(c * N + i * 16, 16)] = xm - xn
                return 0

            lax.fori_loop(0, N // 16, chunk, 0)
            pltpu.sync_copy(ob, out_hbm.at[b, kk])

    return jnp.reshape(run(xf, idxf), (B, K_NB, C, N))



def _stats1_body(x_ref, diff_ref, m_ref):
    xb = x_ref[0]
    N = xb.shape[1]
    ones = jnp.ones((1, N), jnp.float32)
    zeros = jnp.zeros((1, N), jnp.float32)

    def body(k, M):
        hp = jnp.concatenate([xb, diff_ref[0, k], ones, zeros], axis=0)
        return M + lax.dot_general(hp, hp, (((1,), (1,)), ((), ())),
                                   preferred_element_type=jnp.float32)

    m_ref[0] = lax.fori_loop(0, K_NB, body, jnp.zeros((8, 8), jnp.float32))


def _stats1(x, diff):
    B, C, N = x.shape
    return pl.pallas_call(
        _stats1_body,
        grid=(B,),
        in_specs=[
            pl.BlockSpec((1, C, N), lambda b: (b, 0, 0)),
            pl.BlockSpec((1, K_NB, C, N), lambda b: (b, 0, 0, 0)),
        ],
        out_specs=pl.BlockSpec((1, 8, 8), lambda b: (b, 0, 0)),
        out_shape=jax.ShapeDtypeStruct((B, 8, 8), jnp.float32),
    )(x, diff)



def _main_body(cnt, x_ref, diff_ref, m1_ref, w1_ref, w2_ref, pk_ref,
               ymax_ref, ymin_ref, p2_ref):
    M = jnp.sum(m1_ref[...], axis=0)
    Shh = M[0:6, 0:6]
    sh = M[0:6, 6:7]
    W1 = w1_ref[...]
    mean1 = jnp.dot(W1, sh / cnt, preferred_element_type=jnp.float32)
    A = jnp.dot(W1, Shh / cnt, preferred_element_type=jnp.float32)
    var1 = jnp.sum(A * W1, axis=1, keepdims=True) - mean1 * mean1
    g1 = pk_ref[:, 0:1]
    b1 = pk_ref[:, 1:2]
    scale1 = g1 * lax.rsqrt(var1 + 1e-5)
    sh1 = b1 - mean1 * scale1
    W1s = W1 * scale1
    xb = x_ref[0]
    y1x = jnp.dot(W1s[:, 0:3], xb, preferred_element_type=jnp.float32) + sh1
    W2 = w2_ref[...]
    W1b = W1s[:, 3:6]
    ymax_ref[0] = jnp.full_like(ymax_ref[0], _NEG)
    ymin_ref[0] = jnp.full_like(ymin_ref[0], _POS)

    def body(k, c):
        s2, ss2 = c
        y1 = y1x + jnp.dot(W1b, diff_ref[0, k], preferred_element_type=jnp.float32)
        a1 = jnp.where(y1 > 0, y1, 0.2 * y1)
        y2 = jnp.dot(W2, a1, preferred_element_type=jnp.float32)
        ymax_ref[0] = jnp.maximum(ymax_ref[0], y2)
        ymin_ref[0] = jnp.minimum(ymin_ref[0], y2)
        return (s2 + jnp.sum(y2, axis=1, keepdims=True),
                ss2 + jnp.sum(y2 * y2, axis=1, keepdims=True))

    z = jnp.zeros((64, 1), jnp.float32)
    s2, ss2 = lax.fori_loop(0, K_NB, body, (z, z))
    p2_ref[0] = jnp.zeros_like(p2_ref[0])
    p2_ref[0, :, 0:1] = s2
    p2_ref[0, :, 1:2] = ss2


def _main(x, diff, m1, W1, W2, pk):
    B, C, N = x.shape
    cnt = float(B * N * K_NB)
    return pl.pallas_call(
        functools.partial(_main_body, cnt),
        grid=(B,),
        in_specs=[
            pl.BlockSpec((1, C, N), lambda b: (b, 0, 0)),
            pl.BlockSpec((1, K_NB, C, N), lambda b: (b, 0, 0, 0)),
            pl.BlockSpec((B, 8, 8), lambda b: (0, 0, 0)),
            pl.BlockSpec((64, 6), lambda b: (0, 0)),
            pl.BlockSpec((64, 64), lambda b: (0, 0)),
            pl.BlockSpec((64, 4), lambda b: (0, 0)),
        ],
        out_specs=[
            pl.BlockSpec((1, 64, N), lambda b: (b, 0, 0)),
            pl.BlockSpec((1, 64, N), lambda b: (b, 0, 0)),
            pl.BlockSpec((1, 64, 8), lambda b: (b, 0, 0)),
        ],
        out_shape=[
            jax.ShapeDtypeStruct((B, 64, N), jnp.float32),
            jax.ShapeDtypeStruct((B, 64, N), jnp.float32),
            jax.ShapeDtypeStruct((B, 64, 8), jnp.float32),
        ],
    )(x, diff, m1, W1, W2, pk)



def _fin_body(cnt, p2_ref, pk_ref, ymax_ref, ymin_ref, o_ref):
    s2 = jnp.sum(p2_ref[:, :, 0:1], axis=0)
    ss2 = jnp.sum(p2_ref[:, :, 1:2], axis=0)
    mean2 = s2 / cnt
    var2 = ss2 / cnt - mean2 * mean2
    g2 = pk_ref[:, 2:3]
    b2 = pk_ref[:, 3:4]
    scale2 = g2 * lax.rsqrt(var2 + 1e-5)
    sh2 = b2 - mean2 * scale2
    ysel = jnp.where(scale2 >= 0, ymax_ref[0], ymin_ref[0])
    y = ysel * scale2 + sh2
    o_ref[0] = jnp.where(y > 0, y, 0.2 * y)


def _fin(p2, pk, ymax, ymin):
    B, _, N = ymax.shape
    cnt = float(B * N * K_NB)
    return pl.pallas_call(
        functools.partial(_fin_body, cnt),
        grid=(B,),
        in_specs=[
            pl.BlockSpec((B, 64, 8), lambda b: (0, 0, 0)),
            pl.BlockSpec((64, 4), lambda b: (0, 0)),
            pl.BlockSpec((1, 64, N), lambda b: (b, 0, 0)),
            pl.BlockSpec((1, 64, N), lambda b: (b, 0, 0)),
        ],
        out_specs=pl.BlockSpec((1, 64, N), lambda b: (b, 0, 0)),
        out_shape=jax.ShapeDtypeStruct((B, 64, N), jnp.float32),
    )(p2, pk, ymax, ymin)



def kernel(x, W1, g1, b1, W2, g2, b2):
    xt = jnp.transpose(x, (0, 2, 1))
    idx = _knn(x, xt)
    diff = _sc_gather(x, idx)
    m1 = _stats1(x, diff)
    pk = jnp.stack([g1, b1, g2, b2], axis=1)
    ymax, ymin, p2 = _main(x, diff, m1, W1, W2, pk)
    return _fin(p2, pk, ymax, ymin)

# --- scband reference (transcript-rebuilt; emitter-appended) ---
"""Pipeline reference for scband-edge-conv-block-17145509446483 (READ-ONLY COPY).

The authoritative reference and input builder live on the scoring server;
editing this copy changes nothing except your own understanding.
"""

import jax, jax.numpy as jnp
import numpy as np

K_NEIGH = 32

def knn_idx(x, K):
    # x: (B, C, N)
    inner = jnp.einsum('bcn,bcm->bnm', x, x)
    sq = jnp.sum(x * x, axis=1)  # (B, N)
    dist = sq[:, :, None] - 2.0 * inner + sq[:, None, :]  # (B, N, N)
    _, idx = jax.lax.top_k(-dist, K)  # nearest K (including self), (B, N, K)
    return idx

def group(x, K, group_type):
    # x: (B, C, N) -> (B, 2C, N, K) for 'center_diff'
    B, C, N = x.shape
    idx = knn_idx(x, K)  # (B, N, K)
    xt = jnp.transpose(x, (0, 2, 1))  # (B, N, C)
    neighbors = jax.vmap(lambda feat, ind: feat[ind])(xt, idx)  # (B, N, K, C)
    neighbors = jnp.transpose(neighbors, (0, 3, 1, 2))  # (B, C, N, K)
    center = x[:, :, :, None]  # (B, C, N, 1)
    center_exp = jnp.broadcast_to(center, (B, C, N, K))
    if group_type == 'center_diff':
        return jnp.concatenate([center_exp, neighbors - center_exp], axis=1)
    elif group_type == 'diff':
        return neighbors - center_exp
    else:
        return neighbors

def conv_bn_lrelu(h, W, gamma, beta):
    # 1x1 Conv2d (no bias) + BatchNorm2d (batch stats, train mode) + LeakyReLU(0.2)
    y = jnp.einsum('oc,bcnk->bonk', W, h)
    mean = jnp.mean(y, axis=(0, 2, 3), keepdims=True)
    var = jnp.var(y, axis=(0, 2, 3), keepdims=True)
    y = (y - mean) / jnp.sqrt(var + 1e-5)
    y = y * gamma[None, :, None, None] + beta[None, :, None, None]
    return jnp.where(y > 0, y, 0.2 * y)


def setup_inputs(seed: int = 0) -> dict:
    key = jax.random.key(seed)
    k1, k2, k3 = jax.random.split(key, 3)
    x = jax.random.normal(k1, (8, 3, 2048), dtype=jnp.float32)
    W1 = jax.random.normal(k2, (64, 6), dtype=jnp.float32) * 0.05
    W2 = jax.random.normal(k3, (64, 64), dtype=jnp.float32) * 0.05
    g1 = jnp.ones((64,), dtype=jnp.float32)
    b1 = jnp.zeros((64,), dtype=jnp.float32)
    g2 = jnp.ones((64,), dtype=jnp.float32)
    b2 = jnp.zeros((64,), dtype=jnp.float32)
    return {"x": x, "W1": W1, "g1": g1, "b1": b1, "W2": W2, "g2": g2, "b2": b2}


def reference(x, W1, g1, b1, W2, g2, b2):
    h = group(x, K_NEIGH, 'center_diff')  # (B, 6, N, K)
    h = conv_bn_lrelu(h, W1, g1, b1)      # (B, 64, N, K)
    h = conv_bn_lrelu(h, W2, g2, b2)      # (B, 64, N, K)
    out = jnp.max(h, axis=-1)             # (B, 64, N)
    return out

if __name__ == "__main__":
    import jax
    _d = setup_inputs()
    print(jax.jit(kernel)(*tuple(_d.values())))

</pallas_src>

<mosaic_0001>
#map = affine_map<(d0, d1) -> (0, 0)>
#map1 = affine_map<(d0, d1) -> (0, 0, 0)>
module attributes {stable_mosaic.version = 14 : i64} {
  func.func @run(%arg0: i32, %arg1: i32, %arg2: memref<8x6144xf32, #tpu.memory_space<hbm>>, %arg3: memref<8x65536xi32, #tpu.memory_space<hbm>>, %arg4: memref<8x32x6144xf32, #tpu.memory_space<hbm>>, %arg5: memref<6144xf32, #tpu.memory_space<vmem>>, %arg6: memref<65536xi32, #tpu.memory_space<vmem>>, %arg7: memref<6144xf32, #tpu.memory_space<vmem>>) attributes {dimension_semantics = [#tpu.dimension_semantics<core_parallel>, #tpu.dimension_semantics<subcore_parallel>], iteration_bounds = array<i64: 2, 16>, scalar_prefetch = 0 : i64, scratch_operands = 3 : i64, tpu.core_type = #tpu.core_type<sc_vector_subcore>, window_params = [{transform_indices = #map}, {transform_indices = #map}, {transform_indices = #map1}]} {
    %mul3A = arith.constant 2 : i32
    %mul3A_0 = arith.muli %arg1, %mul3A : i32
    %add3A = arith.addi %mul3A_0, %arg0 : i32
    %jit3A = arith.constant 4 : i32
    %div3A = arith.divsi %add3A, %jit3A : i32
    %sign3A = arith.constant 0 : i32
    %sign3A_1 = arith.cmpi sgt, %add3A, %sign3A : i32
    %sign3A_2 = arith.extui %sign3A_1 : i1 to i32
    %sign3A_3 = arith.constant 0 : i32
    %sign3A_4 = arith.cmpi slt, %add3A, %sign3A_3 : i32
    %sign3A_5 = arith.extui %sign3A_4 : i1 to i32
    %sign3A_6 = arith.subi %sign3A_2, %sign3A_5 : i32
    %sign3A_7 = arith.constant 0 : i32
    %sign3A_8 = arith.cmpi sgt, %jit3A, %sign3A_7 : i32
    %sign3A_9 = arith.extui %sign3A_8 : i1 to i32
    %sign3A_10 = arith.constant 0 : i32
    %sign3A_11 = arith.cmpi slt, %jit3A, %sign3A_10 : i32
    %sign3A_12 = arith.extui %sign3A_11 : i1 to i32
    %sign3A_13 = arith.subi %sign3A_9, %sign3A_12 : i32
    %ne3A = arith.cmpi ne, %sign3A_6, %sign3A_13 : i32
    %rem3A = arith.remsi %add3A, %jit3A : i32
    %ne3A_14 = arith.constant 0 : i32
    %ne3A_15 = arith.cmpi ne, %rem3A, %ne3A_14 : i32
    %and3A = arith.andi %ne3A, %ne3A_15 : i1
    %sub3A = arith.constant 1 : i32
    %sub3A_16 = arith.subi %div3A, %sub3A : i32
    %select_n3A = arith.select %and3A, %sub3A_16, %div3A : i32
    %jit3A_17 = arith.constant 4 : i32
    %eq3A = arith.constant 0 : i32
    %eq3A_18 = arith.cmpi eq, %jit3A_17, %eq3A : i32
    %jit3A_19 = arith.constant 1 : i32
    %select_n3A_20 = arith.select %eq3A_18, %jit3A_19, %jit3A_17 : i32
    %rem3A_21 = arith.remsi %add3A, %select_n3A_20 : i32
    %ne3A_22 = arith.constant 0 : i32
    %ne3A_23 = arith.cmpi ne, %rem3A_21, %ne3A_22 : i32
    %lt3A = arith.constant 0 : i32
    %lt3A_24 = arith.cmpi slt, %rem3A_21, %lt3A : i32
    %lt3A_25 = arith.constant 0 : i32
    %lt3A_26 = arith.cmpi slt, %select_n3A_20, %lt3A_25 : i32
    %ne3A_27 = arith.xori %lt3A_24, %lt3A_26 : i1
    %and3A_28 = arith.andi %ne3A_27, %ne3A_23 : i1
    %add3A_29 = arith.addi %rem3A_21, %select_n3A_20 : i32
    %select_n3A_30 = arith.select %and3A_28, %add3A_29, %rem3A_21 : i32
    "tpu.region"() ({
      %run_scoped3A = tpu.sem_alloc : memref<!tpu.dma_semaphore, #tpu.memory_space<semaphore_mem>>
      %dma_start3A = arith.constant 0 : i32
      %dma_start3A_118 = tpu.memref_slice %arg2[%select_n3A, %dma_start3A] : memref<8x6144xf32, #tpu.memory_space<hbm>> -> memref<1x6144xf32, #tpu.memory_space<hbm>>
      %dma_start3A_119 = tpu.memref_squeeze %dma_start3A_118 : memref<1x6144xf32, #tpu.memory_space<hbm>> -> memref<6144xf32, #tpu.memory_space<hbm>>
      %dma_start3A_120 = arith.constant 0 : i32
      %dma_start3A_121 = tpu.memref_slice %arg2[%select_n3A, %dma_start3A_120] : memref<8x6144xf32, #tpu.memory_space<hbm>> -> memref<1x6144xf32, #tpu.memory_space<hbm>>
      %dma_start3A_122 = tpu.memref_squeeze %dma_start3A_121 : memref<1x6144xf32, #tpu.memory_space<hbm>> -> memref<6144xf32, #tpu.memory_space<hbm>>
      tpu.enqueue_dma source(%dma_start3A_122 : memref<6144xf32, #tpu.memory_space<hbm>>) target(%arg5 : memref<6144xf32, #tpu.memory_space<vmem>>) target_semaphore(%run_scoped3A : memref<!tpu.dma_semaphore, #tpu.memory_space<semaphore_mem>>)
      %dma_wait3A = arith.constant 0 : i32
      %dma_wait3A_123 = tpu.memref_slice %arg2[%select_n3A, %dma_wait3A] : memref<8x6144xf32, #tpu.memory_space<hbm>> -> memref<1x6144xf32, #tpu.memory_space<hbm>>
      %dma_wait3A_124 = tpu.memref_squeeze %dma_wait3A_123 : memref<1x6144xf32, #tpu.memory_space<hbm>> -> memref<6144xf32, #tpu.memory_space<hbm>>
      %dma_wait3A_125 = arith.constant 0 : i32
      %dma_wait3A_126 = tpu.memref_slice %arg2[%select_n3A, %dma_wait3A_125] : memref<8x6144xf32, #tpu.memory_space<hbm>> -> memref<1x6144xf32, #tpu.memory_space<hbm>>
      %dma_wait3A_127 = tpu.memref_squeeze %dma_wait3A_126 : memref<1x6144xf32, #tpu.memory_space<hbm>> -> memref<6144xf32, #tpu.memory_space<hbm>>
      tpu.wait_dma2 semaphore(%run_scoped3A : memref<!tpu.dma_semaphore, #tpu.memory_space<semaphore_mem>>) src(%dma_wait3A_127 : memref<6144xf32, #tpu.memory_space<hbm>>) dst(%arg5 : memref<6144xf32, #tpu.memory_space<vmem>>)
      tpu.yield
    }) : () -> ()
    "tpu.region"() ({
      %run_scoped3A = tpu.sem_alloc : memref<!tpu.dma_semaphore, #tpu.memory_space<semaphore_mem>>
      %dma_start3A = arith.constant 0 : i32
      %dma_start3A_118 = tpu.memref_slice %arg3[%select_n3A, %dma_start3A] : memref<8x65536xi32, #tpu.memory_space<hbm>> -> memref<1x65536xi32, #tpu.memory_space<hbm>>
      %dma_start3A_119 = tpu.memref_squeeze %dma_start3A_118 : memref<1x65536xi32, #tpu.memory_space<hbm>> -> memref<65536xi32, #tpu.memory_space<hbm>>
      %dma_start3A_120 = arith.constant 0 : i32
      %dma_start3A_121 = tpu.memref_slice %arg3[%select_n3A, %dma_start3A_120] : memref<8x65536xi32, #tpu.memory_space<hbm>> -> memref<1x65536xi32, #tpu.memory_space<hbm>>
      %dma_start3A_122 = tpu.memref_squeeze %dma_start3A_121 : memref<1x65536xi32, #tpu.memory_space<hbm>> -> memref<65536xi32, #tpu.memory_space<hbm>>
      tpu.enqueue_dma source(%dma_start3A_122 : memref<65536xi32, #tpu.memory_space<hbm>>) target(%arg6 : memref<65536xi32, #tpu.memory_space<vmem>>) target_semaphore(%run_scoped3A : memref<!tpu.dma_semaphore, #tpu.memory_space<semaphore_mem>>)
      %dma_wait3A = arith.constant 0 : i32
      %dma_wait3A_123 = tpu.memref_slice %arg3[%select_n3A, %dma_wait3A] : memref<8x65536xi32, #tpu.memory_space<hbm>> -> memref<1x65536xi32, #tpu.memory_space<hbm>>
      %dma_wait3A_124 = tpu.memref_squeeze %dma_wait3A_123 : memref<1x65536xi32, #tpu.memory_space<hbm>> -> memref<65536xi32, #tpu.memory_space<hbm>>
      %dma_wait3A_125 = arith.constant 0 : i32
      %dma_wait3A_126 = tpu.memref_slice %arg3[%select_n3A, %dma_wait3A_125] : memref<8x65536xi32, #tpu.memory_space<hbm>> -> memref<1x65536xi32, #tpu.memory_space<hbm>>
      %dma_wait3A_127 = tpu.memref_squeeze %dma_wait3A_126 : memref<1x65536xi32, #tpu.memory_space<hbm>> -> memref<65536xi32, #tpu.memory_space<hbm>>
      tpu.wait_dma2 semaphore(%run_scoped3A : memref<!tpu.dma_semaphore, #tpu.memory_space<semaphore_mem>>) src(%dma_wait3A_127 : memref<65536xi32, #tpu.memory_space<hbm>>) dst(%arg6 : memref<65536xi32, #tpu.memory_space<vmem>>)
      tpu.yield
    }) : () -> ()
    %mul3A_31 = arith.constant 8 : i32
    %mul3A_32 = arith.muli %select_n3A_30, %mul3A_31 : i32
    %add3A_33 = arith.constant 0 : i32
    %add3A_34 = arith.addi %mul3A_32, %add3A_33 : i32
    %scan3A = arith.constant 0 : i32
    %scan3A_35 = arith.constant 0 : i32
    %scan3A_36 = arith.constant 128 : i32
    %scan3A_37 = arith.addi %scan3A_35, %scan3A_36 : i32
    %scan3A_38 = arith.constant 1 : i32
    %scan3A_39 = scf.for %scan3A_118 = %scan3A_35 to %scan3A_37 step %scan3A_38 iter_args(%scan3A_119 = %scan3A) -> (i32)  : i32 {
      %iota3A = tpu.iota {dimensions = array<i32: 0>} : vector<16xi32>
      %mul3A_120 = arith.constant 16 : i32
      %mul3A_121 = arith.muli %scan3A_118, %mul3A_120 : i32
      %add3A_122 = vector.broadcast %mul3A_121 : i32 to vector<16xi32>
      %add3A_123 = arith.addi %iota3A, %add3A_122 : vector<16xi32>
      %mul3A_124 = arith.constant 32 : i32
      %mul3A_125 = vector.broadcast %mul3A_124 : i32 to vector<16xi32>
      %mul3A_126 = arith.muli %add3A_123, %mul3A_125 : vector<16xi32>
      %add3A_127 = vector.broadcast %add3A_34 : i32 to vector<16xi32>
      %add3A_128 = arith.addi %mul3A_126, %add3A_127 : vector<16xi32>
      %gather3A = tpu.vector_load_idx %arg6[%add3A_128] : memref<65536xi32, #tpu.memory_space<vmem>>[vector<16xi32>], vector<16xi32>,
      %add3A_129 = arith.constant 0 : i32
      %add3A_130 = vector.broadcast %add3A_129 : i32 to vector<16xi32>
      %add3A_131 = arith.addi %gather3A, %add3A_130 : vector<16xi32>
      %gather3A_132 = tpu.vector_load_idx %arg5[%add3A_131] : memref<6144xf32, #tpu.memory_space<vmem>>[vector<16xi32>], vector<16xf32>,
      %mul3A_133 = arith.constant 16 : i32
      %mul3A_134 = arith.muli %scan3A_118, %mul3A_133 : i32
      %add3A_135 = arith.constant 0 : i32
      %add3A_136 = arith.addi %add3A_135, %mul3A_134 : i32
      %get3A = arith.index_cast %add3A_136 : i32 to index
      %get3A_137 = tpu.vector_load %arg5[%get3A] {strides = array<i32>} : memref<6144xf32, #tpu.memory_space<vmem>>, vector<16xf32>,
      %sub3A_138 = arith.subf %gather3A_132, %get3A_137 : vector<16xf32>
      %mul3A_139 = arith.constant 16 : i32
      %mul3A_140 = arith.muli %scan3A_118, %mul3A_139 : i32
      %add3A_141 = arith.constant 0 : i32
      %add3A_142 = arith.addi %add3A_141, %mul3A_140 : i32
      %swap3A = arith.index_cast %add3A_142 : i32 to index
      %swap3A_143 = tpu.vector_load %arg7[%swap3A] {strides = array<i32>} : memref<6144xf32, #tpu.memory_space<vmem>>, vector<16xf32>,
      tpu.vector_store %arg7[%swap3A], %sub3A_138 {strides = array<i32>} : memref<6144xf32, #tpu.memory_space<vmem>>, vector<16xf32>,
      %add3A_144 = arith.constant 2048 : i32
      %add3A_145 = vector.broadcast %add3A_144 : i32 to vector<16xi32>
      %add3A_146 = arith.addi %gather3A, %add3A_145 : vector<16xi32>
      %gather3A_147 = tpu.vector_load_idx %arg5[%add3A_146] : memref<6144xf32, #tpu.memory_space<vmem>>[vector<16xi32>], vector<16xf32>,
      %mul3A_148 = arith.constant 16 : i32
      %mul3A_149 = arith.muli %scan3A_118, %mul3A_148 : i32
      %add3A_150 = arith.constant 2048 : i32
      %add3A_151 = arith.addi %add3A_150, %mul3A_149 : i32
      %get3A_152 = arith.index_cast %add3A_151 : i32 to index
      %get3A_153 = tpu.vector_load %arg5[%get3A_152] {strides = array<i32>} : memref<6144xf32, #tpu.memory_space<vmem>>, vector<16xf32>,
      %sub3A_154 = arith.subf %gather3A_147, %get3A_153 : vector<16xf32>
      %mul3A_155 = arith.constant 16 : i32
      %mul3A_156 = arith.muli %scan3A_118, %mul3A_155 : i32
      %add3A_157 = arith.constant 2048 : i32
      %add3A_158 = arith.addi %add3A_157, %mul3A_156 : i32
      %swap3A_159 = arith.index_cast %add3A_158 : i32 to index
      %swap3A_160 = tpu.vector_load %arg7[%swap3A_159] {strides = array<i32>} : memref<6144xf32, #tpu.memory_space<vmem>>, vector<16xf32>,
      tpu.vector_store %arg7[%swap3A_159], %sub3A_154 {strides = array<i32>} : memref<6144xf32, #tpu.memory_space<vmem>>, vector<16xf32>,
      %add3A_161 = arith.constant 4096 : i32
      %add3A_162 = vector.broadcast %add3A_161 : i32 to vector<16xi32>
      %add3A_163 = arith.addi %gather3A, %add3A_162 : vector<16xi32>
      %gather3A_164 = tpu.vector_load_idx %arg5[%add3A_163] : memref<6144xf32, #tpu.memory_space<vmem>>[vector<16xi32>], vector<16xf32>,
      %mul3A_165 = arith.constant 16 : i32
      %mul3A_166 = arith.muli %scan3A_118, %mul3A_165 : i32
      %add3A_167 = arith.constant 4096 : i32
      %add3A_168 = arith.addi %add3A_167, %mul3A_166 : i32
      %get3A_169 = arith.index_cast %add3A_168 : i32 to index
      %get3A_170 = tpu.vector_load %arg5[%get3A_169] {strides = array<i32>} : memref<6144xf32, #tpu.memory_space<vmem>>, vector<16xf32>,
      %sub3A_171 = arith.subf %gather3A_164, %get3A_170 : vector<16xf32>
      %mul3A_172 = arith.constant 16 : i32
      %mul3A_173 = arith.muli %scan3A_118, %mul3A_172 : i32
      %add3A_174 = arith.constant 4096 : i32
      %add3A_175 = arith.addi %add3A_174, %mul3A_173 : i32
      %swap3A_176 = arith.index_cast %add3A_175 : i32 to index
      %swap3A_177 = tpu.vector_load %arg7[%swap3A_176] {strides = array<i32>} : memref<6144xf32, #tpu.memory_space<vmem>>, vector<16xf32>,
      tpu.vector_store %arg7[%swap3A_176], %sub3A_171 {strides = array<i32>} : memref<6144xf32, #tpu.memory_space<vmem>>, vector<16xf32>,
      %scan3A_178 = arith.constant 0 : i32
      scf.yield %scan3A_178 : i32
    }
    %scan3A_40 = arith.constant 128 : i32
    "tpu.region"() ({
      %run_scoped3A = tpu.sem_alloc : memref<!tpu.dma_semaphore, #tpu.memory_space<semaphore_mem>>
      %dma_start3A = arith.constant 0 : i32
      %dma_start3A_118 = tpu.memref_slice %arg4[%select_n3A, %add3A_34, %dma_start3A] : memref<8x32x6144xf32, #tpu.memory_space<hbm>> -> memref<1x1x6144xf32, #tpu.memory_space<hbm>>
      %dma_start3A_119 = tpu.memref_squeeze %dma_start3A_118 : memref<1x1x6144xf32, #tpu.memory_space<hbm>> -> memref<6144xf32, #tpu.memory_space<hbm>>
      %dma_start3A_120 = arith.constant 0 : i32
      %dma_start3A_121 = tpu.memref_slice %arg4[%select_n3A, %add3A_34, %dma_start3A_120] : memref<8x32x6144xf32, #tpu.memory_space<hbm>> -> memref<1x1x6144xf32, #tpu.memory_space<hbm>>
      %dma_start3A_122 = tpu.memref_squeeze %dma_start3A_121 : memref<1x1x6144xf32, #tpu.memory_space<hbm>> -> memref<6144xf32, #tpu.memory_space<hbm>>
      tpu.enqueue_dma source(%arg7 : memref<6144xf32, #tpu.memory_space<vmem>>) target(%dma_start3A_122 : memref<6144xf32, #tpu.memory_space<hbm>>) target_semaphore(%run_scoped3A : memref<!tpu.dma_semaphore, #tpu.memory_space<semaphore_mem>>)
      %dma_wait3A = arith.constant 0 : i32
      %dma_wait3A_123 = tpu.memref_slice %arg4[%select_n3A, %add3A_34, %dma_wait3A] : memref<8x32x6144xf32, #tpu.memory_space<hbm>> -> memref<1x1x6144xf32, #tpu.memory_space<hbm>>
      %dma_wait3A_124 = tpu.memref_squeeze %dma_wait3A_123 : memref<1x1x6144xf32, #tpu.memory_space<hbm>> -> memref<6144xf32, #tpu.memory_space<hbm>>
      %dma_wait3A_125 = arith.constant 0 : i32
      %dma_wait3A_126 = tpu.memref_slice %arg4[%select_n3A, %add3A_34, %dma_wait3A_125] : memref<8x32x6144xf32, #tpu.memory_space<hbm>> -> memref<1x1x6144xf32, #tpu.memory_space<hbm>>
      %dma_wait3A_127 = tpu.memref_squeeze %dma_wait3A_126 : memref<1x1x6144xf32, #tpu.memory_space<hbm>> -> memref<6144xf32, #tpu.memory_space<hbm>>
      tpu.wait_dma2 semaphore(%run_scoped3A : memref<!tpu.dma_semaphore, #tpu.memory_space<semaphore_mem>>) src(%arg7 : memref<6144xf32, #tpu.memory_space<vmem>>) dst(%dma_wait3A_127 : memref<6144xf32, #tpu.memory_space<hbm>>)
      tpu.yield
    }) : () -> ()
    %mul3A_41 = arith.constant 8 : i32
    %mul3A_42 = arith.muli %select_n3A_30, %mul3A_41 : i32
    %add3A_43 = arith.constant 1 : i32
    %add3A_44 = arith.addi %mul3A_42, %add3A_43 : i32
    %scan3A_45 = arith.constant 0 : i32
    %scan3A_46 = arith.constant 0 : i32
    %scan3A_47 = arith.constant 128 : i32
    %scan3A_48 = arith.addi %scan3A_46, %scan3A_47 : i32
    %scan3A_49 = arith.constant 1 : i32
    %scan3A_50 = scf.for %scan3A_118 = %scan3A_46 to %scan3A_48 step %scan3A_49 iter_args(%scan3A_119 = %scan3A_45) -> (i32)  : i32 {
      %iota3A = tpu.iota {dimensions = array<i32: 0>} : vector<16xi32>
      %mul3A_120 = arith.constant 16 : i32
      %mul3A_121 = arith.muli %scan3A_118, %mul3A_120 : i32
      %add3A_122 = vector.broadcast %mul3A_121 : i32 to vector<16xi32>
      %add3A_123 = arith.addi %iota3A, %add3A_122 : vector<16xi32>
      %mul3A_124 = arith.constant 32 : i32
      %mul3A_125 = vector.broadcast %mul3A_124 : i32 to vector<16xi32>
      %mul3A_126 = arith.muli %add3A_123, %mul3A_125 : vector<16xi32>
      %add3A_127 = vector.broadcast %add3A_44 : i32 to vector<16xi32>
      %add3A_128 = arith.addi %mul3A_126, %add3A_127 : vector<16xi32>
      %gather3A = tpu.vector_load_idx %arg6[%add3A_128] : memref<65536xi32, #tpu.memory_space<vmem>>[vector<16xi32>], vector<16xi32>,
      %add3A_129 = arith.constant 0 : i32
      %add3A_130 = vector.broadcast %add3A_129 : i32 to vector<16xi32>
      %add3A_131 = arith.addi %gather3A, %add3A_130 : vector<16xi32>
      %gather3A_132 = tpu.vector_load_idx %arg5[%add3A_131] : memref<6144xf32, #tpu.memory_space<vmem>>[vector<16xi32>], vector<16xf32>,
      %mul3A_133 = arith.constant 16 : i32
      %mul3A_134 = arith.muli %scan3A_118, %mul3A_133 : i32
      %add3A_135 = arith.constant 0 : i32
      %add3A_136 = arith.addi %add3A_135, %mul3A_134 : i32
      %get3A = arith.index_cast %add3A_136 : i32 to index
      %get3A_137 = tpu.vector_load %arg5[%get3A] {strides = array<i32>} : memref<6144xf32, #tpu.memory_space<vmem>>, vector<16xf32>,
      %sub3A_138 = arith.subf %gather3A_132, %get3A_137 : vector<16xf32>
      %mul3A_139 = arith.constant 16 : i32
      %mul3A_140 = arith.muli %scan3A_118, %mul3A_139 : i32
      %add3A_141 = arith.constant 0 : i32
      %add3A_142 = arith.addi %add3A_141, %mul3A_140 : i32
      %swap3A = arith.index_cast %add3A_142 : i32 to index
      %swap3A_143 = tpu.vector_load %arg7[%swap3A] {strides = array<i32>} : memref<6144xf32, #tpu.memory_space<vmem>>, vector<16xf32>,
      tpu.vector_store %arg7[%swap3A], %sub3A_138 {strides = array<i32>} : memref<6144xf32, #tpu.memory_space<vmem>>, vector<16xf32>,
      %add3A_144 = arith.constant 2048 : i32
      %add3A_145 = vector.broadcast %add3A_144 : i32 to vector<16xi32>
      %add3A_146 = arith.addi %gather3A, %add3A_145 : vector<16xi32>
      %gather3A_147 = tpu.vector_load_idx %arg5[%add3A_146] : memref<6144xf32, #tpu.memory_space<vmem>>[vector<16xi32>], vector<16xf32>,
      %mul3A_148 = arith.constant 16 : i32
      %mul3A_149 = arith.muli %scan3A_118, %mul3A_148 : i32
      %add3A_150 = arith.constant 2048 : i32
      %add3A_151 = arith.addi %add3A_150, %mul3A_149 : i32
      %get3A_152 = arith.index_cast %add3A_151 : i32 to index
      %get3A_153 = tpu.vector_load %arg5[%get3A_152] {strides = array<i32>} : memref<6144xf32, #tpu.memory_space<vmem>>, vector<16xf32>,
      %sub3A_154 = arith.subf %gather3A_147, %get3A_153 : vector<16xf32>
      %mul3A_155 = arith.constant 16 : i32
      %mul3A_156 = arith.muli %scan3A_118, %mul3A_155 : i32
      %add3A_157 = arith.constant 2048 : i32
      %add3A_158 = arith.addi %add3A_157, %mul3A_156 : i32
      %swap3A_159 = arith.index_cast %add3A_158 : i32 to index
      %swap3A_160 = tpu.vector_load %arg7[%swap3A_159] {strides = array<i32>} : memref<6144xf32, #tpu.memory_space<vmem>>, vector<16xf32>,
      tpu.vector_store %arg7[%swap3A_159], %sub3A_154 {strides = array<i32>} : memref<6144xf32, #tpu.memory_space<vmem>>, vector<16xf32>,
      %add3A_161 = arith.constant 4096 : i32
      %add3A_162 = vector.broadcast %add3A_161 : i32 to vector<16xi32>
      %add3A_163 = arith.addi %gather3A, %add3A_162 : vector<16xi32>
      %gather3A_164 = tpu.vector_load_idx %arg5[%add3A_163] : memref<6144xf32, #tpu.memory_space<vmem>>[vector<16xi32>], vector<16xf32>,
      %mul3A_165 = arith.constant 16 : i32
      %mul3A_166 = arith.muli %scan3A_118, %mul3A_165 : i32
      %add3A_167 = arith.constant 4096 : i32
      %add3A_168 = arith.addi %add3A_167, %mul3A_166 : i32
      %get3A_169 = arith.index_cast %add3A_168 : i32 to index
      %get3A_170 = tpu.vector_load %arg5[%get3A_169] {strides = array<i32>} : memref<6144xf32, #tpu.memory_space<vmem>>, vector<16xf32>,
      %sub3A_171 = arith.subf %gather3A_164, %get3A_170 : vector<16xf32>
      %mul3A_172 = arith.constant 16 : i32
      %mul3A_173 = arith.muli %scan3A_118, %mul3A_172 : i32
      %add3A_174 = arith.constant 4096 : i32
      %add3A_175 = arith.addi %add3A_174, %mul3A_173 : i32
      %swap3A_176 = arith.index_cast %add3A_175 : i32 to index
      %swap3A_177 = tpu.vector_load %arg7[%swap3A_176] {strides = array<i32>} : memref<6144xf32, #tpu.memory_space<vmem>>, vector<16xf32>,
      tpu.vector_store %arg7[%swap3A_176], %sub3A_171 {strides = array<i32>} : memref<6144xf32, #tpu.memory_space<vmem>>, vector<16xf32>,
      %scan3A_178 = arith.constant 0 : i32
      scf.yield %scan3A_178 : i32
    }
    %scan3A_51 = arith.constant 128 : i32
    "tpu.region"() ({
      %run_scoped3A = tpu.sem_alloc : memref<!tpu.dma_semaphore, #tpu.memory_space<semaphore_mem>>
      %dma_start3A = arith.constant 0 : i32
      %dma_start3A_118 = tpu.memref_slice %arg4[%select_n3A, %add3A_44, %dma_start3A] : memref<8x32x6144xf32, #tpu.memory_space<hbm>> -> memref<1x1x6144xf32, #tpu.memory_space<hbm>>
      %dma_start3A_119 = tpu.memref_squeeze %dma_start3A_118 : memref<1x1x6144xf32, #tpu.memory_space<hbm>> -> memref<6144xf32, #tpu.memory_space<hbm>>
      %dma_start3A_120 = arith.constant 0 : i32
      %dma_start3A_121 = tpu.memref_slice %arg4[%select_n3A, %add3A_44, %dma_start3A_120] : memref<8x32x6144xf32, #tpu.memory_space<hbm>> -> memref<1x1x6144xf32, #tpu.memory_space<hbm>>
      %dma_start3A_122 = tpu.memref_squeeze %dma_start3A_121 : memref<1x1x6144xf32, #tpu.memory_space<hbm>> -> memref<6144xf32, #tpu.memory_space<hbm>>
      tpu.enqueue_dma source(%arg7 : memref<6144xf32, #tpu.memory_space<vmem>>) target(%dma_start3A_122 : memref<6144xf32, #tpu.memory_space<hbm>>) target_semaphore(%run_scoped3A : memref<!tpu.dma_semaphore, #tpu.memory_space<semaphore_mem>>)
      %dma_wait3A = arith.constant 0 : i32
      %dma_wait3A_123 = tpu.memref_slice %arg4[%select_n3A, %add3A_44, %dma_wait3A] : memref<8x32x6144xf32, #tpu.memory_space<hbm>> -> memref<1x1x6144xf32, #tpu.memory_space<hbm>>
      %dma_wait3A_124 = tpu.memref_squeeze %dma_wait3A_123 : memref<1x1x6144xf32, #tpu.memory_space<hbm>> -> memref<6144xf32, #tpu.memory_space<hbm>>
      %dma_wait3A_125 = arith.constant 0 : i32
      %dma_wait3A_126 = tpu.memref_slice %arg4[%select_n3A, %add3A_44, %dma_wait3A_125] : memref<8x32x6144xf32, #tpu.memory_space<hbm>> -> memref<1x1x6144xf32, #tpu.memory_space<hbm>>
      %dma_wait3A_127 = tpu.memref_squeeze %dma_wait3A_126 : memref<1x1x6144xf32, #tpu.memory_space<hbm>> -> memref<6144xf32, #tpu.memory_space<hbm>>
      tpu.wait_dma2 semaphore(%run_scoped3A : memref<!tpu.dma_semaphore, #tpu.memory_space<semaphore_mem>>) src(%arg7 : memref<6144xf32, #tpu.memory_space<vmem>>) dst(%dma_wait3A_127 : memref<6144xf32, #tpu.memory_space<hbm>>)
      tpu.yield
    }) : () -> ()
    %mul3A_52 = arith.constant 8 : i32
    %mul3A_53 = arith.muli %select_n3A_30, %mul3A_52 : i32
    %add3A_54 = arith.constant 2 : i32
    %add3A_55 = arith.addi %mul3A_53, %add3A_54 : i32
    %scan3A_56 = arith.constant 0 : i32
    %scan3A_57 = arith.constant 0 : i32
    %scan3A_58 = arith.constant 128 : i32
    %scan3A_59 = arith.addi %scan3A_57, %scan3A_58 : i32
    %scan3A_60 = arith.constant 1 : i32
    %scan3A_61 = scf.for %scan3A_118 = %scan3A_57 to %scan3A_59 step %scan3A_60 iter_args(%scan3A_119 = %scan3A_56) -> (i32)  : i32 {
      %iota3A = tpu.iota {dimensions = array<i32: 0>} : vector<16xi32>
      %mul3A_120 = arith.constant 16 : i32
      %mul3A_121 = arith.muli %scan3A_118, %mul3A_120 : i32
      %add3A_122 = vector.broadcast %mul3A_121 : i32 to vector<16xi32>
      %add3A_123 = arith.addi %iota3A, %add3A_122 : vector<16xi32>
      %mul3A_124 = arith.constant 32 : i32
      %mul3A_125 = vector.broadcast %mul3A_124 : i32 to vector<16xi32>
      %mul3A_126 = arith.muli %add3A_123, %mul3A_125 : vector<16xi32>
      %add3A_127 = vector.broadcast %add3A_55 : i32 to vector<16xi32>
      %add3A_128 = arith.addi %mul3A_126, %add3A_127 : vector<16xi32>
      %gather3A = tpu.vector_load_idx %arg6[%add3A_128] : memref<65536xi32, #tpu.memory_space<vmem>>[vector<16xi32>], vector<16xi32>,
      %add3A_129 = arith.constant 0 : i32
      %add3A_130 = vector.broadcast %add3A_129 : i32 to vector<16xi32>
      %add3A_131 = arith.addi %gather3A, %add3A_130 : vector<16xi32>
      %gather3A_132 = tpu.vector_load_idx %arg5[%add3A_131] : memref<6144xf32, #tpu.memory_space<vmem>>[vector<16xi32>], vector<16xf32>,
      %mul3A_133 = arith.constant 16 : i32
      %mul3A_134 = arith.muli %scan3A_118, %mul3A_133 : i32
      %add3A_135 = arith.constant 0 : i32
      %add3A_136 = arith.addi %add3A_135, %mul3A_134 : i32
      %get3A = arith.index_cast %add3A_136 : i32 to index
      %get3A_137 = tpu.vector_load %arg5[%get3A] {strides = array<i32>} : memref<6144xf32, #tpu.memory_space<vmem>>, vector<16xf32>,
      %sub3A_138 = arith.subf %gather3A_132, %get3A_137 : vector<16xf32>
      %mul3A_139 = arith.constant 16 : i32
      %mul3A_140 = arith.muli %scan3A_118, %mul3A_139 : i32
      %add3A_141 = arith.constant 0 : i32
      %add3A_142 = arith.addi %add3A_141, %mul3A_140 : i32
      %swap3A = arith.index_cast %add3A_142 : i32 to index
      %swap3A_143 = tpu.vector_load %arg7[%swap3A] {strides = array<i32>} : memref<6144xf32, #tpu.memory_space<vmem>>, vector<16xf32>,
      tpu.vector_store %arg7[%swap3A], %sub3A_138 {strides = array<i32>} : memref<6144xf32, #tpu.memory_space<vmem>>, vector<16xf32>,
      %add3A_144 = arith.constant 2048 : i32
      %add3A_145 = vector.broadcast %add3A_144 : i32 to vector<16xi32>
      %add3A_146 = arith.addi %gather3A, %add3A_145 : vector<16xi32>
      %gather3A_147 = tpu.vector_load_idx %arg5[%add3A_146] : memref<6144xf32, #tpu.memory_space<vmem>>[vector<16xi32>], vector<16xf32>,
      %mul3A_148 = arith.constant 16 : i32
      %mul3A_149 = arith.muli %scan3A_118, %mul3A_148 : i32
      %add3A_150 = arith.constant 2048 : i32
      %add3A_151 = arith.addi %add3A_150, %mul3A_149 : i32
      %get3A_152 = arith.index_cast %add3A_151 : i32 to index
      %get3A_153 = tpu.vector_load %arg5[%get3A_152] {strides = array<i32>} : memref<6144xf32, #tpu.memory_space<vmem>>, vector<16xf32>,
      %sub3A_154 = arith.subf %gather3A_147, %get3A_153 : vector<16xf32>
      %mul3A_155 = arith.constant 16 : i32
      %mul3A_156 = arith.muli %scan3A_118, %mul3A_155 : i32
      %add3A_157 = arith.constant 2048 : i32
      %add3A_158 = arith.addi %add3A_157, %mul3A_156 : i32
      %swap3A_159 = arith.index_cast %add3A_158 : i32 to index
      %swap3A_160 = tpu.vector_load %arg7[%swap3A_159] {strides = array<i32>} : memref<6144xf32, #tpu.memory_space<vmem>>, vector<16xf32>,
      tpu.vector_store %arg7[%swap3A_159], %sub3A_154 {strides = array<i32>} : memref<6144xf32, #tpu.memory_space<vmem>>, vector<16xf32>,
      %add3A_161 = arith.constant 4096 : i32
      %add3A_162 = vector.broadcast %add3A_161 : i32 to vector<16xi32>
      %add3A_163 = arith.addi %gather3A, %add3A_162 : vector<16xi32>
      %gather3A_164 = tpu.vector_load_idx %arg5[%add3A_163] : memref<6144xf32, #tpu.memory_space<vmem>>[vector<16xi32>], vector<16xf32>,
      %mul3A_165 = arith.constant 16 : i32
      %mul3A_166 = arith.muli %scan3A_118, %mul3A_165 : i32
      %add3A_167 = arith.constant 4096 : i32
      %add3A_168 = arith.addi %add3A_167, %mul3A_166 : i32
      %get3A_169 = arith.index_cast %add3A_168 : i32 to index
      %get3A_170 = tpu.vector_load %arg5[%get3A_169] {strides = array<i32>} : memref<6144xf32, #tpu.memory_space<vmem>>, vector<16xf32>,
      %sub3A_171 = arith.subf %gather3A_164, %get3A_170 : vector<16xf32>
      %mul3A_172 = arith.constant 16 : i32
      %mul3A_173 = arith.muli %scan3A_118, %mul3A_172 : i32
      %add3A_174 = arith.constant 4096 : i32
      %add3A_175 = arith.addi %add3A_174, %mul3A_173 : i32
      %swap3A_176 = arith.index_cast %add3A_175 : i32 to index
      %swap3A_177 = tpu.vector_load %arg7[%swap3A_176] {strides = array<i32>} : memref<6144xf32, #tpu.memory_space<vmem>>, vector<16xf32>,
      tpu.vector_store %arg7[%swap3A_176], %sub3A_171 {strides = array<i32>} : memref<6144xf32, #tpu.memory_space<vmem>>, vector<16xf32>,
      %scan3A_178 = arith.constant 0 : i32
      scf.yield %scan3A_178 : i32
    }
    %scan3A_62 = arith.constant 128 : i32
    "tpu.region"() ({
      %run_scoped3A = tpu.sem_alloc : memref<!tpu.dma_semaphore, #tpu.memory_space<semaphore_mem>>
      %dma_start3A = arith.constant 0 : i32
      %dma_start3A_118 = tpu.memref_slice %arg4[%select_n3A, %add3A_55, %dma_start3A] : memref<8x32x6144xf32, #tpu.memory_space<hbm>> -> memref<1x1x6144xf32, #tpu.memory_space<hbm>>
      %dma_start3A_119 = tpu.memref_squeeze %dma_start3A_118 : memref<1x1x6144xf32, #tpu.memory_space<hbm>> -> memref<6144xf32, #tpu.memory_space<hbm>>
      %dma_start3A_120 = arith.constant 0 : i32
      %dma_start3A_121 = tpu.memref_slice %arg4[%select_n3A, %add3A_55, %dma_start3A_120] : memref<8x32x6144xf32, #tpu.memory_space<hbm>> -> memref<1x1x6144xf32, #tpu.memory_space<hbm>>
      %dma_start3A_122 = tpu.memref_squeeze %dma_start3A_121 : memref<1x1x6144xf32, #tpu.memory_space<hbm>> -> memref<6144xf32, #tpu.memory_space<hbm>>
      tpu.enqueue_dma source(%arg7 : memref<6144xf32, #tpu.memory_space<vmem>>) target(%dma_start3A_122 : memref<6144xf32, #tpu.memory_space<hbm>>) target_semaphore(%run_scoped3A : memref<!tpu.dma_semaphore, #tpu.memory_space<semaphore_mem>>)
      %dma_wait3A = arith.constant 0 : i32
      %dma_wait3A_123 = tpu.memref_slice %arg4[%select_n3A, %add3A_55, %dma_wait3A] : memref<8x32x6144xf32, #tpu.memory_space<hbm>> -> memref<1x1x6144xf32, #tpu.memory_space<hbm>>
      %dma_wait3A_124 = tpu.memref_squeeze %dma_wait3A_123 : memref<1x1x6144xf32, #tpu.memory_space<hbm>> -> memref<6144xf32, #tpu.memory_space<hbm>>
      %dma_wait3A_125 = arith.constant 0 : i32
      %dma_wait3A_126 = tpu.memref_slice %arg4[%select_n3A, %add3A_55, %dma_wait3A_125] : memref<8x32x6144xf32, #tpu.memory_space<hbm>> -> memref<1x1x6144xf32, #tpu.memory_space<hbm>>
      %dma_wait3A_127 = tpu.memref_squeeze %dma_wait3A_126 : memref<1x1x6144xf32, #tpu.memory_space<hbm>> -> memref<6144xf32, #tpu.memory_space<hbm>>
      tpu.wait_dma2 semaphore(%run_scoped3A : memref<!tpu.dma_semaphore, #tpu.memory_space<semaphore_mem>>) src(%arg7 : memref<6144xf32, #tpu.memory_space<vmem>>) dst(%dma_wait3A_127 : memref<6144xf32, #tpu.memory_space<hbm>>)
      tpu.yield
    }) : () -> ()
    %mul3A_63 = arith.constant 8 : i32
    %mul3A_64 = arith.muli %select_n3A_30, %mul3A_63 : i32
    %add3A_65 = arith.constant 3 : i32
    %add3A_66 = arith.addi %mul3A_64, %add3A_65 : i32
    %scan3A_67 = arith.constant 0 : i32
    %scan3A_68 = arith.constant 0 : i32
    %scan3A_69 = arith.constant 128 : i32
    %scan3A_70 = arith.addi %scan3A_68, %scan3A_69 : i32
    %scan3A_71 = arith.constant 1 : i32
    %scan3A_72 = scf.for %scan3A_118 = %scan3A_68 to %scan3A_70 step %scan3A_71 iter_args(%scan3A_119 = %scan3A_67) -> (i32)  : i32 {
      %iota3A = tpu.iota {dimensions = array<i32: 0>} : vector<16xi32>
      %mul3A_120 = arith.constant 16 : i32
      %mul3A_121 = arith.muli %scan3A_118, %mul3A_120 : i32
      %add3A_122 = vector.broadcast %mul3A_121 : i32 to vector<16xi32>
      %add3A_123 = arith.addi %iota3A, %add3A_122 : vector<16xi32>
      %mul3A_124 = arith.constant 32 : i32
      %mul3A_125 = vector.broadcast %mul3A_124 : i32 to vector<16xi32>
      %mul3A_126 = arith.muli %add3A_123, %mul3A_125 : vector<16xi32>
      %add3A_127 = vector.broadcast %add3A_66 : i32 to vector<16xi32>
      %add3A_128 = arith.addi %mul3A_126, %add3A_127 : vector<16xi32>
      %gather3A = tpu.vector_load_idx %arg6[%add3A_128] : memref<65536xi32, #tpu.memory_space<vmem>>[vector<16xi32>], vector<16xi32>,
      %add3A_129 = arith.constant 0 : i32
      %add3A_130 = vector.broadcast %add3A_129 : i32 to vector<16xi32>
      %add3A_131 = arith.addi %gather3A, %add3A_130 : vector<16xi32>
      %gather3A_132 = tpu.vector_load_idx %arg5[%add3A_131] : memref<6144xf32, #tpu.memory_space<vmem>>[vector<16xi32>], vector<16xf32>,
      %mul3A_133 = arith.constant 16 : i32
      %mul3A_134 = arith.muli %scan3A_118, %mul3A_133 : i32
      %add3A_135 = arith.constant 0 : i32
      %add3A_136 = arith.addi %add3A_135, %mul3A_134 : i32
      %get3A = arith.index_cast %add3A_136 : i32 to index
      %get3A_137 = tpu.vector_load %arg5[%get3A] {strides = array<i32>} : memref<6144xf32, #tpu.memory_space<vmem>>, vector<16xf32>,
      %sub3A_138 = arith.subf %gather3A_132, %get3A_137 : vector<16xf32>
      %mul3A_139 = arith.constant 16 : i32
      %mul3A_140 = arith.muli %scan3A_118, %mul3A_139 : i32
      %add3A_141 = arith.constant 0 : i32
      %add3A_142 = arith.addi %add3A_141, %mul3A_140 : i32
      %swap3A = arith.index_cast %add3A_142 : i32 to index
      %swap3A_143 = tpu.vector_load %arg7[%swap3A] {strides = array<i32>} : memref<6144xf32, #tpu.memory_space<vmem>>, vector<16xf32>,
      tpu.vector_store %arg7[%swap3A], %sub3A_138 {strides = array<i32>} : memref<6144xf32, #tpu.memory_space<vmem>>, vector<16xf32>,
      %add3A_144 = arith.constant 2048 : i32
      %add3A_145 = vector.broadcast %add3A_144 : i32 to vector<16xi32>
      %add3A_146 = arith.addi %gather3A, %add3A_145 : vector<16xi32>
      %gather3A_147 = tpu.vector_load_idx %arg5[%add3A_146] : memref<6144xf32, #tpu.memory_space<vmem>>[vector<16xi32>], vector<16xf32>,
      %mul3A_148 = arith.constant 16 : i32
      %mul3A_149 = arith.muli %scan3A_118, %mul3A_148 : i32
      %add3A_150 = arith.constant 2048 : i32
      %add3A_151 = arith.addi %add3A_150, %mul3A_149 : i32
      %get3A_152 = arith.index_cast %add3A_151 : i32 to index
      %get3A_153 = tpu.vector_load %arg5[%get3A_152] {strides = array<i32>} : memref<6144xf32, #tpu.memory_space<vmem>>, vector<16xf32>,
      %sub3A_154 = arith.subf %gather3A_147, %get3A_153 : vector<16xf32>
      %mul3A_155 = arith.constant 16 : i32
      %mul3A_156 = arith.muli %scan3A_118, %mul3A_155 : i32
      %add3A_157 = arith.constant 2048 : i32
      %add3A_158 = arith.addi %add3A_157, %mul3A_156 : i32
      %swap3A_159 = arith.index_cast %add3A_158 : i32 to index
      %swap3A_160 = tpu.vector_load %arg7[%swap3A_159] {strides = array<i32>} : memref<6144xf32, #tpu.memory_space<vmem>>, vector<16xf32>,
      tpu.vector_store %arg7[%swap3A_159], %sub3A_154 {strides = array<i32>} : memref<6144xf32, #tpu.memory_space<vmem>>, vector<16xf32>,
      %add3A_161 = arith.constant 4096 : i32
      %add3A_162 = vector.broadcast %add3A_161 : i32 to vector<16xi32>
      %add3A_163 = arith.addi %gather3A, %add3A_162 : vector<16xi32>
      %gather3A_164 = tpu.vector_load_idx %arg5[%add3A_163] : memref<6144xf32, #tpu.memory_space<vmem>>[vector<16xi32>], vector<16xf32>,
      %mul3A_165 = arith.constant 16 : i32
      %mul3A_166 = arith.muli %scan3A_118, %mul3A_165 : i32
      %add3A_167 = arith.constant 4096 : i32
      %add3A_168 = arith.addi %add3A_167, %mul3A_166 : i32
      %get3A_169 = arith.index_cast %add3A_168 : i32 to index
      %get3A_170 = tpu.vector_load %arg5[%get3A_169] {strides = array<i32>} : memref<6144xf32, #tpu.memory_space<vmem>>, vector<16xf32>,
      %sub3A_171 = arith.subf %gather3A_164, %get3A_170 : vector<16xf32>
      %mul3A_172 = arith.constant 16 : i32
      %mul3A_173 = arith.muli %scan3A_118, %mul3A_172 : i32
      %add3A_174 = arith.constant 4096 : i32
      %add3A_175 = arith.addi %add3A_174, %mul3A_173 : i32
      %swap3A_176 = arith.index_cast %add3A_175 : i32 to index
      %swap3A_177 = tpu.vector_load %arg7[%swap3A_176] {strides = array<i32>} : memref<6144xf32, #tpu.memory_space<vmem>>, vector<16xf32>,
      tpu.vector_store %arg7[%swap3A_176], %sub3A_171 {strides = array<i32>} : memref<6144xf32, #tpu.memory_space<vmem>>, vector<16xf32>,
      %scan3A_178 = arith.constant 0 : i32
      scf.yield %scan3A_178 : i32
    }
    %scan3A_73 = arith.constant 128 : i32
    "tpu.region"() ({
      %run_scoped3A = tpu.sem_alloc : memref<!tpu.dma_semaphore, #tpu.memory_space<semaphore_mem>>
      %dma_start3A = arith.constant 0 : i32
      %dma_start3A_118 = tpu.memref_slice %arg4[%select_n3A, %add3A_66, %dma_start3A] : memref<8x32x6144xf32, #tpu.memory_space<hbm>> -> memref<1x1x6144xf32, #tpu.memory_space<hbm>>
      %dma_start3A_119 = tpu.memref_squeeze %dma_start3A_118 : memref<1x1x6144xf32, #tpu.memory_space<hbm>> -> memref<6144xf32, #tpu.memory_space<hbm>>
      %dma_start3A_120 = arith.constant 0 : i32
      %dma_start3A_121 = tpu.memref_slice %arg4[%select_n3A, %add3A_66, %dma_start3A_120] : memref<8x32x6144xf32, #tpu.memory_space<hbm>> -> memref<1x1x6144xf32, #tpu.memory_space<hbm>>
      %dma_start3A_122 = tpu.memref_squeeze %dma_start3A_121 : memref<1x1x6144xf32, #tpu.memory_space<hbm>> -> memref<6144xf32, #tpu.memory_space<hbm>>
      tpu.enqueue_dma source(%arg7 : memref<6144xf32, #tpu.memory_space<vmem>>) target(%dma_start3A_122 : memref<6144xf32, #tpu.memory_space<hbm>>) target_semaphore(%run_scoped3A : memref<!tpu.dma_semaphore, #tpu.memory_space<semaphore_mem>>)
      %dma_wait3A = arith.constant 0 : i32
      %dma_wait3A_123 = tpu.memref_slice %arg4[%select_n3A, %add3A_66, %dma_wait3A] : memref<8x32x6144xf32, #tpu.memory_space<hbm>> -> memref<1x1x6144xf32, #tpu.memory_space<hbm>>
      %dma_wait3A_124 = tpu.memref_squeeze %dma_wait3A_123 : memref<1x1x6144xf32, #tpu.memory_space<hbm>> -> memref<6144xf32, #tpu.memory_space<hbm>>
      %dma_wait3A_125 = arith.constant 0 : i32
      %dma_wait3A_126 = tpu.memref_slice %arg4[%select_n3A, %add3A_66, %dma_wait3A_125] : memref<8x32x6144xf32, #tpu.memory_space<hbm>> -> memref<1x1x6144xf32, #tpu.memory_space<hbm>>
      %dma_wait3A_127 = tpu.memref_squeeze %dma_wait3A_126 : memref<1x1x6144xf32, #tpu.memory_space<hbm>> -> memref<6144xf32, #tpu.memory_space<hbm>>
      tpu.wait_dma2 semaphore(%run_scoped3A : memref<!tpu.dma_semaphore, #tpu.memory_space<semaphore_mem>>) src(%arg7 : memref<6144xf32, #tpu.memory_space<vmem>>) dst(%dma_wait3A_127 : memref<6144xf32, #tpu.memory_space<hbm>>)
      tpu.yield
    }) : () -> ()
    %mul3A_74 = arith.constant 8 : i32
    %mul3A_75 = arith.muli %select_n3A_30, %mul3A_74 : i32
    %add3A_76 = arith.constant 4 : i32
    %add3A_77 = arith.addi %mul3A_75, %add3A_76 : i32
    %scan3A_78 = arith.constant 0 : i32
    %scan3A_79 = arith.constant 0 : i32
    %scan3A_80 = arith.constant 128 : i32
    %scan3A_81 = arith.addi %scan3A_79, %scan3A_80 : i32
    %scan3A_82 = arith.constant 1 : i32
    %scan3A_83 = scf.for %scan3A_118 = %scan3A_79 to %scan3A_81 step %scan3A_82 iter_args(%scan3A_119 = %scan3A_78) -> (i32)  : i32 {
      %iota3A = tpu.iota {dimensions = array<i32: 0>} : vector<16xi32>
      %mul3A_120 = arith.constant 16 : i32
      %mul3A_121 = arith.muli %scan3A_118, %mul3A_120 : i32
      %add3A_122 = vector.broadcast %mul3A_121 : i32 to vector<16xi32>
      %add3A_123 = arith.addi %iota3A, %add3A_122 : vector<16xi32>
      %mul3A_124 = arith.constant 32 : i32
      %mul3A_125 = vector.broadcast %mul3A_124 : i32 to vector<16xi32>
      %mul3A_126 = arith.muli %add3A_123, %mul3A_125 : vector<16xi32>
      %add3A_127 = vector.broadcast %add3A_77 : i32 to vector<16xi32>
      %add3A_128 = arith.addi %mul3A_126, %add3A_127 : vector<16xi32>
      %gather3A = tpu.vector_load_idx %arg6[%add3A_128] : memref<65536xi32, #tpu.memory_space<vmem>>[vector<16xi32>], vector<16xi32>,
      %add3A_129 = arith.constant 0 : i32
      %add3A_130 = vector.broadcast %add3A_129 : i32 to vector<16xi32>
      %add3A_131 = arith.addi %gather3A, %add3A_130 : vector<16xi32>
      %gather3A_132 = tpu.vector_load_idx %arg5[%add3A_131] : memref<6144xf32, #tpu.memory_space<vmem>>[vector<16xi32>], vector<16xf32>,
      %mul3A_133 = arith.constant 16 : i32
      %mul3A_134 = arith.muli %scan3A_118, %mul3A_133 : i32
      %add3A_135 = arith.constant 0 : i32
      %add3A_136 = arith.addi %add3A_135, %mul3A_134 : i32
      %get3A = arith.index_cast %add3A_136 : i32 to index
      %get3A_137 = tpu.vector_load %arg5[%get3A] {strides = array<i32>} : memref<6144xf32, #tpu.memory_space<vmem>>, vector<16xf32>,
      %sub3A_138 = arith.subf %gather3A_132, %get3A_137 : vector<16xf32>
      %mul3A_139 = arith.constant 16 : i32
      %mul3A_140 = arith.muli %scan3A_118, %mul3A_139 : i32
      %add3A_141 = arith.constant 0 : i32
      %add3A_142 = arith.addi %add3A_141, %mul3A_140 : i32
      %swap3A = arith.index_cast %add3A_142 : i32 to index
      %swap3A_143 = tpu.vector_load %arg7[%swap3A] {strides = array<i32>} : memref<6144xf32, #tpu.memory_space<vmem>>, vector<16xf32>,
      tpu.vector_store %arg7[%swap3A], %sub3A_138 {strides = array<i32>} : memref<6144xf32, #tpu.memory_space<vmem>>, vector<16xf32>,
      %add3A_144 = arith.constant 2048 : i32
      %add3A_145 = vector.broadcast %add3A_144 : i32 to vector<16xi32>
      %add3A_146 = arith.addi %gather3A, %add3A_145 : vector<16xi32>
      %gather3A_147 = tpu.vector_load_idx %arg5[%add3A_146] : memref<6144xf32, #tpu.memory_space<vmem>>[vector<16xi32>], vector<16xf32>,
      %mul3A_148 = arith.constant 16 : i32
      %mul3A_149 = arith.muli %scan3A_118, %mul3A_148 : i32
      %add3A_150 = arith.constant 2048 : i32
      %add3A_151 = arith.addi %add3A_150, %mul3A_149 : i32
      %get3A_152 = arith.index_cast %add3A_151 : i32 to index
      %get3A_153 = tpu.vector_load %arg5[%get3A_152] {strides = array<i32>} : memref<6144xf32, #tpu.memory_space<vmem>>, vector<16xf32>,
      %sub3A_154 = arith.subf %gather3A_147, %get3A_153 : vector<16xf32>
      %mul3A_155 = arith.constant 16 : i32
      %mul3A_156 = arith.muli %scan3A_118, %mul3A_155 : i32
      %add3A_157 = arith.constant 2048 : i32
      %add3A_158 = arith.addi %add3A_157, %mul3A_156 : i32
      %swap3A_159 = arith.index_cast %add3A_158 : i32 to index
      %swap3A_160 = tpu.vector_load %arg7[%swap3A_159] {strides = array<i32>} : memref<6144xf32, #tpu.memory_space<vmem>>, vector<16xf32>,
      tpu.vector_store %arg7[%swap3A_159], %sub3A_154 {strides = array<i32>} : memref<6144xf32, #tpu.memory_space<vmem>>, vector<16xf32>,
      %add3A_161 = arith.constant 4096 : i32
      %add3A_162 = vector.broadcast %add3A_161 : i32 to vector<16xi32>
      %add3A_163 = arith.addi %gather3A, %add3A_162 : vector<16xi32>
      %gather3A_164 = tpu.vector_load_idx %arg5[%add3A_163] : memref<6144xf32, #tpu.memory_space<vmem>>[vector<16xi32>], vector<16xf32>,
      %mul3A_165 = arith.constant 16 : i32
      %mul3A_166 = arith.muli %scan3A_118, %mul3A_165 : i32
      %add3A_167 = arith.constant 4096 : i32
      %add3A_168 = arith.addi %add3A_167, %mul3A_166 : i32
      %get3A_169 = arith.index_cast %add3A_168 : i32 to index
      %get3A_170 = tpu.vector_load %arg5[%get3A_169] {strides = array<i32>} : memref<6144xf32, #tpu.memory_space<vmem>>, vector<16xf32>,
      %sub3A_171 = arith.subf %gather3A_164, %get3A_170 : vector<16xf32>
      %mul3A_172 = arith.constant 16 : i32
      %mul3A_173 = arith.muli %scan3A_118, %mul3A_172 : i32
      %add3A_174 = arith.constant 4096 : i32
      %add3A_175 = arith.addi %add3A_174, %mul3A_173 : i32
      %swap3A_176 = arith.index_cast %add3A_175 : i32 to index
      %swap3A_177 = tpu.vector_load %arg7[%swap3A_176] {strides = array<i32>} : memref<6144xf32, #tpu.memory_space<vmem>>, vector<16xf32>,
      tpu.vector_store %arg7[%swap3A_176], %sub3A_171 {strides = array<i32>} : memref<6144xf32, #tpu.memory_space<vmem>>, vector<16xf32>,
      %scan3A_178 = arith.constant 0 : i32
      scf.yield %scan3A_178 : i32
    }
    %scan3A_84 = arith.constant 128 : i32
    "tpu.region"() ({
      %run_scoped3A = tpu.sem_alloc : memref<!tpu.dma_semaphore, #tpu.memory_space<semaphore_mem>>
      %dma_start3A = arith.constant 0 : i32
      %dma_start3A_118 = tpu.memref_slice %arg4[%select_n3A, %add3A_77, %dma_start3A] : memref<8x32x6144xf32, #tpu.memory_space<hbm>> -> memref<1x1x6144xf32, #tpu.memory_space<hbm>>
      %dma_start3A_119 = tpu.memref_squeeze %dma_start3A_118 : memref<1x1x6144xf32, #tpu.memory_space<hbm>> -> memref<6144xf32, #tpu.memory_space<hbm>>
      %dma_start3A_120 = arith.constant 0 : i32
      %dma_start3A_121 = tpu.memref_slice %arg4[%select_n3A, %add3A_77, %dma_start3A_120] : memref<8x32x6144xf32, #tpu.memory_space<hbm>> -> memref<1x1x6144xf32, #tpu.memory_space<hbm>>
      %dma_start3A_122 = tpu.memref_squeeze %dma_start3A_121 : memref<1x1x6144xf32, #tpu.memory_space<hbm>> -> memref<6144xf32, #tpu.memory_space<hbm>>
      tpu.enqueue_dma source(%arg7 : memref<6144xf32, #tpu.memory_space<vmem>>) target(%dma_start3A_122 : memref<6144xf32, #tpu.memory_space<hbm>>) target_semaphore(%run_scoped3A : memref<!tpu.dma_semaphore, #tpu.memory_space<semaphore_mem>>)
      %dma_wait3A = arith.constant 0 : i32
      %dma_wait3A_123 = tpu.memref_slice %arg4[%select_n3A, %add3A_77, %dma_wait3A] : memref<8x32x6144xf32, #tpu.memory_space<hbm>> -> memref<1x1x6144xf32, #tpu.memory_space<hbm>>
      %dma_wait3A_124 = tpu.memref_squeeze %dma_wait3A_123 : memref<1x1x6144xf32, #tpu.memory_space<hbm>> -> memref<6144xf32, #tpu.memory_space<hbm>>
      %dma_wait3A_125 = arith.constant 0 : i32
      %dma_wait3A_126 = tpu.memref_slice %arg4[%select_n3A, %add3A_77, %dma_wait3A_125] : memref<8x32x6144xf32, #tpu.memory_space<hbm>> -> memref<1x1x6144xf32, #tpu.memory_space<hbm>>
      %dma_wait3A_127 = tpu.memref_squeeze %dma_wait3A_126 : memref<1x1x6144xf32, #tpu.memory_space<hbm>> -> memref<6144xf32, #tpu.memory_space<hbm>>
      tpu.wait_dma2 semaphore(%run_scoped3A : memref<!tpu.dma_semaphore, #tpu.memory_space<semaphore_mem>>) src(%arg7 : memref<6144xf32, #tpu.memory_space<vmem>>) dst(%dma_wait3A_127 : memref<6144xf32, #tpu.memory_space<hbm>>)
      tpu.yield
    }) : () -> ()
    %mul3A_85 = arith.constant 8 : i32
    %mul3A_86 = arith.muli %select_n3A_30, %mul3A_85 : i32
    %add3A_87 = arith.constant 5 : i32
    %add3A_88 = arith.addi %mul3A_86, %add3A_87 : i32
    %scan3A_89 = arith.constant 0 : i32
    %scan3A_90 = arith.constant 0 : i32
    %scan3A_91 = arith.constant 128 : i32
    %scan3A_92 = arith.addi %scan3A_90, %scan3A_91 : i32
    %scan3A_93 = arith.constant 1 : i32
    %scan3A_94 = scf.for %scan3A_118 = %scan3A_90 to %scan3A_92 step %scan3A_93 iter_args(%scan3A_119 = %scan3A_89) -> (i32)  : i32 {
      %iota3A = tpu.iota {dimensions = array<i32: 0>} : vector<16xi32>
      %mul3A_120 = arith.constant 16 : i32
      %mul3A_121 = arith.muli %scan3A_118, %mul3A_120 : i32
      %add3A_122 = vector.broadcast %mul3A_121 : i32 to vector<16xi32>
      %add3A_123 = arith.addi %iota3A, %add3A_122 : vector<16xi32>
      %mul3A_124 = arith.constant 32 : i32
      %mul3A_125 = vector.broadcast %mul3A_124 : i32 to vector<16xi32>
      %mul3A_126 = arith.muli %add3A_123, %mul3A_125 : vector<16xi32>
      %add3A_127 = vector.broadcast %add3A_88 : i32 to vector<16xi32>
      %add3A_128 = arith.addi %mul3A_126, %add3A_127 : vector<16xi32>
      %gather3A = tpu.vector_load_idx %arg6[%add3A_128] : memref<65536xi32, #tpu.memory_space<vmem>>[vector<16xi32>], vector<16xi32>,
      %add3A_129 = arith.constant 0 : i32
      %add3A_130 = vector.broadcast %add3A_129 : i32 to vector<16xi32>
      %add3A_131 = arith.addi %gather3A, %add3A_130 : vector<16xi32>
      %gather3A_132 = tpu.vector_load_idx %arg5[%add3A_131] : memref<6144xf32, #tpu.memory_space<vmem>>[vector<16xi32>], vector<16xf32>,
      %mul3A_133 = arith.constant 16 : i32
      %mul3A_134 = arith.muli %scan3A_118, %mul3A_133 : i32
      %add3A_135 = arith.constant 0 : i32
      %add3A_136 = arith.addi %add3A_135, %mul3A_134 : i32
      %get3A = arith.index_cast %add3A_136 : i32 to index
      %get3A_137 = tpu.vector_load %arg5[%get3A] {strides = array<i32>} : memref<6144xf32, #tpu.memory_space<vmem>>, vector<16xf32>,
      %sub3A_138 = arith.subf %gather3A_132, %get3A_137 : vector<16xf32>
      %mul3A_139 = arith.constant 16 : i32
      %mul3A_140 = arith.muli %scan3A_118, %mul3A_139 : i32
      %add3A_141 = arith.constant 0 : i32
      %add3A_142 = arith.addi %add3A_141, %mul3A_140 : i32
      %swap3A = arith.index_cast %add3A_142 : i32 to index
      %swap3A_143 = tpu.vector_load %arg7[%swap3A] {strides = array<i32>} : memref<6144xf32, #tpu.memory_space<vmem>>, vector<16xf32>,
      tpu.vector_store %arg7[%swap3A], %sub3A_138 {strides = array<i32>} : memref<6144xf32, #tpu.memory_space<vmem>>, vector<16xf32>,
      %add3A_144 = arith.constant 2048 : i32
      %add3A_145 = vector.broadcast %add3A_144 : i32 to vector<16xi32>
      %add3A_146 = arith.addi %gather3A, %add3A_145 : vector<16xi32>
      %gather3A_147 = tpu.vector_load_idx %arg5[%add3A_146] : memref<6144xf32, #tpu.memory_space<vmem>>[vector<16xi32>], vector<16xf32>,
      %mul3A_148 = arith.constant 16 : i32
      %mul3A_149 = arith.muli %scan3A_118, %mul3A_148 : i32
      %add3A_150 = arith.constant 2048 : i32
      %add3A_151 = arith.addi %add3A_150, %mul3A_149 : i32
      %get3A_152 = arith.index_cast %add3A_151 : i32 to index
      %get3A_153 = tpu.vector_load %arg5[%get3A_152] {strides = array<i32>} : memref<6144xf32, #tpu.memory_space<vmem>>, vector<16xf32>,
      %sub3A_154 = arith.subf %gather3A_147, %get3A_153 : vector<16xf32>
      %mul3A_155 = arith.constant 16 : i32
      %mul3A_156 = arith.muli %scan3A_118, %mul3A_155 : i32
      %add3A_157 = arith.constant 2048 : i32
      %add3A_158 = arith.addi %add3A_157, %mul3A_156 : i32
      %swap3A_159 = arith.index_cast %add3A_158 : i32 to index
      %swap3A_160 = tpu.vector_load %arg7[%swap3A_159] {strides = array<i32>} : memref<6144xf32, #tpu.memory_space<vmem>>, vector<16xf32>,
      tpu.vector_store %arg7[%swap3A_159], %sub3A_154 {strides = array<i32>} : memref<6144xf32, #tpu.memory_space<vmem>>, vector<16xf32>,
      %add3A_161 = arith.constant 4096 : i32
      %add3A_162 = vector.broadcast %add3A_161 : i32 to vector<16xi32>
      %add3A_163 = arith.addi %gather3A, %add3A_162 : vector<16xi32>
      %gather3A_164 = tpu.vector_load_idx %arg5[%add3A_163] : memref<6144xf32, #tpu.memory_space<vmem>>[vector<16xi32>], vector<16xf32>,
      %mul3A_165 = arith.constant 16 : i32
      %mul3A_166 = arith.muli %scan3A_118, %mul3A_165 : i32
      %add3A_167 = arith.constant 4096 : i32
      %add3A_168 = arith.addi %add3A_167, %mul3A_166 : i32
      %get3A_169 = arith.index_cast %add3A_168 : i32 to index
      %get3A_170 = tpu.vector_load %arg5[%get3A_169] {strides = array<i32>} : memref<6144xf32, #tpu.memory_space<vmem>>, vector<16xf32>,
      %sub3A_171 = arith.subf %gather3A_164, %get3A_170 : vector<16xf32>
      %mul3A_172 = arith.constant 16 : i32
      %mul3A_173 = arith.muli %scan3A_118, %mul3A_172 : i32
      %add3A_174 = arith.constant 4096 : i32
      %add3A_175 = arith.addi %add3A_174, %mul3A_173 : i32
      %swap3A_176 = arith.index_cast %add3A_175 : i32 to index
      %swap3A_177 = tpu.vector_load %arg7[%swap3A_176] {strides = array<i32>} : memref<6144xf32, #tpu.memory_space<vmem>>, vector<16xf32>,
      tpu.vector_store %arg7[%swap3A_176], %sub3A_171 {strides = array<i32>} : memref<6144xf32, #tpu.memory_space<vmem>>, vector<16xf32>,
      %scan3A_178 = arith.constant 0 : i32
      scf.yield %scan3A_178 : i32
    }
    %scan3A_95 = arith.constant 128 : i32
    "tpu.region"() ({
      %run_scoped3A = tpu.sem_alloc : memref<!tpu.dma_semaphore, #tpu.memory_space<semaphore_mem>>
      %dma_start3A = arith.constant 0 : i32
      %dma_start3A_118 = tpu.memref_slice %arg4[%select_n3A, %add3A_88, %dma_start3A] : memref<8x32x6144xf32, #tpu.memory_space<hbm>> -> memref<1x1x6144xf32, #tpu.memory_space<hbm>>
      %dma_start3A_119 = tpu.memref_squeeze %dma_start3A_118 : memref<1x1x6144xf32, #tpu.memory_space<hbm>> -> memref<6144xf32, #tpu.memory_space<hbm>>
      %dma_start3A_120 = arith.constant 0 : i32
      %dma_start3A_121 = tpu.memref_slice %arg4[%select_n3A, %add3A_88, %dma_start3A_120] : memref<8x32x6144xf32, #tpu.memory_space<hbm>> -> memref<1x1x6144xf32, #tpu.memory_space<hbm>>
      %dma_start3A_122 = tpu.memref_squeeze %dma_start3A_121 : memref<1x1x6144xf32, #tpu.memory_space<hbm>> -> memref<6144xf32, #tpu.memory_space<hbm>>
      tpu.enqueue_dma source(%arg7 : memref<6144xf32, #tpu.memory_space<vmem>>) target(%dma_start3A_122 : memref<6144xf32, #tpu.memory_space<hbm>>) target_semaphore(%run_scoped3A : memref<!tpu.dma_semaphore, #tpu.memory_space<semaphore_mem>>)
      %dma_wait3A = arith.constant 0 : i32
      %dma_wait3A_123 = tpu.memref_slice %arg4[%select_n3A, %add3A_88, %dma_wait3A] : memref<8x32x6144xf32, #tpu.memory_space<hbm>> -> memref<1x1x6144xf32, #tpu.memory_space<hbm>>
      %dma_wait3A_124 = tpu.memref_squeeze %dma_wait3A_123 : memref<1x1x6144xf32, #tpu.memory_space<hbm>> -> memref<6144xf32, #tpu.memory_space<hbm>>
      %dma_wait3A_125 = arith.constant 0 : i32
      %dma_wait3A_126 = tpu.memref_slice %arg4[%select_n3A, %add3A_88, %dma_wait3A_125] : memref<8x32x6144xf32, #tpu.memory_space<hbm>> -> memref<1x1x6144xf32, #tpu.memory_space<hbm>>
      %dma_wait3A_127 = tpu.memref_squeeze %dma_wait3A_126 : memref<1x1x6144xf32, #tpu.memory_space<hbm>> -> memref<6144xf32, #tpu.memory_space<hbm>>
      tpu.wait_dma2 semaphore(%run_scoped3A : memref<!tpu.dma_semaphore, #tpu.memory_space<semaphore_mem>>) src(%arg7 : memref<6144xf32, #tpu.memory_space<vmem>>) dst(%dma_wait3A_127 : memref<6144xf32, #tpu.memory_space<hbm>>)
      tpu.yield
    }) : () -> ()
    %mul3A_96 = arith.constant 8 : i32
    %mul3A_97 = arith.muli %select_n3A_30, %mul3A_96 : i32
    %add3A_98 = arith.constant 6 : i32
    %add3A_99 = arith.addi %mul3A_97, %add3A_98 : i32
    %scan3A_100 = arith.constant 0 : i32
    %scan3A_101 = arith.constant 0 : i32
    %scan3A_102 = arith.constant 128 : i32
    %scan3A_103 = arith.addi %scan3A_101, %scan3A_102 : i32
    %scan3A_104 = arith.constant 1 : i32
    %scan3A_105 = scf.for %scan3A_118 = %scan3A_101 to %scan3A_103 step %scan3A_104 iter_args(%scan3A_119 = %scan3A_100) -> (i32)  : i32 {
      %iota3A = tpu.iota {dimensions = array<i32: 0>} : vector<16xi32>
      %mul3A_120 = arith.constant 16 : i32
      %mul3A_121 = arith.muli %scan3A_118, %mul3A_120 : i32
      %add3A_122 = vector.broadcast %mul3A_121 : i32 to vector<16xi32>
      %add3A_123 = arith.addi %iota3A, %add3A_122 : vector<16xi32>
      %mul3A_124 = arith.constant 32 : i32
      %mul3A_125 = vector.broadcast %mul3A_124 : i32 to vector<16xi32>
      %mul3A_126 = arith.muli %add3A_123, %mul3A_125 : vector<16xi32>
      %add3A_127 = vector.broadcast %add3A_99 : i32 to vector<16xi32>
      %add3A_128 = arith.addi %mul3A_126, %add3A_127 : vector<16xi32>
      %gather3A = tpu.vector_load_idx %arg6[%add3A_128] : memref<65536xi32, #tpu.memory_space<vmem>>[vector<16xi32>], vector<16xi32>,
      %add3A_129 = arith.constant 0 : i32
      %add3A_130 = vector.broadcast %add3A_129 : i32 to vector<16xi32>
      %add3A_131 = arith.addi %gather3A, %add3A_130 : vector<16xi32>
      %gather3A_132 = tpu.vector_load_idx %arg5[%add3A_131] : memref<6144xf32, #tpu.memory_space<vmem>>[vector<16xi32>], vector<16xf32>,
      %mul3A_133 = arith.constant 16 : i32
      %mul3A_134 = arith.muli %scan3A_118, %mul3A_133 : i32
      %add3A_135 = arith.constant 0 : i32
      %add3A_136 = arith.addi %add3A_135, %mul3A_134 : i32
      %get3A = arith.index_cast %add3A_136 : i32 to index
      %get3A_137 = tpu.vector_load %arg5[%get3A] {strides = array<i32>} : memref<6144xf32, #tpu.memory_space<vmem>>, vector<16xf32>,
      %sub3A_138 = arith.subf %gather3A_132, %get3A_137 : vector<16xf32>
      %mul3A_139 = arith.constant 16 : i32
      %mul3A_140 = arith.muli %scan3A_118, %mul3A_139 : i32
      %add3A_141 = arith.constant 0 : i32
      %add3A_142 = arith.addi %add3A_141, %mul3A_140 : i32
      %swap3A = arith.index_cast %add3A_142 : i32 to index
      %swap3A_143 = tpu.vector_load %arg7[%swap3A] {strides = array<i32>} : memref<6144xf32, #tpu.memory_space<vmem>>, vector<16xf32>,
      tpu.vector_store %arg7[%swap3A], %sub3A_138 {strides = array<i32>} : memref<6144xf32, #tpu.memory_space<vmem>>, vector<16xf32>,
      %add3A_144 = arith.constant 2048 : i32
      %add3A_145 = vector.broadcast %add3A_144 : i32 to vector<16xi32>
      %add3A_146 = arith.addi %gather3A, %add3A_145 : vector<16xi32>
      %gather3A_147 = tpu.vector_load_idx %arg5[%add3A_146] : memref<6144xf32, #tpu.memory_space<vmem>>[vector<16xi32>], vector<16xf32>,
      %mul3A_148 = arith.constant 16 : i32
      %mul3A_149 = arith.muli %scan3A_118, %mul3A_148 : i32
      %add3A_150 = arith.constant 2048 : i32
      %add3A_151 = arith.addi %add3A_150, %mul3A_149 : i32
      %get3A_152 = arith.index_cast %add3A_151 : i32 to index
      %get3A_153 = tpu.vector_load %arg5[%get3A_152] {strides = array<i32>} : memref<6144xf32, #tpu.memory_space<vmem>>, vector<16xf32>,
      %sub3A_154 = arith.subf %gather3A_147, %get3A_153 : vector<16xf32>
      %mul3A_155 = arith.constant 16 : i32
      %mul3A_156 = arith.muli %scan3A_118, %mul3A_155 : i32
      %add3A_157 = arith.constant 2048 : i32
      %add3A_158 = arith.addi %add3A_157, %mul3A_156 : i32
      %swap3A_159 = arith.index_cast %add3A_158 : i32 to index
      %swap3A_160 = tpu.vector_load %arg7[%swap3A_159] {strides = array<i32>} : memref<6144xf32, #tpu.memory_space<vmem>>, vector<16xf32>,
      tpu.vector_store %arg7[%swap3A_159], %sub3A_154 {strides = array<i32>} : memref<6144xf32, #tpu.memory_space<vmem>>, vector<16xf32>,
      %add3A_161 = arith.constant 4096 : i32
      %add3A_162 = vector.broadcast %add3A_161 : i32 to vector<16xi32>
      %add3A_163 = arith.addi %gather3A, %add3A_162 : vector<16xi32>
      %gather3A_164 = tpu.vector_load_idx %arg5[%add3A_163] : memref<6144xf32, #tpu.memory_space<vmem>>[vector<16xi32>], vector<16xf32>,
      %mul3A_165 = arith.constant 16 : i32
      %mul3A_166 = arith.muli %scan3A_118, %mul3A_165 : i32
      %add3A_167 = arith.constant 4096 : i32
      %add3A_168 = arith.addi %add3A_167, %mul3A_166 : i32
      %get3A_169 = arith.index_cast %add3A_168 : i32 to index
      %get3A_170 = tpu.vector_load %arg5[%get3A_169] {strides = array<i32>} : memref<6144xf32, #tpu.memory_space<vmem>>, vector<16xf32>,
      %sub3A_171 = arith.subf %gather3A_164, %get3A_170 : vector<16xf32>
      %mul3A_172 = arith.constant 16 : i32
      %mul3A_173 = arith.muli %scan3A_118, %mul3A_172 : i32
      %add3A_174 = arith.constant 4096 : i32
      %add3A_175 = arith.addi %add3A_174, %mul3A_173 : i32
      %swap3A_176 = arith.index_cast %add3A_175 : i32 to index
      %swap3A_177 = tpu.vector_load %arg7[%swap3A_176] {strides = array<i32>} : memref<6144xf32, #tpu.memory_space<vmem>>, vector<16xf32>,
      tpu.vector_store %arg7[%swap3A_176], %sub3A_171 {strides = array<i32>} : memref<6144xf32, #tpu.memory_space<vmem>>, vector<16xf32>,
      %scan3A_178 = arith.constant 0 : i32
      scf.yield %scan3A_178 : i32
    }
    %scan3A_106 = arith.constant 128 : i32
    "tpu.region"() ({
      %run_scoped3A = tpu.sem_alloc : memref<!tpu.dma_semaphore, #tpu.memory_space<semaphore_mem>>
      %dma_start3A = arith.constant 0 : i32
      %dma_start3A_118 = tpu.memref_slice %arg4[%select_n3A, %add3A_99, %dma_start3A] : memref<8x32x6144xf32, #tpu.memory_space<hbm>> -> memref<1x1x6144xf32, #tpu.memory_space<hbm>>
      %dma_start3A_119 = tpu.memref_squeeze %dma_start3A_118 : memref<1x1x6144xf32, #tpu.memory_space<hbm>> -> memref<6144xf32, #tpu.memory_space<hbm>>
      %dma_start3A_120 = arith.constant 0 : i32
      %dma_start3A_121 = tpu.memref_slice %arg4[%select_n3A, %add3A_99, %dma_start3A_120] : memref<8x32x6144xf32, #tpu.memory_space<hbm>> -> memref<1x1x6144xf32, #tpu.memory_space<hbm>>
      %dma_start3A_122 = tpu.memref_squeeze %dma_start3A_121 : memref<1x1x6144xf32, #tpu.memory_space<hbm>> -> memref<6144xf32, #tpu.memory_space<hbm>>
      tpu.enqueue_dma source(%arg7 : memref<6144xf32, #tpu.memory_space<vmem>>) target(%dma_start3A_122 : memref<6144xf32, #tpu.memory_space<hbm>>) target_semaphore(%run_scoped3A : memref<!tpu.dma_semaphore, #tpu.memory_space<semaphore_mem>>)
      %dma_wait3A = arith.constant 0 : i32
      %dma_wait3A_123 = tpu.memref_slice %arg4[%select_n3A, %add3A_99, %dma_wait3A] : memref<8x32x6144xf32, #tpu.memory_space<hbm>> -> memref<1x1x6144xf32, #tpu.memory_space<hbm>>
      %dma_wait3A_124 = tpu.memref_squeeze %dma_wait3A_123 : memref<1x1x6144xf32, #tpu.memory_space<hbm>> -> memref<6144xf32, #tpu.memory_space<hbm>>
      %dma_wait3A_125 = arith.constant 0 : i32
      %dma_wait3A_126 = tpu.memref_slice %arg4[%select_n3A, %add3A_99, %dma_wait3A_125] : memref<8x32x6144xf32, #tpu.memory_space<hbm>> -> memref<1x1x6144xf32, #tpu.memory_space<hbm>>
      %dma_wait3A_127 = tpu.memref_squeeze %dma_wait3A_126 : memref<1x1x6144xf32, #tpu.memory_space<hbm>> -> memref<6144xf32, #tpu.memory_space<hbm>>
      tpu.wait_dma2 semaphore(%run_scoped3A : memref<!tpu.dma_semaphore, #tpu.memory_space<semaphore_mem>>) src(%arg7 : memref<6144xf32, #tpu.memory_space<vmem>>) dst(%dma_wait3A_127 : memref<6144xf32, #tpu.memory_space<hbm>>)
      tpu.yield
    }) : () -> ()
    %mul3A_107 = arith.constant 8 : i32
    %mul3A_108 = arith.muli %select_n3A_30, %mul3A_107 : i32
    %add3A_109 = arith.constant 7 : i32
    %add3A_110 = arith.addi %mul3A_108, %add3A_109 : i32
    %scan3A_111 = arith.constant 0 : i32
    %scan3A_112 = arith.constant 0 : i32
    %scan3A_113 = arith.constant 128 : i32
    %scan3A_114 = arith.addi %scan3A_112, %scan3A_113 : i32
    %scan3A_115 = arith.constant 1 : i32
    %scan3A_116 = scf.for %scan3A_118 = %scan3A_112 to %scan3A_114 step %scan3A_115 iter_args(%scan3A_119 = %scan3A_111) -> (i32)  : i32 {
      %iota3A = tpu.iota {dimensions = array<i32: 0>} : vector<16xi32>
      %mul3A_120 = arith.constant 16 : i32
      %mul3A_121 = arith.muli %scan3A_118, %mul3A_120 : i32
      %add3A_122 = vector.broadcast %mul3A_121 : i32 to vector<16xi32>
      %add3A_123 = arith.addi %iota3A, %add3A_122 : vector<16xi32>
      %mul3A_124 = arith.constant 32 : i32
      %mul3A_125 = vector.broadcast %mul3A_124 : i32 to vector<16xi32>
      %mul3A_126 = arith.muli %add3A_123, %mul3A_125 : vector<16xi32>
      %add3A_127 = vector.broadcast %add3A_110 : i32 to vector<16xi32>
      %add3A_128 = arith.addi %mul3A_126, %add3A_127 : vector<16xi32>
      %gather3A = tpu.vector_load_idx %arg6[%add3A_128] : memref<65536xi32, #tpu.memory_space<vmem>>[vector<16xi32>], vector<16xi32>,
      %add3A_129 = arith.constant 0 : i32
      %add3A_130 = vector.broadcast %add3A_129 : i32 to vector<16xi32>
      %add3A_131 = arith.addi %gather3A, %add3A_130 : vector<16xi32>
      %gather3A_132 = tpu.vector_load_idx %arg5[%add3A_131] : memref<6144xf32, #tpu.memory_space<vmem>>[vector<16xi32>], vector<16xf32>,
      %mul3A_133 = arith.constant 16 : i32
      %mul3A_134 = arith.muli %scan3A_118, %mul3A_133 : i32
      %add3A_135 = arith.constant 0 : i32
      %add3A_136 = arith.addi %add3A_135, %mul3A_134 : i32
      %get3A = arith.index_cast %add3A_136 : i32 to index
      %get3A_137 = tpu.vector_load %arg5[%get3A] {strides = array<i32>} : memref<6144xf32, #tpu.memory_space<vmem>>, vector<16xf32>,
      %sub3A_138 = arith.subf %gather3A_132, %get3A_137 : vector<16xf32>
      %mul3A_139 = arith.constant 16 : i32
      %mul3A_140 = arith.muli %scan3A_118, %mul3A_139 : i32
      %add3A_141 = arith.constant 0 : i32
      %add3A_142 = arith.addi %add3A_141, %mul3A_140 : i32
      %swap3A = arith.index_cast %add3A_142 : i32 to index
      %swap3A_143 = tpu.vector_load %arg7[%swap3A] {strides = array<i32>} : memref<6144xf32, #tpu.memory_space<vmem>>, vector<16xf32>,
      tpu.vector_store %arg7[%swap3A], %sub3A_138 {strides = array<i32>} : memref<6144xf32, #tpu.memory_space<vmem>>, vector<16xf32>,
      %add3A_144 = arith.constant 2048 : i32
      %add3A_145 = vector.broadcast %add3A_144 : i32 to vector<16xi32>
      %add3A_146 = arith.addi %gather3A, %add3A_145 : vector<16xi32>
      %gather3A_147 = tpu.vector_load_idx %arg5[%add3A_146] : memref<6144xf32, #tpu.memory_space<vmem>>[vector<16xi32>], vector<16xf32>,
      %mul3A_148 = arith.constant 16 : i32
      %mul3A_149 = arith.muli %scan3A_118, %mul3A_148 : i32
      %add3A_150 = arith.constant 2048 : i32
      %add3A_151 = arith.addi %add3A_150, %mul3A_149 : i32
      %get3A_152 = arith.index_cast %add3A_151 : i32 to index
      %get3A_153 = tpu.vector_load %arg5[%get3A_152] {strides = array<i32>} : memref<6144xf32, #tpu.memory_space<vmem>>, vector<16xf32>,
      %sub3A_154 = arith.subf %gather3A_147, %get3A_153 : vector<16xf32>
      %mul3A_155 = arith.constant 16 : i32
      %mul3A_156 = arith.muli %scan3A_118, %mul3A_155 : i32
      %add3A_157 = arith.constant 2048 : i32
      %add3A_158 = arith.addi %add3A_157, %mul3A_156 : i32
      %swap3A_159 = arith.index_cast %add3A_158 : i32 to index
      %swap3A_160 = tpu.vector_load %arg7[%swap3A_159] {strides = array<i32>} : memref<6144xf32, #tpu.memory_space<vmem>>, vector<16xf32>,
      tpu.vector_store %arg7[%swap3A_159], %sub3A_154 {strides = array<i32>} : memref<6144xf32, #tpu.memory_space<vmem>>, vector<16xf32>,
      %add3A_161 = arith.constant 4096 : i32
      %add3A_162 = vector.broadcast %add3A_161 : i32 to vector<16xi32>
      %add3A_163 = arith.addi %gather3A, %add3A_162 : vector<16xi32>
      %gather3A_164 = tpu.vector_load_idx %arg5[%add3A_163] : memref<6144xf32, #tpu.memory_space<vmem>>[vector<16xi32>], vector<16xf32>,
      %mul3A_165 = arith.constant 16 : i32
      %mul3A_166 = arith.muli %scan3A_118, %mul3A_165 : i32
      %add3A_167 = arith.constant 4096 : i32
      %add3A_168 = arith.addi %add3A_167, %mul3A_166 : i32
      %get3A_169 = arith.index_cast %add3A_168 : i32 to index
      %get3A_170 = tpu.vector_load %arg5[%get3A_169] {strides = array<i32>} : memref<6144xf32, #tpu.memory_space<vmem>>, vector<16xf32>,
      %sub3A_171 = arith.subf %gather3A_164, %get3A_170 : vector<16xf32>
      %mul3A_172 = arith.constant 16 : i32
      %mul3A_173 = arith.muli %scan3A_118, %mul3A_172 : i32
      %add3A_174 = arith.constant 4096 : i32
      %add3A_175 = arith.addi %add3A_174, %mul3A_173 : i32
      %swap3A_176 = arith.index_cast %add3A_175 : i32 to index
      %swap3A_177 = tpu.vector_load %arg7[%swap3A_176] {strides = array<i32>} : memref<6144xf32, #tpu.memory_space<vmem>>, vector<16xf32>,
      tpu.vector_store %arg7[%swap3A_176], %sub3A_171 {strides = array<i32>} : memref<6144xf32, #tpu.memory_space<vmem>>, vector<16xf32>,
      %scan3A_178 = arith.constant 0 : i32
      scf.yield %scan3A_178 : i32
    }
    %scan3A_117 = arith.constant 128 : i32
    "tpu.region"() ({
      %run_scoped3A = tpu.sem_alloc : memref<!tpu.dma_semaphore, #tpu.memory_space<semaphore_mem>>
      %dma_start3A = arith.constant 0 : i32
      %dma_start3A_118 = tpu.memref_slice %arg4[%select_n3A, %add3A_110, %dma_start3A] : memref<8x32x6144xf32, #tpu.memory_space<hbm>> -> memref<1x1x6144xf32, #tpu.memory_space<hbm>>
      %dma_start3A_119 = tpu.memref_squeeze %dma_start3A_118 : memref<1x1x6144xf32, #tpu.memory_space<hbm>> -> memref<6144xf32, #tpu.memory_space<hbm>>
      %dma_start3A_120 = arith.constant 0 : i32
      %dma_start3A_121 = tpu.memref_slice %arg4[%select_n3A, %add3A_110, %dma_start3A_120] : memref<8x32x6144xf32, #tpu.memory_space<hbm>> -> memref<1x1x6144xf32, #tpu.memory_space<hbm>>
      %dma_start3A_122 = tpu.memref_squeeze %dma_start3A_121 : memref<1x1x6144xf32, #tpu.memory_space<hbm>> -> memref<6144xf32, #tpu.memory_space<hbm>>
      tpu.enqueue_dma source(%arg7 : memref<6144xf32, #tpu.memory_space<vmem>>) target(%dma_start3A_122 : memref<6144xf32, #tpu.memory_space<hbm>>) target_semaphore(%run_scoped3A : memref<!tpu.dma_semaphore, #tpu.memory_space<semaphore_mem>>)
      %dma_wait3A = arith.constant 0 : i32
      %dma_wait3A_123 = tpu.memref_slice %arg4[%select_n3A, %add3A_110, %dma_wait3A] : memref<8x32x6144xf32, #tpu.memory_space<hbm>> -> memref<1x1x6144xf32, #tpu.memory_space<hbm>>
      %dma_wait3A_124 = tpu.memref_squeeze %dma_wait3A_123 : memref<1x1x6144xf32, #tpu.memory_space<hbm>> -> memref<6144xf32, #tpu.memory_space<hbm>>
      %dma_wait3A_125 = arith.constant 0 : i32
      %dma_wait3A_126 = tpu.memref_slice %arg4[%select_n3A, %add3A_110, %dma_wait3A_125] : memref<8x32x6144xf32, #tpu.memory_space<hbm>> -> memref<1x1x6144xf32, #tpu.memory_space<hbm>>
      %dma_wait3A_127 = tpu.memref_squeeze %dma_wait3A_126 : memref<1x1x6144xf32, #tpu.memory_space<hbm>> -> memref<6144xf32, #tpu.memory_space<hbm>>
      tpu.wait_dma2 semaphore(%run_scoped3A : memref<!tpu.dma_semaphore, #tpu.memory_space<semaphore_mem>>) src(%arg7 : memref<6144xf32, #tpu.memory_space<vmem>>) dst(%dma_wait3A_127 : memref<6144xf32, #tpu.memory_space<hbm>>)
      tpu.yield
    }) : () -> ()
    return
  }
}

module attributes {stable_mosaic.version = 14 : i64} {
  func.func @_knn_body(%arg0: i32, %arg1: i32, %arg2: memref<1x512x3xf32, #tpu.memory_space<vmem>>, %arg3: memref<1x3x2048xf32, #tpu.memory_space<vmem>>, %arg4: memref<1x512x32xi32, #tpu.memory_space<vmem>>, %arg5: memref<512x2048xf32, #tpu.memory_space<vmem>>) attributes {dimension_semantics = [#tpu.dimension_semantics<arbitrary>, #tpu.dimension_semantics<arbitrary>], iteration_bounds = array<i64: 8, 4>, scalar_prefetch = 0 : i64, scratch_operands = 1 : i64, tpu.core_type = #tpu.core_type<tc>, window_params = [{transform_indices = @transform_0, window_bounds = array<i64: 1, 512, 3>}, {transform_indices = @transform_1, window_bounds = array<i64: 1, 3, 2048>}, {transform_indices = @transform_2, window_bounds = array<i64: 1, 512, 32>}]} {
    %get3A = arith.constant 0 : index
    %get3A_0 = arith.constant 0 : index
    %get3A_1 = arith.constant 0 : index
    %get3A_2 = vector.load %arg2[%get3A, %get3A_0, %get3A_1] : memref<1x512x3xf32, #tpu.memory_space<vmem>>, vector<1x512x3xf32>
    %get3A_3 = vector.shape_cast %get3A_2 : vector<1x512x3xf32> to vector<512x3xf32>
    %get3A_4 = arith.constant 0 : index
    %get3A_5 = arith.constant 0 : index
    %get3A_6 = arith.constant 0 : index
    %get3A_7 = vector.load %arg3[%get3A_4, %get3A_5, %get3A_6] : memref<1x3x2048xf32, #tpu.memory_space<vmem>>, vector<1x3x2048xf32>
    %get3A_8 = vector.shape_cast %get3A_7 : vector<1x3x2048xf32> to vector<3x2048xf32>
    %mul3A = arith.mulf %get3A_8, %get3A_8 : vector<3x2048xf32>
    %reduce_sum3A = arith.constant dense<0.000000e+00> : vector<2048xf32>
    %reduce_sum3A_9 = vector.multi_reduction <add>, %mul3A, %reduce_sum3A [0] : vector<3x2048xf32> to vector<2048xf32>
    %broadcast_in_dim3A = vector.shape_cast %reduce_sum3A_9 : vector<2048xf32> to vector<1x2048xf32>
    %dot_general3A = arith.constant dense<0.000000e+00> : vector<512x2048xf32>
    %dot_general3A_10 = tpu.matmul %get3A_3, %get3A_8, %dot_general3A {dimension_numbers = #tpu.dot_dimension_numbers<[1], [0], [0], [1], [0, 0, 1, 1], [], []>, transpose_lhs_hint = false} : vector<512x3xf32>, vector<3x2048xf32>, vector<512x2048xf32> -> vector<512x2048xf32>
    %mul3A_11 = arith.constant 2.000000e+00 : f32
    %mul3A_12 = vector.broadcast %mul3A_11 : f32 to vector<512x2048xf32>
    %mul3A_13 = arith.mulf %mul3A_12, %dot_general3A_10 : vector<512x2048xf32>
    %sub3A = vector.broadcast %broadcast_in_dim3A : vector<1x2048xf32> to vector<512x2048xf32>
    %sub3A_14 = arith.subf %mul3A_13, %sub3A : vector<512x2048xf32>
    %swap3A = arith.constant 0 : index
    %swap3A_15 = arith.constant 0 : index
    %swap3A_16 = vector.load %arg5[%swap3A, %swap3A_15] : memref<512x2048xf32, #tpu.memory_space<vmem>>, vector<512x2048xf32>
    tpu.vector_store %arg5[%swap3A, %swap3A_15], %sub3A_14 {strides = array<i32>} : memref<512x2048xf32, #tpu.memory_space<vmem>>, vector<512x2048xf32>,
    %iota3A = tpu.iota {dimensions = array<i32: 1>} : vector<512x2048xi32>
    %get3A_17 = arith.constant 0 : index
    %get3A_18 = arith.constant 0 : index
    %get3A_19 = vector.load %arg5[%get3A_17, %get3A_18] : memref<512x2048xf32, #tpu.memory_space<vmem>>, vector<512x2048xf32>
    %argmax3A = tpu.reduce_index %get3A_19 {axis = 1 : i32, kind = #tpu.reduction_kind<arg_max>} : vector<512x2048xf32> -> vector<512xi32>
    %broadcast_in_dim3A_20 = vector.shape_cast %argmax3A : vector<512xi32> to vector<512x1xi32>
    %eq3A = vector.broadcast %broadcast_in_dim3A_20 : vector<512x1xi32> to vector<512x2048xi32>
    %eq3A_21 = arith.cmpi eq, %iota3A, %eq3A : vector<512x2048xi32>
    %jit3A = arith.constant -3.000000e+38 : f32
    %broadcast_in_dim3A_22 = vector.broadcast %jit3A : f32 to vector<512x2048xf32>
    %select_n3A = arith.select %eq3A_21, %broadcast_in_dim3A_22, %get3A_19 : vector<512x2048xi1>, vector<512x2048xf32>
    %swap3A_23 = arith.constant 0 : index
    %swap3A_24 = arith.constant 0 : index
    %swap3A_25 = vector.load %arg5[%swap3A_23, %swap3A_24] : memref<512x2048xf32, #tpu.memory_space<vmem>>, vector<512x2048xf32>
    tpu.vector_store %arg5[%swap3A_23, %swap3A_24], %select_n3A {strides = array<i32>} : memref<512x2048xf32, #tpu.memory_space<vmem>>, vector<512x2048xf32>,
    %swap3A_26 = arith.constant 0 : index
    %swap3A_27 = arith.constant 0 : index
    %swap3A_28 = arith.constant 0 : index
    %swap3A_29 = vector.load %arg4[%swap3A_26, %swap3A_27, %swap3A_28] : memref<1x512x32xi32, #tpu.memory_space<vmem>>, vector<1x512x1xi32>
    %swap3A_30 = vector.shape_cast %swap3A_29 : vector<1x512x1xi32> to vector<512x1xi32>
    %swap3A_31 = vector.shape_cast %broadcast_in_dim3A_20 : vector<512x1xi32> to vector<1x512x1xi32>
    tpu.vector_store %arg4[%swap3A_26, %swap3A_27, %swap3A_28], %swap3A_31 {strides = array<i32>} : memref<1x512x32xi32, #tpu.memory_space<vmem>>, vector<1x512x1xi32>,
    %get3A_32 = arith.constant 0 : index
    %get3A_33 = arith.constant 0 : index
    %get3A_34 = vector.load %arg5[%get3A_32, %get3A_33] : memref<512x2048xf32, #tpu.memory_space<vmem>>, vector<512x2048xf32>
    %argmax3A_35 = tpu.reduce_index %get3A_34 {axis = 1 : i32, kind = #tpu.reduction_kind<arg_max>} : vector<512x2048xf32> -> vector<512xi32>
    %broadcast_in_dim3A_36 = vector.shape_cast %argmax3A_35 : vector<512xi32> to vector<512x1xi32>
    %eq3A_37 = vector.broadcast %broadcast_in_dim3A_36 : vector<512x1xi32> to vector<512x2048xi32>
    %eq3A_38 = arith.cmpi eq, %iota3A, %eq3A_37 : vector<512x2048xi32>
    %jit3A_39 = arith.constant -3.000000e+38 : f32
    %broadcast_in_dim3A_40 = vector.broadcast %jit3A_39 : f32 to vector<512x2048xf32>
    %select_n3A_41 = arith.select %eq3A_38, %broadcast_in_dim3A_40, %get3A_34 : vector<512x2048xi1>, vector<512x2048xf32>
    %swap3A_42 = arith.constant 0 : index
    %swap3A_43 = arith.constant 0 : index
    %swap3A_44 = vector.load %arg5[%swap3A_42, %swap3A_43] : memref<512x2048xf32, #tpu.memory_space<vmem>>, vector<512x2048xf32>
    tpu.vector_store %arg5[%swap3A_42, %swap3A_43], %select_n3A_41 {strides = array<i32>} : memref<512x2048xf32, #tpu.memory_space<vmem>>, vector<512x2048xf32>,
    %swap3A_45 = arith.constant 0 : index
    %swap3A_46 = arith.constant 0 : index
    %swap3A_47 = arith.constant 1 : index
    %swap3A_48 = vector.load %arg4[%swap3A_45, %swap3A_46, %swap3A_47] : memref<1x512x32xi32, #tpu.memory_space<vmem>>, vector<1x512x1xi32>
    %swap3A_49 = vector.shape_cast %swap3A_48 : vector<1x512x1xi32> to vector<512x1xi32>
    %swap3A_50 = vector.shape_cast %broadcast_in_dim3A_36 : vector<512x1xi32> to vector<1x512x1xi32>
    tpu.vector_store %arg4[%swap3A_45, %swap3A_46, %swap3A_47], %swap3A_50 {strides = array<i32>} : memref<1x512x32xi32, #tpu.memory_space<vmem>>, vector<1x512x1xi32>,
    %get3A_51 = arith.constant 0 : index
    %get3A_52 = arith.constant 0 : index
    %get3A_53 = vector.load %arg5[%get3A_51, %get3A_52] : memref<512x2048xf32, #tpu.memory_space<vmem>>, vector<512x2048xf32>
    %argmax3A_54 = tpu.reduce_index %get3A_53 {axis = 1 : i32, kind = #tpu.reduction_kind<arg_max>} : vector<512x2048xf32> -> vector<512xi32>
    %broadcast_in_dim3A_55 = vector.shape_cast %argmax3A_54 : vector<512xi32> to vector<512x1xi32>
    %eq3A_56 = vector.broadcast %broadcast_in_dim3A_55 : vector<512x1xi32> to vector<512x2048xi32>
    %eq3A_57 = arith.cmpi eq, %iota3A, %eq3A_56 : vector<512x2048xi32>
    %jit3A_58 = arith.constant -3.000000e+38 : f32
    %broadcast_in_dim3A_59 = vector.broadcast %jit3A_58 : f32 to vector<512x2048xf32>
    %select_n3A_60 = arith.select %eq3A_57, %broadcast_in_dim3A_59, %get3A_53 : vector<512x2048xi1>, vector<512x2048xf32>
    %swap3A_61 = arith.constant 0 : index
    %swap3A_62 = arith.constant 0 : index
    %swap3A_63 = vector.load %arg5[%swap3A_61, %swap3A_62] : memref<512x2048xf32, #tpu.memory_space<vmem>>, vector<512x2048xf32>
    tpu.vector_store %arg5[%swap3A_61, %swap3A_62], %select_n3A_60 {strides = array<i32>} : memref<512x2048xf32, #tpu.memory_space<vmem>>, vector<512x2048xf32>,
    %swap3A_64 = arith.constant 0 : index
    %swap3A_65 = arith.constant 0 : index
    %swap3A_66 = arith.constant 2 : index
    %swap3A_67 = vector.load %arg4[%swap3A_64, %swap3A_65, %swap3A_66] : memref<1x512x32xi32, #tpu.memory_space<vmem>>, vector<1x512x1xi32>
    %swap3A_68 = vector.shape_cast %swap3A_67 : vector<1x512x1xi32> to vector<512x1xi32>
    %swap3A_69 = vector.shape_cast %broadcast_in_dim3A_55 : vector<512x1xi32> to vector<1x512x1xi32>
    tpu.vector_store %arg4[%swap3A_64, %swap3A_65, %swap3A_66], %swap3A_69 {strides = array<i32>} : memref<1x512x32xi32, #tpu.memory_space<vmem>>, vector<1x512x1xi32>,
    %get3A_70 = arith.constant 0 : index
    %get3A_71 = arith.constant 0 : index
    %get3A_72 = vector.load %arg5[%get3A_70, %get3A_71] : memref<512x2048xf32, #tpu.memory_space<vmem>>, vector<512x2048xf32>
    %argmax3A_73 = tpu.reduce_index %get3A_72 {axis = 1 : i32, kind = #tpu.reduction_kind<arg_max>} : vector<512x2048xf32> -> vector<512xi32>
    %broadcast_in_dim3A_74 = vector.shape_cast %argmax3A_73 : vector<512xi32> to vector<512x1xi32>
    %eq3A_75 = vector.broadcast %broadcast_in_dim3A_74 : vector<512x1xi32> to vector<512x2048xi32>
    %eq3A_76 = arith.cmpi eq, %iota3A, %eq3A_75 : vector<512x2048xi32>
    %jit3A_77 = arith.constant -3.000000e+38 : f32
    %broadcast_in_dim3A_78 = vector.broadcast %jit3A_77 : f32 to vector<512x2048xf32>
    %select_n3A_79 = arith.select %eq3A_76, %broadcast_in_dim3A_78, %get3A_72 : vector<512x2048xi1>, vector<512x2048xf32>
    %swap3A_80 = arith.constant 0 : index
    %swap3A_81 = arith.constant 0 : index
    %swap3A_82 = vector.load %arg5[%swap3A_80, %swap3A_81] : memref<512x2048xf32, #tpu.memory_space<vmem>>, vector<512x2048xf32>
    tpu.vector_store %arg5[%swap3A_80, %swap3A_81], %select_n3A_79 {strides = array<i32>} : memref<512x2048xf32, #tpu.memory_space<vmem>>, vector<512x2048xf32>,
    %swap3A_83 = arith.constant 0 : index
    %swap3A_84 = arith.constant 0 : index
    %swap3A_85 = arith.constant 3 : index
    %swap3A_86 = vector.load %arg4[%swap3A_83, %swap3A_84, %swap3A_85] : memref<1x512x32xi32, #tpu.memory_space<vmem>>, vector<1x512x1xi32>
    %swap3A_87 = vector.shape_cast %swap3A_86 : vector<1x512x1xi32> to vector<512x1xi32>
    %swap3A_88 = vector.shape_cast %broadcast_in_dim3A_74 : vector<512x1xi32> to vector<1x512x1xi32>
    tpu.vector_store %arg4[%swap3A_83, %swap3A_84, %swap3A_85], %swap3A_88 {strides = array<i32>} : memref<1x512x32xi32, #tpu.memory_space<vmem>>, vector<1x512x1xi32>,
    %get3A_89 = arith.constant 0 : index
    %get3A_90 = arith.constant 0 : index
    %get3A_91 = vector.load %arg5[%get3A_89, %get3A_90] : memref<512x2048xf32, #tpu.memory_space<vmem>>, vector<512x2048xf32>
    %argmax3A_92 = tpu.reduce_index %get3A_91 {axis = 1 : i32, kind = #tpu.reduction_kind<arg_max>} : vector<512x2048xf32> -> vector<512xi32>
    %broadcast_in_dim3A_93 = vector.shape_cast %argmax3A_92 : vector<512xi32> to vector<512x1xi32>
    %eq3A_94 = vector.broadcast %broadcast_in_dim3A_93 : vector<512x1xi32> to vector<512x2048xi32>
    %eq3A_95 = arith.cmpi eq, %iota3A, %eq3A_94 : vector<512x2048xi32>
    %jit3A_96 = arith.constant -3.000000e+38 : f32
    %broadcast_in_dim3A_97 = vector.broadcast %jit3A_96 : f32 to vector<512x2048xf32>
    %select_n3A_98 = arith.select %eq3A_95, %broadcast_in_dim3A_97, %get3A_91 : vector<512x2048xi1>, vector<512x2048xf32>
    %swap3A_99 = arith.constant 0 : index
    %swap3A_100 = arith.constant 0 : index
    %swap3A_101 = vector.load %arg5[%swap3A_99, %swap3A_100] : memref<512x2048xf32, #tpu.memory_space<vmem>>, vector<512x2048xf32>
    tpu.vector_store %arg5[%swap3A_99, %swap3A_100], %select_n3A_98 {strides = array<i32>} : memref<512x2048xf32, #tpu.memory_space<vmem>>, vector<512x2048xf32>,
    %swap3A_102 = arith.constant 0 : index
    %swap3A_103 = arith.constant 0 : index
    %swap3A_104 = arith.constant 4 : index
    %swap3A_105 = vector.load %arg4[%swap3A_102, %swap3A_103, %swap3A_104] : memref<1x512x32xi32, #tpu.memory_space<vmem>>, vector<1x512x1xi32>
    %swap3A_106 = vector.shape_cast %swap3A_105 : vector<1x512x1xi32> to vector<512x1xi32>
    %swap3A_107 = vector.shape_cast %broadcast_in_dim3A_93 : vector<512x1xi32> to vector<1x512x1xi32>
    tpu.vector_store %arg4[%swap3A_102, %swap3A_103, %swap3A_104], %swap3A_107 {strides = array<i32>} : memref<1x512x32xi32, #tpu.memory_space<vmem>>, vector<1x512x1xi32>,
    %get3A_108 = arith.constant 0 : index
    %get3A_109 = arith.constant 0 : index
    %get3A_110 = vector.load %arg5[%get3A_108, %get3A_109] : memref<512x2048xf32, #tpu.memory_space<vmem>>, vector<512x2048xf32>
    %argmax3A_111 = tpu.reduce_index %get3A_110 {axis = 1 : i32, kind = #tpu.reduction_kind<arg_max>} : vector<512x2048xf32> -> vector<512xi32>
    %broadcast_in_dim3A_112 = vector.shape_cast %argmax3A_111 : vector<512xi32> to vector<512x1xi32>
    %eq3A_113 = vector.broadcast %broadcast_in_dim3A_112 : vector<512x1xi32> to vector<512x2048xi32>
    %eq3A_114 = arith.cmpi eq, %iota3A, %eq3A_113 : vector<512x2048xi32>
    %jit3A_115 = arith.constant -3.000000e+38 : f32
    %broadcast_in_dim3A_116 = vector.broadcast %jit3A_115 : f32 to vector<512x2048xf32>
    %select_n3A_117 = arith.select %eq3A_114, %broadcast_in_dim3A_116, %get3A_110 : vector<512x2048xi1>, vector<512x2048xf32>
    %swap3A_118 = arith.constant 0 : index
    %swap3A_119 = arith.constant 0 : index
    %swap3A_120 = vector.load %arg5[%swap3A_118, %swap3A_119] : memref<512x2048xf32, #tpu.memory_space<vmem>>, vector<512x2048xf32>
    tpu.vector_store %arg5[%swap3A_118, %swap3A_119], %select_n3A_117 {strides = array<i32>} : memref<512x2048xf32, #tpu.memory_space<vmem>>, vector<512x2048xf32>,
    %swap3A_121 = arith.constant 0 : index
    %swap3A_122 = arith.constant 0 : index
    %swap3A_123 = arith.constant 5 : index
    %swap3A_124 = vector.load %arg4[%swap3A_121, %swap3A_122, %swap3A_123] : memref<1x512x32xi32, #tpu.memory_space<vmem>>, vector<1x512x1xi32>
    %swap3A_125 = vector.shape_cast %swap3A_124 : vector<1x512x1xi32> to vector<512x1xi32>
    %swap3A_126 = vector.shape_cast %broadcast_in_dim3A_112 : vector<512x1xi32> to vector<1x512x1xi32>
    tpu.vector_store %arg4[%swap3A_121, %swap3A_122, %swap3A_123], %swap3A_126 {strides = array<i32>} : memref<1x512x32xi32, #tpu.memory_space<vmem>>, vector<1x512x1xi32>,
    %get3A_127 = arith.constant 0 : index
    %get3A_128 = arith.constant 0 : index
    %get3A_129 = vector.load %arg5[%get3A_127, %get3A_128] : memref<512x2048xf32, #tpu.memory_space<vmem>>, vector<512x2048xf32>
    %argmax3A_130 = tpu.reduce_index %get3A_129 {axis = 1 : i32, kind = #tpu.reduction_kind<arg_max>} : vector<512x2048xf32> -> vector<512xi32>
    %broadcast_in_dim3A_131 = vector.shape_cast %argmax3A_130 : vector<512xi32> to vector<512x1xi32>
    %eq3A_132 = vector.broadcast %broadcast_in_dim3A_131 : vector<512x1xi32> to vector<512x2048xi32>
    %eq3A_133 = arith.cmpi eq, %iota3A, %eq3A_132 : vector<512x2048xi32>
    %jit3A_134 = arith.constant -3.000000e+38 : f32
    %broadcast_in_dim3A_135 = vector.broadcast %jit3A_134 : f32 to vector<512x2048xf32>
    %select_n3A_136 = arith.select %eq3A_133, %broadcast_in_dim3A_135, %get3A_129 : vector<512x2048xi1>, vector<512x2048xf32>
    %swap3A_137 = arith.constant 0 : index
    %swap3A_138 = arith.constant 0 : index
    %swap3A_139 = vector.load %arg5[%swap3A_137, %swap3A_138] : memref<512x2048xf32, #tpu.memory_space<vmem>>, vector<512x2048xf32>
    tpu.vector_store %arg5[%swap3A_137, %swap3A_138], %select_n3A_136 {strides = array<i32>} : memref<512x2048xf32, #tpu.memory_space<vmem>>, vector<512x2048xf32>,
    %swap3A_140 = arith.constant 0 : index
    %swap3A_141 = arith.constant 0 : index
    %swap3A_142 = arith.constant 6 : index
    %swap3A_143 = vector.load %arg4[%swap3A_140, %swap3A_141, %swap3A_142] : memref<1x512x32xi32, #tpu.memory_space<vmem>>, vector<1x512x1xi32>
    %swap3A_144 = vector.shape_cast %swap3A_143 : vector<1x512x1xi32> to vector<512x1xi32>
    %swap3A_145 = vector.shape_cast %broadcast_in_dim3A_131 : vector<512x1xi32> to vector<1x512x1xi32>
    tpu.vector_store %arg4[%swap3A_140, %swap3A_141, %swap3A_142], %swap3A_145 {strides = array<i32>} : memref<1x512x32xi32, #tpu.memory_space<vmem>>, vector<1x512x1xi32>,
    %get3A_146 = arith.constant 0 : index
    %get3A_147 = arith.constant 0 : index
    %get3A_148 = vector.load %arg5[%get3A_146, %get3A_147] : memref<512x2048xf32, #tpu.memory_space<vmem>>, vector<512x2048xf32>
    %argmax3A_149 = tpu.reduce_index %get3A_148 {axis = 1 : i32, kind = #tpu.reduction_kind<arg_max>} : vector<512x2048xf32> -> vector<512xi32>
    %broadcast_in_dim3A_150 = vector.shape_cast %argmax3A_149 : vector<512xi32> to vector<512x1xi32>
    %eq3A_151 = vector.broadcast %broadcast_in_dim3A_150 : vector<512x1xi32> to vector<512x2048xi32>
    %eq3A_152 = arith.cmpi eq, %iota3A, %eq3A_151 : vector<512x2048xi32>
    %jit3A_153 = arith.constant -3.000000e+38 : f32
    %broadcast_in_dim3A_154 = vector.broadcast %jit3A_153 : f32 to vector<512x2048xf32>
    %select_n3A_155 = arith.select %eq3A_152, %broadcast_in_dim3A_154, %get3A_148 : vector<512x2048xi1>, vector<512x2048xf32>
    %swap3A_156 = arith.constant 0 : index
    %swap3A_157 = arith.constant 0 : index
    %swap3A_158 = vector.load %arg5[%swap3A_156, %swap3A_157] : memref<512x2048xf32, #tpu.memory_space<vmem>>, vector<512x2048xf32>
    tpu.vector_store %arg5[%swap3A_156, %swap3A_157], %select_n3A_155 {strides = array<i32>} : memref<512x2048xf32, #tpu.memory_space<vmem>>, vector<512x2048xf32>,
    %swap3A_159 = arith.constant 0 : index
    %swap3A_160 = arith.constant 0 : index
    %swap3A_161 = arith.constant 7 : index
    %swap3A_162 = vector.load %arg4[%swap3A_159, %swap3A_160, %swap3A_161] : memref<1x512x32xi32, #tpu.memory_space<vmem>>, vector<1x512x1xi32>
    %swap3A_163 = vector.shape_cast %swap3A_162 : vector<1x512x1xi32> to vector<512x1xi32>
    %swap3A_164 = vector.shape_cast %broadcast_in_dim3A_150 : vector<512x1xi32> to vector<1x512x1xi32>
    tpu.vector_store %arg4[%swap3A_159, %swap3A_160, %swap3A_161], %swap3A_164 {strides = array<i32>} : memref<1x512x32xi32, #tpu.memory_space<vmem>>, vector<1x512x1xi32>,
    %get3A_165 = arith.constant 0 : index
    %get3A_166 = arith.constant 0 : index
    %get3A_167 = vector.load %arg5[%get3A_165, %get3A_166] : memref<512x2048xf32, #tpu.memory_space<vmem>>, vector<512x2048xf32>
    %argmax3A_168 = tpu.reduce_index %get3A_167 {axis = 1 : i32, kind = #tpu.reduction_kind<arg_max>} : vector<512x2048xf32> -> vector<512xi32>
    %broadcast_in_dim3A_169 = vector.shape_cast %argmax3A_168 : vector<512xi32> to vector<512x1xi32>
    %eq3A_170 = vector.broadcast %broadcast_in_dim3A_169 : vector<512x1xi32> to vector<512x2048xi32>
    %eq3A_171 = arith.cmpi eq, %iota3A, %eq3A_170 : vector<512x2048xi32>
    %jit3A_172 = arith.constant -3.000000e+38 : f32
    %broadcast_in_dim3A_173 = vector.broadcast %jit3A_172 : f32 to vector<512x2048xf32>
    %select_n3A_174 = arith.select %eq3A_171, %broadcast_in_dim3A_173, %get3A_167 : vector<512x2048xi1>, vector<512x2048xf32>
    %swap3A_175 = arith.constant 0 : index
    %swap3A_176 = arith.constant 0 : index
    %swap3A_177 = vector.load %arg5[%swap3A_175, %swap3A_176] : memref<512x2048xf32, #tpu.memory_space<vmem>>, vector<512x2048xf32>
    tpu.vector_store %arg5[%swap3A_175, %swap3A_176], %select_n3A_174 {strides = array<i32>} : memref<512x2048xf32, #tpu.memory_space<vmem>>, vector<512x2048xf32>,
    %swap3A_178 = arith.constant 0 : index
    %swap3A_179 = arith.constant 0 : index
    %swap3A_180 = arith.constant 8 : index
    %swap3A_181 = vector.load %arg4[%swap3A_178, %swap3A_179, %swap3A_180] : memref<1x512x32xi32, #tpu.memory_space<vmem>>, vector<1x512x1xi32>
    %swap3A_182 = vector.shape_cast %swap3A_181 : vector<1x512x1xi32> to vector<512x1xi32>
    %swap3A_183 = vector.shape_cast %broadcast_in_dim3A_169 : vector<512x1xi32> to vector<1x512x1xi32>
    tpu.vector_store %arg4[%swap3A_178, %swap3A_179, %swap3A_180], %swap3A_183 {strides = array<i32>} : memref<1x512x32xi32, #tpu.memory_space<vmem>>, vector<1x512x1xi32>,
    %get3A_184 = arith.constant 0 : index
    %get3A_185 = arith.constant 0 : index
    %get3A_186 = vector.load %arg5[%get3A_184, %get3A_185] : memref<512x2048xf32, #tpu.memory_space<vmem>>, vector<512x2048xf32>
    %argmax3A_187 = tpu.reduce_index %get3A_186 {axis = 1 : i32, kind = #tpu.reduction_kind<arg_max>} : vector<512x2048xf32> -> vector<512xi32>
    %broadcast_in_dim3A_188 = vector.shape_cast %argmax3A_187 : vector<512xi32> to vector<512x1xi32>
    %eq3A_189 = vector.broadcast %broadcast_in_dim3A_188 : vector<512x1xi32> to vector<512x2048xi32>
    %eq3A_190 = arith.cmpi eq, %iota3A, %eq3A_189 : vector<512x2048xi32>
    %jit3A_191 = arith.constant -3.000000e+38 : f32
    %broadcast_in_dim3A_192 = vector.broadcast %jit3A_191 : f32 to vector<512x2048xf32>
    %select_n3A_193 = arith.select %eq3A_190, %broadcast_in_dim3A_192, %get3A_186 : vector<512x2048xi1>, vector<512x2048xf32>
    %swap3A_194 = arith.constant 0 : index
    %swap3A_195 = arith.constant 0 : index
    %swap3A_196 = vector.load %arg5[%swap3A_194, %swap3A_195] : memref<512x2048xf32, #tpu.memory_space<vmem>>, vector<512x2048xf32>
    tpu.vector_store %arg5[%swap3A_194, %swap3A_195], %select_n3A_193 {strides = array<i32>} : memref<512x2048xf32, #tpu.memory_space<vmem>>, vector<512x2048xf32>,
    %swap3A_197 = arith.constant 0 : index
    %swap3A_198 = arith.constant 0 : index
    %swap3A_199 = arith.constant 9 : index
    %swap3A_200 = vector.load %arg4[%swap3A_197, %swap3A_198, %swap3A_199] : memref<1x512x32xi32, #tpu.memory_space<vmem>>, vector<1x512x1xi32>
    %swap3A_201 = vector.shape_cast %swap3A_200 : vector<1x512x1xi32> to vector<512x1xi32>
    %swap3A_202 = vector.shape_cast %broadcast_in_dim3A_188 : vector<512x1xi32> to vector<1x512x1xi32>
    tpu.vector_store %arg4[%swap3A_197, %swap3A_198, %swap3A_199], %swap3A_202 {strides = array<i32>} : memref<1x512x32xi32, #tpu.memory_space<vmem>>, vector<1x512x1xi32>,
    %get3A_203 = arith.constant 0 : index
    %get3A_204 = arith.constant 0 : index
    %get3A_205 = vector.load %arg5[%get3A_203, %get3A_204] : memref<512x2048xf32, #tpu.memory_space<vmem>>, vector<512x2048xf32>
    %argmax3A_206 = tpu.reduce_index %get3A_205 {axis = 1 : i32, kind = #tpu.reduction_kind<arg_max>} : vector<512x2048xf32> -> vector<512xi32>
    %broadcast_in_dim3A_207 = vector.shape_cast %argmax3A_206 : vector<512xi32> to vector<512x1xi32>
    %eq3A_208 = vector.broadcast %broadcast_in_dim3A_207 : vector<512x1xi32> to vector<512x2048xi32>
    %eq3A_209 = arith.cmpi eq, %iota3A, %eq3A_208 : vector<512x2048xi32>
    %jit3A_210 = arith.constant -3.000000e+38 : f32
    %broadcast_in_dim3A_211 = vector.broadcast %jit3A_210 : f32 to vector<512x2048xf32>
    %select_n3A_212 = arith.select %eq3A_209, %broadcast_in_dim3A_211, %get3A_205 : vector<512x2048xi1>, vector<512x2048xf32>
    %swap3A_213 = arith.constant 0 : index
    %swap3A_214 = arith.constant 0 : index
    %swap3A_215 = vector.load %arg5[%swap3A_213, %swap3A_214] : memref<512x2048xf32, #tpu.memory_space<vmem>>, vector<512x2048xf32>
    tpu.vector_store %arg5[%swap3A_213, %swap3A_214], %select_n3A_212 {strides = array<i32>} : memref<512x2048xf32, #tpu.memory_space<vmem>>, vector<512x2048xf32>,
    %swap3A_216 = arith.constant 0 : index
    %swap3A_217 = arith.constant 0 : index
    %swap3A_218 = arith.constant 10 : index
    %swap3A_219 = vector.load %arg4[%swap3A_216, %swap3A_217, %swap3A_218] : memref<1x512x32xi32, #tpu.memory_space<vmem>>, vector<1x512x1xi32>
    %swap3A_220 = vector.shape_cast %swap3A_219 : vector<1x512x1xi32> to vector<512x1xi32>
    %swap3A_221 = vector.shape_cast %broadcast_in_dim3A_207 : vector<512x1xi32> to vector<1x512x1xi32>
    tpu.vector_store %arg4[%swap3A_216, %swap3A_217, %swap3A_218], %swap3A_221 {strides = array<i32>} : memref<1x512x32xi32, #tpu.memory_space<vmem>>, vector<1x512x1xi32>,
    %get3A_222 = arith.constant 0 : index
    %get3A_223 = arith.constant 0 : index
    %get3A_224 = vector.load %arg5[%get3A_222, %get3A_223] : memref<512x2048xf32, #tpu.memory_space<vmem>>, vector<512x2048xf32>
    %argmax3A_225 = tpu.reduce_index %get3A_224 {axis = 1 : i32, kind = #tpu.reduction_kind<arg_max>} : vector<512x2048xf32> -> vector<512xi32>
    %broadcast_in_dim3A_226 = vector.shape_cast %argmax3A_225 : vector<512xi32> to vector<512x1xi32>
    %eq3A_227 = vector.broadcast %broadcast_in_dim3A_226 : vector<512x1xi32> to vector<512x2048xi32>
    %eq3A_228 = arith.cmpi eq, %iota3A, %eq3A_227 : vector<512x2048xi32>
    %jit3A_229 = arith.constant -3.000000e+38 : f32
    %broadcast_in_dim3A_230 = vector.broadcast %jit3A_229 : f32 to vector<512x2048xf32>
    %select_n3A_231 = arith.select %eq3A_228, %broadcast_in_dim3A_230, %get3A_224 : vector<512x2048xi1>, vector<512x2048xf32>
    %swap3A_232 = arith.constant 0 : index
    %swap3A_233 = arith.constant 0 : index
    %swap3A_234 = vector.load %arg5[%swap3A_232, %swap3A_233] : memref<512x2048xf32, #tpu.memory_space<vmem>>, vector<512x2048xf32>
    tpu.vector_store %arg5[%swap3A_232, %swap3A_233], %select_n3A_231 {strides = array<i32>} : memref<512x2048xf32, #tpu.memory_space<vmem>>, vector<512x2048xf32>,
    %swap3A_235 = arith.constant 0 : index
    %swap3A_236 = arith.constant 0 : index
    %swap3A_237 = arith.constant 11 : index
    %swap3A_238 = vector.load %arg4[%swap3A_235, %swap3A_236, %swap3A_237] : memref<1x512x32xi32, #tpu.memory_space<vmem>>, vector<1x512x1xi32>
    %swap3A_239 = vector.shape_cast %swap3A_238 : vector<1x512x1xi32> to vector<512x1xi32>
    %swap3A_240 = vector.shape_cast %broadcast_in_dim3A_226 : vector<512x1xi32> to vector<1x512x1xi32>
    tpu.vector_store %arg4[%swap3A_235, %swap3A_236, %swap3A_237], %swap3A_240 {strides = array<i32>} : memref<1x512x32xi32, #tpu.memory_space<vmem>>, vector<1x512x1xi32>,
    %get3A_241 = arith.constant 0 : index
    %get3A_242 = arith.constant 0 : index
    %get3A_243 = vector.load %arg5[%get3A_241, %get3A_242] : memref<512x2048xf32, #tpu.memory_space<vmem>>, vector<512x2048xf32>
    %argmax3A_244 = tpu.reduce_index %get3A_243 {axis = 1 : i32, kind = #tpu.reduction_kind<arg_max>} : vector<512x2048xf32> -> vector<512xi32>
    %broadcast_in_dim3A_245 = vector.shape_cast %argmax3A_244 : vector<512xi32> to vector<512x1xi32>
    %eq3A_246 = vector.broadcast %broadcast_in_dim3A_245 : vector<512x1xi32> to vector<512x2048xi32>
    %eq3A_247 = arith.cmpi eq, %iota3A, %eq3A_246 : vector<512x2048xi32>
    %jit3A_248 = arith.constant -3.000000e+38 : f32
    %broadcast_in_dim3A_249 = vector.broadcast %jit3A_248 : f32 to vector<512x2048xf32>
    %select_n3A_250 = arith.select %eq3A_247, %broadcast_in_dim3A_249, %get3A_243 : vector<512x2048xi1>, vector<512x2048xf32>
    %swap3A_251 = arith.constant 0 : index
    %swap3A_252 = arith.constant 0 : index
    %swap3A_253 = vector.load %arg5[%swap3A_251, %swap3A_252] : memref<512x2048xf32, #tpu.memory_space<vmem>>, vector<512x2048xf32>
    tpu.vector_store %arg5[%swap3A_251, %swap3A_252], %select_n3A_250 {strides = array<i32>} : memref<512x2048xf32, #tpu.memory_space<vmem>>, vector<512x2048xf32>,
    %swap3A_254 = arith.constant 0 : index
    %swap3A_255 = arith.constant 0 : index
    %swap3A_256 = arith.constant 12 : index
    %swap3A_257 = vector.load %arg4[%swap3A_254, %swap3A_255, %swap3A_256] : memref<1x512x32xi32, #tpu.memory_space<vmem>>, vector<1x512x1xi32>
    %swap3A_258 = vector.shape_cast %swap3A_257 : vector<1x512x1xi32> to vector<512x1xi32>
    %swap3A_259 = vector.shape_cast %broadcast_in_dim3A_245 : vector<512x1xi32> to vector<1x512x1xi32>
    tpu.vector_store %arg4[%swap3A_254, %swap3A_255, %swap3A_256], %swap3A_259 {strides = array<i32>} : memref<1x512x32xi32, #tpu.memory_space<vmem>>, vector<1x512x1xi32>,
    %get3A_260 = arith.constant 0 : index
    %get3A_261 = arith.constant 0 : index
    %get3A_262 = vector.load %arg5[%get3A_260, %get3A_261] : memref<512x2048xf32, #tpu.memory_space<vmem>>, vector<512x2048xf32>
    %argmax3A_263 = tpu.reduce_index %get3A_262 {axis = 1 : i32, kind = #tpu.reduction_kind<arg_max>} : vector<512x2048xf32> -> vector<512xi32>
    %broadcast_in_dim3A_264 = vector.shape_cast %argmax3A_263 : vector<512xi32> to vector<512x1xi32>
    %eq3A_265 = vector.broadcast %broadcast_in_dim3A_264 : vector<512x1xi32> to vector<512x2048xi32>
    %eq3A_266 = arith.cmpi eq, %iota3A, %eq3A_265 : vector<512x2048xi32>
    %jit3A_267 = arith.constant -3.000000e+38 : f32
    %broadcast_in_dim3A_268 = vector.broadcast %jit3A_267 : f32 to vector<512x2048xf32>
    %select_n3A_269 = arith.select %eq3A_266, %broadcast_in_dim3A_268, %get3A_262 : vector<512x2048xi1>, vector<512x2048xf32>
    %swap3A_270 = arith.constant 0 : index
    %swap3A_271 = arith.constant 0 : index
    %swap3A_272 = vector.load %arg5[%swap3A_270, %swap3A_271] : memref<512x2048xf32, #tpu.memory_space<vmem>>, vector<512x2048xf32>
    tpu.vector_store %arg5[%swap3A_270, %swap3A_271], %select_n3A_269 {strides = array<i32>} : memref<512x2048xf32, #tpu.memory_space<vmem>>, vector<512x2048xf32>,
    %swap3A_273 = arith.constant 0 : index
    %swap3A_274 = arith.constant 0 : index
    %swap3A_275 = arith.constant 13 : index
    %swap3A_276 = vector.load %arg4[%swap3A_273, %swap3A_274, %swap3A_275] : memref<1x512x32xi32, #tpu.memory_space<vmem>>, vector<1x512x1xi32>
    %swap3A_277 = vector.shape_cast %swap3A_276 : vector<1x512x1xi32> to vector<512x1xi32>
    %swap3A_278 = vector.shape_cast %broadcast_in_dim3A_264 : vector<512x1xi32> to vector<1x512x1xi32>
    tpu.vector_store %arg4[%swap3A_273, %swap3A_274, %swap3A_275], %swap3A_278 {strides = array<i32>} : memref<1x512x32xi32, #tpu.memory_space<vmem>>, vector<1x512x1xi32>,
    %get3A_279 = arith.constant 0 : index
    %get3A_280 = arith.constant 0 : index
    %get3A_281 = vector.load %arg5[%get3A_279, %get3A_280] : memref<512x2048xf32, #tpu.memory_space<vmem>>, vector<512x2048xf32>
    %argmax3A_282 = tpu.reduce_index %get3A_281 {axis = 1 : i32, kind = #tpu.reduction_kind<arg_max>} : vector<512x2048xf32> -> vector<512xi32>
    %broadcast_in_dim3A_283 = vector.shape_cast %argmax3A_282 : vector<512xi32> to vector<512x1xi32>
    %eq3A_284 = vector.broadcast %broadcast_in_dim3A_283 : vector<512x1xi32> to vector<512x2048xi32>
    %eq3A_285 = arith.cmpi eq, %iota3A, %eq3A_284 : vector<512x2048xi32>
    %jit3A_286 = arith.constant -3.000000e+38 : f32
    %broadcast_in_dim3A_287 = vector.broadcast %jit3A_286 : f32 to vector<512x2048xf32>
    %select_n3A_288 = arith.select %eq3A_285, %broadcast_in_dim3A_287, %get3A_281 : vector<512x2048xi1>, vector<512x2048xf32>
    %swap3A_289 = arith.constant 0 : index
    %swap3A_290 = arith.constant 0 : index
    %swap3A_291 = vector.load %arg5[%swap3A_289, %swap3A_290] : memref<512x2048xf32, #tpu.memory_space<vmem>>, vector<512x2048xf32>
    tpu.vector_store %arg5[%swap3A_289, %swap3A_290], %select_n3A_288 {strides = array<i32>} : memref<512x2048xf32, #tpu.memory_space<vmem>>, vector<512x2048xf32>,
    %swap3A_292 = arith.constant 0 : index
    %swap3A_293 = arith.constant 0 : index
    %swap3A_294 = arith.constant 14 : index
    %swap3A_295 = vector.load %arg4[%swap3A_292, %swap3A_293, %swap3A_294] : memref<1x512x32xi32, #tpu.memory_space<vmem>>, vector<1x512x1xi32>
    %swap3A_296 = vector.shape_cast %swap3A_295 : vector<1x512x1xi32> to vector<512x1xi32>
    %swap3A_297 = vector.shape_cast %broadcast_in_dim3A_283 : vector<512x1xi32> to vector<1x512x1xi32>
    tpu.vector_store %arg4[%swap3A_292, %swap3A_293, %swap3A_294], %swap3A_297 {strides = array<i32>} : memref<1x512x32xi32, #tpu.memory_space<vmem>>, vector<1x512x1xi32>,
    %get3A_298 = arith.constant 0 : index
    %get3A_299 = arith.constant 0 : index
    %get3A_300 = vector.load %arg5[%get3A_298, %get3A_299] : memref<512x2048xf32, #tpu.memory_space<vmem>>, vector<512x2048xf32>
    %argmax3A_301 = tpu.reduce_index %get3A_300 {axis = 1 : i32, kind = #tpu.reduction_kind<arg_max>} : vector<512x2048xf32> -> vector<512xi32>
    %broadcast_in_dim3A_302 = vector.shape_cast %argmax3A_301 : vector<512xi32> to vector<512x1xi32>
    %eq3A_303 = vector.broadcast %broadcast_in_dim3A_302 : vector<512x1xi32> to vector<512x2048xi32>
    %eq3A_304 = arith.cmpi eq, %iota3A, %eq3A_303 : vector<512x2048xi32>
    %jit3A_305 = arith.constant -3.000000e+38 : f32
    %broadcast_in_dim3A_306 = vector.broadcast %jit3A_305 : f32 to vector<512x2048xf32>
    %select_n3A_307 = arith.select %eq3A_304, %broadcast_in_dim3A_306, %get3A_300 : vector<512x2048xi1>, vector<512x2048xf32>
    %swap3A_308 = arith.constant 0 : index
    %swap3A_309 = arith.constant 0 : index
    %swap3A_310 = vector.load %arg5[%swap3A_308, %swap3A_309] : memref<512x2048xf32, #tpu.memory_space<vmem>>, vector<512x2048xf32>
    tpu.vector_store %arg5[%swap3A_308, %swap3A_309], %select_n3A_307 {strides = array<i32>} : memref<512x2048xf32, #tpu.memory_space<vmem>>, vector<512x2048xf32>,
    %swap3A_311 = arith.constant 0 : index
    %swap3A_312 = arith.constant 0 : index
    %swap3A_313 = arith.constant 15 : index
    %swap3A_314 = vector.load %arg4[%swap3A_311, %swap3A_312, %swap3A_313] : memref<1x512x32xi32, #tpu.memory_space<vmem>>, vector<1x512x1xi32>
    %swap3A_315 = vector.shape_cast %swap3A_314 : vector<1x512x1xi32> to vector<512x1xi32>
    %swap3A_316 = vector.shape_cast %broadcast_in_dim3A_302 : vector<512x1xi32> to vector<1x512x1xi32>
    tpu.vector_store %arg4[%swap3A_311, %swap3A_312, %swap3A_313], %swap3A_316 {strides = array<i32>} : memref<1x512x32xi32, #tpu.memory_space<vmem>>, vector<1x512x1xi32>,
    %get3A_317 = arith.constant 0 : index
    %get3A_318 = arith.constant 0 : index
    %get3A_319 = vector.load %arg5[%get3A_317, %get3A_318] : memref<512x2048xf32, #tpu.memory_space<vmem>>, vector<512x2048xf32>
    %argmax3A_320 = tpu.reduce_index %get3A_319 {axis = 1 : i32, kind = #tpu.reduction_kind<arg_max>} : vector<512x2048xf32> -> vector<512xi32>
    %broadcast_in_dim3A_321 = vector.shape_cast %argmax3A_320 : vector<512xi32> to vector<512x1xi32>
    %eq3A_322 = vector.broadcast %broadcast_in_dim3A_321 : vector<512x1xi32> to vector<512x2048xi32>
    %eq3A_323 = arith.cmpi eq, %iota3A, %eq3A_322 : vector<512x2048xi32>
    %jit3A_324 = arith.constant -3.000000e+38 : f32
    %broadcast_in_dim3A_325 = vector.broadcast %jit3A_324 : f32 to vector<512x2048xf32>
    %select_n3A_326 = arith.select %eq3A_323, %broadcast_in_dim3A_325, %get3A_319 : vector<512x2048xi1>, vector<512x2048xf32>
    %swap3A_327 = arith.constant 0 : index
    %swap3A_328 = arith.constant 0 : index
    %swap3A_329 = vector.load %arg5[%swap3A_327, %swap3A_328] : memref<512x2048xf32, #tpu.memory_space<vmem>>, vector<512x2048xf32>
    tpu.vector_store %arg5[%swap3A_327, %swap3A_328], %select_n3A_326 {strides = array<i32>} : memref<512x2048xf32, #tpu.memory_space<vmem>>, vector<512x2048xf32>,
    %swap3A_330 = arith.constant 0 : index
    %swap3A_331 = arith.constant 0 : index
    %swap3A_332 = arith.constant 16 : index
    %swap3A_333 = vector.load %arg4[%swap3A_330, %swap3A_331, %swap3A_332] : memref<1x512x32xi32, #tpu.memory_space<vmem>>, vector<1x512x1xi32>
    %swap3A_334 = vector.shape_cast %swap3A_333 : vector<1x512x1xi32> to vector<512x1xi32>
    %swap3A_335 = vector.shape_cast %broadcast_in_dim3A_321 : vector<512x1xi32> to vector<1x512x1xi32>
    tpu.vector_store %arg4[%swap3A_330, %swap3A_331, %swap3A_332], %swap3A_335 {strides = array<i32>} : memref<1x512x32xi32, #tpu.memory_space<vmem>>, vector<1x512x1xi32>,
    %get3A_336 = arith.constant 0 : index
    %get3A_337 = arith.constant 0 : index
    %get3A_338 = vector.load %arg5[%get3A_336, %get3A_337] : memref<512x2048xf32, #tpu.memory_space<vmem>>, vector<512x2048xf32>
    %argmax3A_339 = tpu.reduce_index %get3A_338 {axis = 1 : i32, kind = #tpu.reduction_kind<arg_max>} : vector<512x2048xf32> -> vector<512xi32>
    %broadcast_in_dim3A_340 = vector.shape_cast %argmax3A_339 : vector<512xi32> to vector<512x1xi32>
    %eq3A_341 = vector.broadcast %broadcast_in_dim3A_340 : vector<512x1xi32> to vector<512x2048xi32>
    %eq3A_342 = arith.cmpi eq, %iota3A, %eq3A_341 : vector<512x2048xi32>
    %jit3A_343 = arith.constant -3.000000e+38 : f32
    %broadcast_in_dim3A_344 = vector.broadcast %jit3A_343 : f32 to vector<512x2048xf32>
    %select_n3A_345 = arith.select %eq3A_342, %broadcast_in_dim3A_344, %get3A_338 : vector<512x2048xi1>, vector<512x2048xf32>
    %swap3A_346 = arith.constant 0 : index
    %swap3A_347 = arith.constant 0 : index
    %swap3A_348 = vector.load %arg5[%swap3A_346, %swap3A_347] : memref<512x2048xf32, #tpu.memory_space<vmem>>, vector<512x2048xf32>
    tpu.vector_store %arg5[%swap3A_346, %swap3A_347], %select_n3A_345 {strides = array<i32>} : memref<512x2048xf32, #tpu.memory_space<vmem>>, vector<512x2048xf32>,
    %swap3A_349 = arith.constant 0 : index
    %swap3A_350 = arith.constant 0 : index
    %swap3A_351 = arith.constant 17 : index
    %swap3A_352 = vector.load %arg4[%swap3A_349, %swap3A_350, %swap3A_351] : memref<1x512x32xi32, #tpu.memory_space<vmem>>, vector<1x512x1xi32>
    %swap3A_353 = vector.shape_cast %swap3A_352 : vector<1x512x1xi32> to vector<512x1xi32>
    %swap3A_354 = vector.shape_cast %broadcast_in_dim3A_340 : vector<512x1xi32> to vector<1x512x1xi32>
    tpu.vector_store %arg4[%swap3A_349, %swap3A_350, %swap3A_351], %swap3A_354 {strides = array<i32>} : memref<1x512x32xi32, #tpu.memory_space<vmem>>, vector<1x512x1xi32>,
    %get3A_355 = arith.constant 0 : index
    %get3A_356 = arith.constant 0 : index
    %get3A_357 = vector.load %arg5[%get3A_355, %get3A_356] : memref<512x2048xf32, #tpu.memory_space<vmem>>, vector<512x2048xf32>
    %argmax3A_358 = tpu.reduce_index %get3A_357 {axis = 1 : i32, kind = #tpu.reduction_kind<arg_max>} : vector<512x2048xf32> -> vector<512xi32>
    %broadcast_in_dim3A_359 = vector.shape_cast %argmax3A_358 : vector<512xi32> to vector<512x1xi32>
    %eq3A_360 = vector.broadcast %broadcast_in_dim3A_359 : vector<512x1xi32> to vector<512x2048xi32>
    %eq3A_361 = arith.cmpi eq, %iota3A, %eq3A_360 : vector<512x2048xi32>
    %jit3A_362 = arith.constant -3.000000e+38 : f32
    %broadcast_in_dim3A_363 = vector.broadcast %jit3A_362 : f32 to vector<512x2048xf32>
    %select_n3A_364 = arith.select %eq3A_361, %broadcast_in_dim3A_363, %get3A_357 : vector<512x2048xi1>, vector<512x2048xf32>
    %swap3A_365 = arith.constant 0 : index
    %swap3A_366 = arith.constant 0 : index
    %swap3A_367 = vector.load %arg5[%swap3A_365, %swap3A_366] : memref<512x2048xf32, #tpu.memory_space<vmem>>, vector<512x2048xf32>
    tpu.vector_store %arg5[%swap3A_365, %swap3A_366], %select_n3A_364 {strides = array<i32>} : memref<512x2048xf32, #tpu.memory_space<vmem>>, vector<512x2048xf32>,
    %swap3A_368 = arith.constant 0 : index
    %swap3A_369 = arith.constant 0 : index
    %swap3A_370 = arith.constant 18 : index
    %swap3A_371 = vector.load %arg4[%swap3A_368, %swap3A_369, %swap3A_370] : memref<1x512x32xi32, #tpu.memory_space<vmem>>, vector<1x512x1xi32>
    %swap3A_372 = vector.shape_cast %swap3A_371 : vector<1x512x1xi32> to vector<512x1xi32>
    %swap3A_373 = vector.shape_cast %broadcast_in_dim3A_359 : vector<512x1xi32> to vector<1x512x1xi32>
    tpu.vector_store %arg4[%swap3A_368, %swap3A_369, %swap3A_370], %swap3A_373 {strides = array<i32>} : memref<1x512x32xi32, #tpu.memory_space<vmem>>, vector<1x512x1xi32>,
    %get3A_374 = arith.constant 0 : index
    %get3A_375 = arith.constant 0 : index
    %get3A_376 = vector.load %arg5[%get3A_374, %get3A_375] : memref<512x2048xf32, #tpu.memory_space<vmem>>, vector<512x2048xf32>
    %argmax3A_377 = tpu.reduce_index %get3A_376 {axis = 1 : i32, kind = #tpu.reduction_kind<arg_max>} : vector<512x2048xf32> -> vector<512xi32>
    %broadcast_in_dim3A_378 = vector.shape_cast %argmax3A_377 : vector<512xi32> to vector<512x1xi32>
    %eq3A_379 = vector.broadcast %broadcast_in_dim3A_378 : vector<512x1xi32> to vector<512x2048xi32>
    %eq3A_380 = arith.cmpi eq, %iota3A, %eq3A_379 : vector<512x2048xi32>
    %jit3A_381 = arith.constant -3.000000e+38 : f32
    %broadcast_in_dim3A_382 = vector.broadcast %jit3A_381 : f32 to vector<512x2048xf32>
    %select_n3A_383 = arith.select %eq3A_380, %broadcast_in_dim3A_382, %get3A_376 : vector<512x2048xi1>, vector<512x2048xf32>
    %swap3A_384 = arith.constant 0 : index
    %swap3A_385 = arith.constant 0 : index
    %swap3A_386 = vector.load %arg5[%swap3A_384, %swap3A_385] : memref<512x2048xf32, #tpu.memory_space<vmem>>, vector<512x2048xf32>
    tpu.vector_store %arg5[%swap3A_384, %swap3A_385], %select_n3A_383 {strides = array<i32>} : memref<512x2048xf32, #tpu.memory_space<vmem>>, vector<512x2048xf32>,
    %swap3A_387 = arith.constant 0 : index
    %swap3A_388 = arith.constant 0 : index
    %swap3A_389 = arith.constant 19 : index
    %swap3A_390 = vector.load %arg4[%swap3A_387, %swap3A_388, %swap3A_389] : memref<1x512x32xi32, #tpu.memory_space<vmem>>, vector<1x512x1xi32>
    %swap3A_391 = vector.shape_cast %swap3A_390 : vector<1x512x1xi32> to vector<512x1xi32>
    %swap3A_392 = vector.shape_cast %broadcast_in_dim3A_378 : vector<512x1xi32> to vector<1x512x1xi32>
    tpu.vector_store %arg4[%swap3A_387, %swap3A_388, %swap3A_389], %swap3A_392 {strides = array<i32>} : memref<1x512x32xi32, #tpu.memory_space<vmem>>, vector<1x512x1xi32>,
    %get3A_393 = arith.constant 0 : index
    %get3A_394 = arith.constant 0 : index
    %get3A_395 = vector.load %arg5[%get3A_393, %get3A_394] : memref<512x2048xf32, #tpu.memory_space<vmem>>, vector<512x2048xf32>
    %argmax3A_396 = tpu.reduce_index %get3A_395 {axis = 1 : i32, kind = #tpu.reduction_kind<arg_max>} : vector<512x2048xf32> -> vector<512xi32>
    %broadcast_in_dim3A_397 = vector.shape_cast %argmax3A_396 : vector<512xi32> to vector<512x1xi32>
    %eq3A_398 = vector.broadcast %broadcast_in_dim3A_397 : vector<512x1xi32> to vector<512x2048xi32>
    %eq3A_399 = arith.cmpi eq, %iota3A, %eq3A_398 : vector<512x2048xi32>
    %jit3A_400 = arith.constant -3.000000e+38 : f32
    %broadcast_in_dim3A_401 = vector.broadcast %jit3A_400 : f32 to vector<512x2048xf32>
    %select_n3A_402 = arith.select %eq3A_399, %broadcast_in_dim3A_401, %get3A_395 : vector<512x2048xi1>, vector<512x2048xf32>
    %swap3A_403 = arith.constant 0 : index
    %swap3A_404 = arith.constant 0 : index
    %swap3A_405 = vector.load %arg5[%swap3A_403, %swap3A_404] : memref<512x2048xf32, #tpu.memory_space<vmem>>, vector<512x2048xf32>
    tpu.vector_store %arg5[%swap3A_403, %swap3A_404], %select_n3A_402 {strides = array<i32>} : memref<512x2048xf32, #tpu.memory_space<vmem>>, vector<512x2048xf32>,
    %swap3A_406 = arith.constant 0 : index
    %swap3A_407 = arith.constant 0 : index
    %swap3A_408 = arith.constant 20 : index
    %swap3A_409 = vector.load %arg4[%swap3A_406, %swap3A_407, %swap3A_408] : memref<1x512x32xi32, #tpu.memory_space<vmem>>, vector<1x512x1xi32>
    %swap3A_410 = vector.shape_cast %swap3A_409 : vector<1x512x1xi32> to vector<512x1xi32>
    %swap3A_411 = vector.shape_cast %broadcast_in_dim3A_397 : vector<512x1xi32> to vector<1x512x1xi32>
    tpu.vector_store %arg4[%swap3A_406, %swap3A_407, %swap3A_408], %swap3A_411 {strides = array<i32>} : memref<1x512x32xi32, #tpu.memory_space<vmem>>, vector<1x512x1xi32>,
    %get3A_412 = arith.constant 0 : index
    %get3A_413 = arith.constant 0 : index
    %get3A_414 = vector.load %arg5[%get3A_412, %get3A_413] : memref<512x2048xf32, #tpu.memory_space<vmem>>, vector<512x2048xf32>
    %argmax3A_415 = tpu.reduce_index %get3A_414 {axis = 1 : i32, kind = #tpu.reduction_kind<arg_max>} : vector<512x2048xf32> -> vector<512xi32>
    %broadcast_in_dim3A_416 = vector.shape_cast %argmax3A_415 : vector<512xi32> to vector<512x1xi32>
    %eq3A_417 = vector.broadcast %broadcast_in_dim3A_416 : vector<512x1xi32> to vector<512x2048xi32>
    %eq3A_418 = arith.cmpi eq, %iota3A, %eq3A_417 : vector<512x2048xi32>
    %jit3A_419 = arith.constant -3.000000e+38 : f32
    %broadcast_in_dim3A_420 = vector.broadcast %jit3A_419 : f32 to vector<512x2048xf32>
    %select_n3A_421 = arith.select %eq3A_418, %broadcast_in_dim3A_420, %get3A_414 : vector<512x2048xi1>, vector<512x2048xf32>
    %swap3A_422 = arith.constant 0 : index
    %swap3A_423 = arith.constant 0 : index
    %swap3A_424 = vector.load %arg5[%swap3A_422, %swap3A_423] : memref<512x2048xf32, #tpu.memory_space<vmem>>, vector<512x2048xf32>
    tpu.vector_store %arg5[%swap3A_422, %swap3A_423], %select_n3A_421 {strides = array<i32>} : memref<512x2048xf32, #tpu.memory_space<vmem>>, vector<512x2048xf32>,
    %swap3A_425 = arith.constant 0 : index
    %swap3A_426 = arith.constant 0 : index
    %swap3A_427 = arith.constant 21 : index
    %swap3A_428 = vector.load %arg4[%swap3A_425, %swap3A_426, %swap3A_427] : memref<1x512x32xi32, #tpu.memory_space<vmem>>, vector<1x512x1xi32>
    %swap3A_429 = vector.shape_cast %swap3A_428 : vector<1x512x1xi32> to vector<512x1xi32>
    %swap3A_430 = vector.shape_cast %broadcast_in_dim3A_416 : vector<512x1xi32> to vector<1x512x1xi32>
    tpu.vector_store %arg4[%swap3A_425, %swap3A_426, %swap3A_427], %swap3A_430 {strides = array<i32>} : memref<1x512x32xi32, #tpu.memory_space<vmem>>, vector<1x512x1xi32>,
    %get3A_431 = arith.constant 0 : index
    %get3A_432 = arith.constant 0 : index
    %get3A_433 = vector.load %arg5[%get3A_431, %get3A_432] : memref<512x2048xf32, #tpu.memory_space<vmem>>, vector<512x2048xf32>
    %argmax3A_434 = tpu.reduce_index %get3A_433 {axis = 1 : i32, kind = #tpu.reduction_kind<arg_max>} : vector<512x2048xf32> -> vector<512xi32>
    %broadcast_in_dim3A_435 = vector.shape_cast %argmax3A_434 : vector<512xi32> to vector<512x1xi32>
    %eq3A_436 = vector.broadcast %broadcast_in_dim3A_435 : vector<512x1xi32> to vector<512x2048xi32>
    %eq3A_437 = arith.cmpi eq, %iota3A, %eq3A_436 : vector<512x2048xi32>
    %jit3A_438 = arith.constant -3.000000e+38 : f32
    %broadcast_in_dim3A_439 = vector.broadcast %jit3A_438 : f32 to vector<512x2048xf32>
    %select_n3A_440 = arith.select %eq3A_437, %broadcast_in_dim3A_439, %get3A_433 : vector<512x2048xi1>, vector<512x2048xf32>
    %swap3A_441 = arith.constant 0 : index
    %swap3A_442 = arith.constant 0 : index
    %swap3A_443 = vector.load %arg5[%swap3A_441, %swap3A_442] : memref<512x2048xf32, #tpu.memory_space<vmem>>, vector<512x2048xf32>
    tpu.vector_store %arg5[%swap3A_441, %swap3A_442], %select_n3A_440 {strides = array<i32>} : memref<512x2048xf32, #tpu.memory_space<vmem>>, vector<512x2048xf32>,
    %swap3A_444 = arith.constant 0 : index
    %swap3A_445 = arith.constant 0 : index
    %swap3A_446 = arith.constant 22 : index
    %swap3A_447 = vector.load %arg4[%swap3A_444, %swap3A_445, %swap3A_446] : memref<1x512x32xi32, #tpu.memory_space<vmem>>, vector<1x512x1xi32>
    %swap3A_448 = vector.shape_cast %swap3A_447 : vector<1x512x1xi32> to vector<512x1xi32>
    %swap3A_449 = vector.shape_cast %broadcast_in_dim3A_435 : vector<512x1xi32> to vector<1x512x1xi32>
    tpu.vector_store %arg4[%swap3A_444, %swap3A_445, %swap3A_446], %swap3A_449 {strides = array<i32>} : memref<1x512x32xi32, #tpu.memory_space<vmem>>, vector<1x512x1xi32>,
    %get3A_450 = arith.constant 0 : index
    %get3A_451 = arith.constant 0 : index
    %get3A_452 = vector.load %arg5[%get3A_450, %get3A_451] : memref<512x2048xf32, #tpu.memory_space<vmem>>, vector<512x2048xf32>
    %argmax3A_453 = tpu.reduce_index %get3A_452 {axis = 1 : i32, kind = #tpu.reduction_kind<arg_max>} : vector<512x2048xf32> -> vector<512xi32>
    %broadcast_in_dim3A_454 = vector.shape_cast %argmax3A_453 : vector<512xi32> to vector<512x1xi32>
    %eq3A_455 = vector.broadcast %broadcast_in_dim3A_454 : vector<512x1xi32> to vector<512x2048xi32>
    %eq3A_456 = arith.cmpi eq, %iota3A, %eq3A_455 : vector<512x2048xi32>
    %jit3A_457 = arith.constant -3.000000e+38 : f32
    %broadcast_in_dim3A_458 = vector.broadcast %jit3A_457 : f32 to vector<512x2048xf32>
    %select_n3A_459 = arith.select %eq3A_456, %broadcast_in_dim3A_458, %get3A_452 : vector<512x2048xi1>, vector<512x2048xf32>
    %swap3A_460 = arith.constant 0 : index
    %swap3A_461 = arith.constant 0 : index
    %swap3A_462 = vector.load %arg5[%swap3A_460, %swap3A_461] : memref<512x2048xf32, #tpu.memory_space<vmem>>, vector<512x2048xf32>
    tpu.vector_store %arg5[%swap3A_460, %swap3A_461], %select_n3A_459 {strides = array<i32>} : memref<512x2048xf32, #tpu.memory_space<vmem>>, vector<512x2048xf32>,
    %swap3A_463 = arith.constant 0 : index
    %swap3A_464 = arith.constant 0 : index
    %swap3A_465 = arith.constant 23 : index
    %swap3A_466 = vector.load %arg4[%swap3A_463, %swap3A_464, %swap3A_465] : memref<1x512x32xi32, #tpu.memory_space<vmem>>, vector<1x512x1xi32>
    %swap3A_467 = vector.shape_cast %swap3A_466 : vector<1x512x1xi32> to vector<512x1xi32>
    %swap3A_468 = vector.shape_cast %broadcast_in_dim3A_454 : vector<512x1xi32> to vector<1x512x1xi32>
    tpu.vector_store %arg4[%swap3A_463, %swap3A_464, %swap3A_465], %swap3A_468 {strides = array<i32>} : memref<1x512x32xi32, #tpu.memory_space<vmem>>, vector<1x512x1xi32>,
    %get3A_469 = arith.constant 0 : index
    %get3A_470 = arith.constant 0 : index
    %get3A_471 = vector.load %arg5[%get3A_469, %get3A_470] : memref<512x2048xf32, #tpu.memory_space<vmem>>, vector<512x2048xf32>
    %argmax3A_472 = tpu.reduce_index %get3A_471 {axis = 1 : i32, kind = #tpu.reduction_kind<arg_max>} : vector<512x2048xf32> -> vector<512xi32>
    %broadcast_in_dim3A_473 = vector.shape_cast %argmax3A_472 : vector<512xi32> to vector<512x1xi32>
    %eq3A_474 = vector.broadcast %broadcast_in_dim3A_473 : vector<512x1xi32> to vector<512x2048xi32>
    %eq3A_475 = arith.cmpi eq, %iota3A, %eq3A_474 : vector<512x2048xi32>
    %jit3A_476 = arith.constant -3.000000e+38 : f32
    %broadcast_in_dim3A_477 = vector.broadcast %jit3A_476 : f32 to vector<512x2048xf32>
    %select_n3A_478 = arith.select %eq3A_475, %broadcast_in_dim3A_477, %get3A_471 : vector<512x2048xi1>, vector<512x2048xf32>
    %swap3A_479 = arith.constant 0 : index
    %swap3A_480 = arith.constant 0 : index
    %swap3A_481 = vector.load %arg5[%swap3A_479, %swap3A_480] : memref<512x2048xf32, #tpu.memory_space<vmem>>, vector<512x2048xf32>
    tpu.vector_store %arg5[%swap3A_479, %swap3A_480], %select_n3A_478 {strides = array<i32>} : memref<512x2048xf32, #tpu.memory_space<vmem>>, vector<512x2048xf32>,
    %swap3A_482 = arith.constant 0 : index
    %swap3A_483 = arith.constant 0 : index
    %swap3A_484 = arith.constant 24 : index
    %swap3A_485 = vector.load %arg4[%swap3A_482, %swap3A_483, %swap3A_484] : memref<1x512x32xi32, #tpu.memory_space<vmem>>, vector<1x512x1xi32>
    %swap3A_486 = vector.shape_cast %swap3A_485 : vector<1x512x1xi32> to vector<512x1xi32>
    %swap3A_487 = vector.shape_cast %broadcast_in_dim3A_473 : vector<512x1xi32> to vector<1x512x1xi32>
    tpu.vector_store %arg4[%swap3A_482, %swap3A_483, %swap3A_484], %swap3A_487 {strides = array<i32>} : memref<1x512x32xi32, #tpu.memory_space<vmem>>, vector<1x512x1xi32>,
    %get3A_488 = arith.constant 0 : index
    %get3A_489 = arith.constant 0 : index
    %get3A_490 = vector.load %arg5[%get3A_488, %get3A_489] : memref<512x2048xf32, #tpu.memory_space<vmem>>, vector<512x2048xf32>
    %argmax3A_491 = tpu.reduce_index %get3A_490 {axis = 1 : i32, kind = #tpu.reduction_kind<arg_max>} : vector<512x2048xf32> -> vector<512xi32>
    %broadcast_in_dim3A_492 = vector.shape_cast %argmax3A_491 : vector<512xi32> to vector<512x1xi32>
    %eq3A_493 = vector.broadcast %broadcast_in_dim3A_492 : vector<512x1xi32> to vector<512x2048xi32>
    %eq3A_494 = arith.cmpi eq, %iota3A, %eq3A_493 : vector<512x2048xi32>
    %jit3A_495 = arith.constant -3.000000e+38 : f32
    %broadcast_in_dim3A_496 = vector.broadcast %jit3A_495 : f32 to vector<512x2048xf32>
    %select_n3A_497 = arith.select %eq3A_494, %broadcast_in_dim3A_496, %get3A_490 : vector<512x2048xi1>, vector<512x2048xf32>
    %swap3A_498 = arith.constant 0 : index
    %swap3A_499 = arith.constant 0 : index
    %swap3A_500 = vector.load %arg5[%swap3A_498, %swap3A_499] : memref<512x2048xf32, #tpu.memory_space<vmem>>, vector<512x2048xf32>
    tpu.vector_store %arg5[%swap3A_498, %swap3A_499], %select_n3A_497 {strides = array<i32>} : memref<512x2048xf32, #tpu.memory_space<vmem>>, vector<512x2048xf32>,
    %swap3A_501 = arith.constant 0 : index
    %swap3A_502 = arith.constant 0 : index
    %swap3A_503 = arith.constant 25 : index
    %swap3A_504 = vector.load %arg4[%swap3A_501, %swap3A_502, %swap3A_503] : memref<1x512x32xi32, #tpu.memory_space<vmem>>, vector<1x512x1xi32>
    %swap3A_505 = vector.shape_cast %swap3A_504 : vector<1x512x1xi32> to vector<512x1xi32>
    %swap3A_506 = vector.shape_cast %broadcast_in_dim3A_492 : vector<512x1xi32> to vector<1x512x1xi32>
    tpu.vector_store %arg4[%swap3A_501, %swap3A_502, %swap3A_503], %swap3A_506 {strides = array<i32>} : memref<1x512x32xi32, #tpu.memory_space<vmem>>, vector<1x512x1xi32>,
    %get3A_507 = arith.constant 0 : index
    %get3A_508 = arith.constant 0 : index
    %get3A_509 = vector.load %arg5[%get3A_507, %get3A_508] : memref<512x2048xf32, #tpu.memory_space<vmem>>, vector<512x2048xf32>
    %argmax3A_510 = tpu.reduce_index %get3A_509 {axis = 1 : i32, kind = #tpu.reduction_kind<arg_max>} : vector<512x2048xf32> -> vector<512xi32>
    %broadcast_in_dim3A_511 = vector.shape_cast %argmax3A_510 : vector<512xi32> to vector<512x1xi32>
    %eq3A_512 = vector.broadcast %broadcast_in_dim3A_511 : vector<512x1xi32> to vector<512x2048xi32>
    %eq3A_513 = arith.cmpi eq, %iota3A, %eq3A_512 : vector<512x2048xi32>
    %jit3A_514 = arith.constant -3.000000e+38 : f32
    %broadcast_in_dim3A_515 = vector.broadcast %jit3A_514 : f32 to vector<512x2048xf32>
    %select_n3A_516 = arith.select %eq3A_513, %broadcast_in_dim3A_515, %get3A_509 : vector<512x2048xi1>, vector<512x2048xf32>
    %swap3A_517 = arith.constant 0 : index
    %swap3A_518 = arith.constant 0 : index
    %swap3A_519 = vector.load %arg5[%swap3A_517, %swap3A_518] : memref<512x2048xf32, #tpu.memory_space<vmem>>, vector<512x2048xf32>
    tpu.vector_store %arg5[%swap3A_517, %swap3A_518], %select_n3A_516 {strides = array<i32>} : memref<512x2048xf32, #tpu.memory_space<vmem>>, vector<512x2048xf32>,
    %swap3A_520 = arith.constant 0 : index
    %swap3A_521 = arith.constant 0 : index
    %swap3A_522 = arith.constant 26 : index
    %swap3A_523 = vector.load %arg4[%swap3A_520, %swap3A_521, %swap3A_522] : memref<1x512x32xi32, #tpu.memory_space<vmem>>, vector<1x512x1xi32>
    %swap3A_524 = vector.shape_cast %swap3A_523 : vector<1x512x1xi32> to vector<512x1xi32>
    %swap3A_525 = vector.shape_cast %broadcast_in_dim3A_511 : vector<512x1xi32> to vector<1x512x1xi32>
    tpu.vector_store %arg4[%swap3A_520, %swap3A_521, %swap3A_522], %swap3A_525 {strides = array<i32>} : memref<1x512x32xi32, #tpu.memory_space<vmem>>, vector<1x512x1xi32>,
    %get3A_526 = arith.constant 0 : index
    %get3A_527 = arith.constant 0 : index
    %get3A_528 = vector.load %arg5[%get3A_526, %get3A_527] : memref<512x2048xf32, #tpu.memory_space<vmem>>, vector<512x2048xf32>
    %argmax3A_529 = tpu.reduce_index %get3A_528 {axis = 1 : i32, kind = #tpu.reduction_kind<arg_max>} : vector<512x2048xf32> -> vector<512xi32>
    %broadcast_in_dim3A_530 = vector.shape_cast %argmax3A_529 : vector<512xi32> to vector<512x1xi32>
    %eq3A_531 = vector.broadcast %broadcast_in_dim3A_530 : vector<512x1xi32> to vector<512x2048xi32>
    %eq3A_532 = arith.cmpi eq, %iota3A, %eq3A_531 : vector<512x2048xi32>
    %jit3A_533 = arith.constant -3.000000e+38 : f32
    %broadcast_in_dim3A_534 = vector.broadcast %jit3A_533 : f32 to vector<512x2048xf32>
    %select_n3A_535 = arith.select %eq3A_532, %broadcast_in_dim3A_534, %get3A_528 : vector<512x2048xi1>, vector<512x2048xf32>
    %swap3A_536 = arith.constant 0 : index
    %swap3A_537 = arith.constant 0 : index
    %swap3A_538 = vector.load %arg5[%swap3A_536, %swap3A_537] : memref<512x2048xf32, #tpu.memory_space<vmem>>, vector<512x2048xf32>
    tpu.vector_store %arg5[%swap3A_536, %swap3A_537], %select_n3A_535 {strides = array<i32>} : memref<512x2048xf32, #tpu.memory_space<vmem>>, vector<512x2048xf32>,
    %swap3A_539 = arith.constant 0 : index
    %swap3A_540 = arith.constant 0 : index
    %swap3A_541 = arith.constant 27 : index
    %swap3A_542 = vector.load %arg4[%swap3A_539, %swap3A_540, %swap3A_541] : memref<1x512x32xi32, #tpu.memory_space<vmem>>, vector<1x512x1xi32>
    %swap3A_543 = vector.shape_cast %swap3A_542 : vector<1x512x1xi32> to vector<512x1xi32>
    %swap3A_544 = vector.shape_cast %broadcast_in_dim3A_530 : vector<512x1xi32> to vector<1x512x1xi32>
    tpu.vector_store %arg4[%swap3A_539, %swap3A_540, %swap3A_541], %swap3A_544 {strides = array<i32>} : memref<1x512x32xi32, #tpu.memory_space<vmem>>, vector<1x512x1xi32>,
    %get3A_545 = arith.constant 0 : index
    %get3A_546 = arith.constant 0 : index
    %get3A_547 = vector.load %arg5[%get3A_545, %get3A_546] : memref<512x2048xf32, #tpu.memory_space<vmem>>, vector<512x2048xf32>
    %argmax3A_548 = tpu.reduce_index %get3A_547 {axis = 1 : i32, kind = #tpu.reduction_kind<arg_max>} : vector<512x2048xf32> -> vector<512xi32>
    %broadcast_in_dim3A_549 = vector.shape_cast %argmax3A_548 : vector<512xi32> to vector<512x1xi32>
    %eq3A_550 = vector.broadcast %broadcast_in_dim3A_549 : vector<512x1xi32> to vector<512x2048xi32>
    %eq3A_551 = arith.cmpi eq, %iota3A, %eq3A_550 : vector<512x2048xi32>
    %jit3A_552 = arith.constant -3.000000e+38 : f32
    %broadcast_in_dim3A_553 = vector.broadcast %jit3A_552 : f32 to vector<512x2048xf32>
    %select_n3A_554 = arith.select %eq3A_551, %broadcast_in_dim3A_553, %get3A_547 : vector<512x2048xi1>, vector<512x2048xf32>
    %swap3A_555 = arith.constant 0 : index
    %swap3A_556 = arith.constant 0 : index
    %swap3A_557 = vector.load %arg5[%swap3A_555, %swap3A_556] : memref<512x2048xf32, #tpu.memory_space<vmem>>, vector<512x2048xf32>
    tpu.vector_store %arg5[%swap3A_555, %swap3A_556], %select_n3A_554 {strides = array<i32>} : memref<512x2048xf32, #tpu.memory_space<vmem>>, vector<512x2048xf32>,
    %swap3A_558 = arith.constant 0 : index
    %swap3A_559 = arith.constant 0 : index
    %swap3A_560 = arith.constant 28 : index
    %swap3A_561 = vector.load %arg4[%swap3A_558, %swap3A_559, %swap3A_560] : memref<1x512x32xi32, #tpu.memory_space<vmem>>, vector<1x512x1xi32>
    %swap3A_562 = vector.shape_cast %swap3A_561 : vector<1x512x1xi32> to vector<512x1xi32>
    %swap3A_563 = vector.shape_cast %broadcast_in_dim3A_549 : vector<512x1xi32> to vector<1x512x1xi32>
    tpu.vector_store %arg4[%swap3A_558, %swap3A_559, %swap3A_560], %swap3A_563 {strides = array<i32>} : memref<1x512x32xi32, #tpu.memory_space<vmem>>, vector<1x512x1xi32>,
    %get3A_564 = arith.constant 0 : index
    %get3A_565 = arith.constant 0 : index
    %get3A_566 = vector.load %arg5[%get3A_564, %get3A_565] : memref<512x2048xf32, #tpu.memory_space<vmem>>, vector<512x2048xf32>
    %argmax3A_567 = tpu.reduce_index %get3A_566 {axis = 1 : i32, kind = #tpu.reduction_kind<arg_max>} : vector<512x2048xf32> -> vector<512xi32>
    %broadcast_in_dim3A_568 = vector.shape_cast %argmax3A_567 : vector<512xi32> to vector<512x1xi32>
    %eq3A_569 = vector.broadcast %broadcast_in_dim3A_568 : vector<512x1xi32> to vector<512x2048xi32>
    %eq3A_570 = arith.cmpi eq, %iota3A, %eq3A_569 : vector<512x2048xi32>
    %jit3A_571 = arith.constant -3.000000e+38 : f32
    %broadcast_in_dim3A_572 = vector.broadcast %jit3A_571 : f32 to vector<512x2048xf32>
    %select_n3A_573 = arith.select %eq3A_570, %broadcast_in_dim3A_572, %get3A_566 : vector<512x2048xi1>, vector<512x2048xf32>
    %swap3A_574 = arith.constant 0 : index
    %swap3A_575 = arith.constant 0 : index
    %swap3A_576 = vector.load %arg5[%swap3A_574, %swap3A_575] : memref<512x2048xf32, #tpu.memory_space<vmem>>, vector<512x2048xf32>
    tpu.vector_store %arg5[%swap3A_574, %swap3A_575], %select_n3A_573 {strides = array<i32>} : memref<512x2048xf32, #tpu.memory_space<vmem>>, vector<512x2048xf32>,
    %swap3A_577 = arith.constant 0 : index
    %swap3A_578 = arith.constant 0 : index
    %swap3A_579 = arith.constant 29 : index
    %swap3A_580 = vector.load %arg4[%swap3A_577, %swap3A_578, %swap3A_579] : memref<1x512x32xi32, #tpu.memory_space<vmem>>, vector<1x512x1xi32>
    %swap3A_581 = vector.shape_cast %swap3A_580 : vector<1x512x1xi32> to vector<512x1xi32>
    %swap3A_582 = vector.shape_cast %broadcast_in_dim3A_568 : vector<512x1xi32> to vector<1x512x1xi32>
    tpu.vector_store %arg4[%swap3A_577, %swap3A_578, %swap3A_579], %swap3A_582 {strides = array<i32>} : memref<1x512x32xi32, #tpu.memory_space<vmem>>, vector<1x512x1xi32>,
    %get3A_583 = arith.constant 0 : index
    %get3A_584 = arith.constant 0 : index
    %get3A_585 = vector.load %arg5[%get3A_583, %get3A_584] : memref<512x2048xf32, #tpu.memory_space<vmem>>, vector<512x2048xf32>
    %argmax3A_586 = tpu.reduce_index %get3A_585 {axis = 1 : i32, kind = #tpu.reduction_kind<arg_max>} : vector<512x2048xf32> -> vector<512xi32>
    %broadcast_in_dim3A_587 = vector.shape_cast %argmax3A_586 : vector<512xi32> to vector<512x1xi32>
    %eq3A_588 = vector.broadcast %broadcast_in_dim3A_587 : vector<512x1xi32> to vector<512x2048xi32>
    %eq3A_589 = arith.cmpi eq, %iota3A, %eq3A_588 : vector<512x2048xi32>
    %jit3A_590 = arith.constant -3.000000e+38 : f32
    %broadcast_in_dim3A_591 = vector.broadcast %jit3A_590 : f32 to vector<512x2048xf32>
    %select_n3A_592 = arith.select %eq3A_589, %broadcast_in_dim3A_591, %get3A_585 : vector<512x2048xi1>, vector<512x2048xf32>
    %swap3A_593 = arith.constant 0 : index
    %swap3A_594 = arith.constant 0 : index
    %swap3A_595 = vector.load %arg5[%swap3A_593, %swap3A_594] : memref<512x2048xf32, #tpu.memory_space<vmem>>, vector<512x2048xf32>
    tpu.vector_store %arg5[%swap3A_593, %swap3A_594], %select_n3A_592 {strides = array<i32>} : memref<512x2048xf32, #tpu.memory_space<vmem>>, vector<512x2048xf32>,
    %swap3A_596 = arith.constant 0 : index
    %swap3A_597 = arith.constant 0 : index
    %swap3A_598 = arith.constant 30 : index
    %swap3A_599 = vector.load %arg4[%swap3A_596, %swap3A_597, %swap3A_598] : memref<1x512x32xi32, #tpu.memory_space<vmem>>, vector<1x512x1xi32>
    %swap3A_600 = vector.shape_cast %swap3A_599 : vector<1x512x1xi32> to vector<512x1xi32>
    %swap3A_601 = vector.shape_cast %broadcast_in_dim3A_587 : vector<512x1xi32> to vector<1x512x1xi32>
    tpu.vector_store %arg4[%swap3A_596, %swap3A_597, %swap3A_598], %swap3A_601 {strides = array<i32>} : memref<1x512x32xi32, #tpu.memory_space<vmem>>, vector<1x512x1xi32>,
    %get3A_602 = arith.constant 0 : index
    %get3A_603 = arith.constant 0 : index
    %get3A_604 = vector.load %arg5[%get3A_602, %get3A_603] : memref<512x2048xf32, #tpu.memory_space<vmem>>, vector<512x2048xf32>
    %argmax3A_605 = tpu.reduce_index %get3A_604 {axis = 1 : i32, kind = #tpu.reduction_kind<arg_max>} : vector<512x2048xf32> -> vector<512xi32>
    %broadcast_in_dim3A_606 = vector.shape_cast %argmax3A_605 : vector<512xi32> to vector<512x1xi32>
    %eq3A_607 = vector.broadcast %broadcast_in_dim3A_606 : vector<512x1xi32> to vector<512x2048xi32>
    %eq3A_608 = arith.cmpi eq, %iota3A, %eq3A_607 : vector<512x2048xi32>
    %jit3A_609 = arith.constant -3.000000e+38 : f32
    %broadcast_in_dim3A_610 = vector.broadcast %jit3A_609 : f32 to vector<512x2048xf32>
    %select_n3A_611 = arith.select %eq3A_608, %broadcast_in_dim3A_610, %get3A_604 : vector<512x2048xi1>, vector<512x2048xf32>
    %swap3A_612 = arith.constant 0 : index
    %swap3A_613 = arith.constant 0 : index
    %swap3A_614 = vector.load %arg5[%swap3A_612, %swap3A_613] : memref<512x2048xf32, #tpu.memory_space<vmem>>, vector<512x2048xf32>
    tpu.vector_store %arg5[%swap3A_612, %swap3A_613], %select_n3A_611 {strides = array<i32>} : memref<512x2048xf32, #tpu.memory_space<vmem>>, vector<512x2048xf32>,
    %swap3A_615 = arith.constant 0 : index
    %swap3A_616 = arith.constant 0 : index
    %swap3A_617 = arith.constant 31 : index
    %swap3A_618 = vector.load %arg4[%swap3A_615, %swap3A_616, %swap3A_617] : memref<1x512x32xi32, #tpu.memory_space<vmem>>, vector<1x512x1xi32>
    %swap3A_619 = vector.shape_cast %swap3A_618 : vector<1x512x1xi32> to vector<512x1xi32>
    %swap3A_620 = vector.shape_cast %broadcast_in_dim3A_606 : vector<512x1xi32> to vector<1x512x1xi32>
    tpu.vector_store %arg4[%swap3A_615, %swap3A_616, %swap3A_617], %swap3A_620 {strides = array<i32>} : memref<1x512x32xi32, #tpu.memory_space<vmem>>, vector<1x512x1xi32>,
    return
  }
  func.func @transform_0(%arg0: i32, %arg1: i32) -> (i32, i32, i32) {
    %c0_i32 = arith.constant 0 : i32
    %c0_i32_0 = arith.constant 0 : i32
    return %arg0, %arg1, %c0_i32 : i32, i32, i32
  }
  func.func @transform_1(%arg0: i32, %arg1: i32) -> (i32, i32, i32) {
    %c0_i32 = arith.constant 0 : i32
    %c0_i32_0 = arith.constant 0 : i32
    %c0_i32_1 = arith.constant 0 : i32
    return %arg0, %c0_i32, %c0_i32_0 : i32, i32, i32
  }
  func.func @transform_2(%arg0: i32, %arg1: i32) -> (i32, i32, i32) {
    %c0_i32 = arith.constant 0 : i32
    %c0_i32_0 = arith.constant 0 : i32
    return %arg0, %arg1, %c0_i32 : i32, i32, i32
  }
}

module attributes {stable_mosaic.version = 14 : i64} {
  func.func @_stats1_body(%arg0: i32, %arg1: memref<1x3x2048xf32, #tpu.memory_space<vmem>>, %arg2: memref<1x32x3x2048xf32, #tpu.memory_space<vmem>>, %arg3: memref<1x8x8xf32, #tpu.memory_space<vmem>>) attributes {dimension_semantics = [#tpu.dimension_semantics<arbitrary>], iteration_bounds = array<i64: 8>, scalar_prefetch = 0 : i64, scratch_operands = 0 : i64, tpu.core_type = #tpu.core_type<tc>, window_params = [{transform_indices = @transform_0, window_bounds = array<i64: 1, 3, 2048>}, {transform_indices = @transform_1, window_bounds = array<i64: 1, 32, 3, 2048>}, {transform_indices = @transform_2, window_bounds = array<i64: 1, 8, 8>}]} {
    %get3A = arith.constant 0 : index
    %get3A_0 = arith.constant 0 : index
    %get3A_1 = arith.constant 0 : index
    %get3A_2 = vector.load %arg1[%get3A, %get3A_0, %get3A_1] : memref<1x3x2048xf32, #tpu.memory_space<vmem>>, vector<1x3x2048xf32>
    %get3A_3 = vector.shape_cast %get3A_2 : vector<1x3x2048xf32> to vector<3x2048xf32>
    %broadcast_in_dim3A = arith.constant 1.000000e+00 : f32
    %broadcast_in_dim3A_4 = vector.broadcast %broadcast_in_dim3A : f32 to vector<1x2048xf32>
    %broadcast_in_dim3A_5 = arith.constant 0.000000e+00 : f32
    %broadcast_in_dim3A_6 = vector.broadcast %broadcast_in_dim3A_5 : f32 to vector<1x2048xf32>
    %broadcast_in_dim3A_7 = arith.constant 0.000000e+00 : f32
    %broadcast_in_dim3A_8 = vector.broadcast %broadcast_in_dim3A_7 : f32 to vector<8x8xf32>
    %scan3A = arith.constant 0 : i32
    %scan3A_9 = arith.constant 32 : i32
    %scan3A_10 = arith.addi %scan3A, %scan3A_9 : i32
    %scan3A_11 = arith.constant 1 : i32
    %scan3A_12 = scf.for %scan3A_19 = %scan3A to %scan3A_10 step %scan3A_11 iter_args(%scan3A_20 = %broadcast_in_dim3A_8) -> (vector<8x8xf32>)  : i32 {
      %get3A_21 = arith.constant 0 : index
      %get3A_22 = arith.index_cast %scan3A_19 : i32 to index
      %get3A_23 = arith.constant 0 : index
      %get3A_24 = arith.constant 0 : index
      %get3A_25 = vector.load %arg2[%get3A_21, %get3A_22, %get3A_23, %get3A_24] : memref<1x32x3x2048xf32, #tpu.memory_space<vmem>>, vector<1x1x3x2048xf32>
      %get3A_26 = vector.shape_cast %get3A_25 : vector<1x1x3x2048xf32> to vector<3x2048xf32>
      %concatenate3A = tpu.concatenate %get3A_3, %get3A_26, %broadcast_in_dim3A_4, %broadcast_in_dim3A_6 in 0 : vector<3x2048xf32>, vector<3x2048xf32>, vector<1x2048xf32>, vector<1x2048xf32> -> vector<8x2048xf32>
      %dot_general3A = arith.constant dense<0.000000e+00> : vector<8x8xf32>
      %dot_general3A_27 = tpu.matmul %concatenate3A, %concatenate3A, %dot_general3A {dimension_numbers = #tpu.dot_dimension_numbers<[1], [1], [0], [0], [0, 0, 1, 0], [], []>, transpose_lhs_hint = false} : vector<8x2048xf32>, vector<8x2048xf32>, vector<8x8xf32> -> vector<8x8xf32>
      %add3A = arith.addf %scan3A_20, %dot_general3A_27 : vector<8x8xf32>
      scf.yield %add3A : vector<8x8xf32>
    }
    %scan3A_13 = arith.constant 32 : i32
    %swap3A = arith.constant 0 : index
    %swap3A_14 = arith.constant 0 : index
    %swap3A_15 = arith.constant 0 : index
    %swap3A_16 = vector.load %arg3[%swap3A, %swap3A_14, %swap3A_15] : memref<1x8x8xf32, #tpu.memory_space<vmem>>, vector<1x8x8xf32>
    %swap3A_17 = vector.shape_cast %swap3A_16 : vector<1x8x8xf32> to vector<8x8xf32>
    %swap3A_18 = vector.shape_cast %scan3A_12 : vector<8x8xf32> to vector<1x8x8xf32>
    tpu.vector_store %arg3[%swap3A, %swap3A_14, %swap3A_15], %swap3A_18 {strides = array<i32>} : memref<1x8x8xf32, #tpu.memory_space<vmem>>, vector<1x8x8xf32>,
    return
  }
  func.func @transform_0(%arg0: i32) -> (i32, i32, i32) {
    %c0_i32 = arith.constant 0 : i32
    %c0_i32_0 = arith.constant 0 : i32
    %c0_i32_1 = arith.constant 0 : i32
    return %arg0, %c0_i32, %c0_i32_0 : i32, i32, i32
  }
  func.func @transform_1(%arg0: i32) -> (i32, i32, i32, i32) {
    %c0_i32 = arith.constant 0 : i32
    %c0_i32_0 = arith.constant 0 : i32
    %c0_i32_1 = arith.constant 0 : i32
    %c0_i32_2 = arith.constant 0 : i32
    return %arg0, %c0_i32, %c0_i32_0, %c0_i32_1 : i32, i32, i32, i32
  }
  func.func @transform_2(%arg0: i32) -> (i32, i32, i32) {
    %c0_i32 = arith.constant 0 : i32
    %c0_i32_0 = arith.constant 0 : i32
    %c0_i32_1 = arith.constant 0 : i32
    return %arg0, %c0_i32, %c0_i32_0 : i32, i32, i32
  }
}

module attributes {stable_mosaic.version = 14 : i64} {
  func.func @_main_body(%arg0: i32, %arg1: memref<1x3x2048xf32, #tpu.memory_space<vmem>>, %arg2: memref<1x32x3x2048xf32, #tpu.memory_space<vmem>>, %arg3: memref<8x8x8xf32, #tpu.memory_space<vmem>>, %arg4: memref<64x6xf32, #tpu.memory_space<vmem>>, %arg5: memref<64x64xf32, #tpu.memory_space<vmem>>, %arg6: memref<64x4xf32, #tpu.memory_space<vmem>>, %arg7: memref<1x64x2048xf32, #tpu.memory_space<vmem>>, %arg8: memref<1x64x2048xf32, #tpu.memory_space<vmem>>, %arg9: memref<1x64x8xf32, #tpu.memory_space<vmem>>) attributes {dimension_semantics = [#tpu.dimension_semantics<arbitrary>], iteration_bounds = array<i64: 8>, scalar_prefetch = 0 : i64, scratch_operands = 0 : i64, tpu.core_type = #tpu.core_type<tc>, window_params = [{transform_indices = @transform_0, window_bounds = array<i64: 1, 3, 2048>}, {transform_indices = @transform_1, window_bounds = array<i64: 1, 32, 3, 2048>}, {pipeline_mode = #tpu.pipeline_mode<synchronous>, transform_indices = @transform_2, window_bounds = array<i64: 8, 8, 8>}, {pipeline_mode = #tpu.pipeline_mode<synchronous>, transform_indices = @transform_3, window_bounds = array<i64: 64, 6>}, {pipeline_mode = #tpu.pipeline_mode<synchronous>, transform_indices = @transform_4, window_bounds = array<i64: 64, 64>}, {pipeline_mode = #tpu.pipeline_mode<synchronous>, transform_indices = @transform_5, window_bounds = array<i64: 64, 4>}, {transform_indices = @transform_6, window_bounds = array<i64: 1, 64, 2048>}, {transform_indices = @transform_7, window_bounds = array<i64: 1, 64, 2048>}, {transform_indices = @transform_8, window_bounds = array<i64: 1, 64, 8>}]} {
    %get3A = arith.constant 0 : index
    %get3A_0 = arith.constant 0 : index
    %get3A_1 = arith.constant 0 : index
    %get3A_2 = vector.load %arg3[%get3A, %get3A_0, %get3A_1] : memref<8x8x8xf32, #tpu.memory_space<vmem>>, vector<8x8x8xf32>
    %reduce_sum3A = arith.constant dense<0.000000e+00> : vector<8x8xf32>
    %reduce_sum3A_3 = vector.multi_reduction <add>, %get3A_2, %reduce_sum3A [0] : vector<8x8x8xf32> to vector<8x8xf32>
    %slice3A = vector.extract_strided_slice %reduce_sum3A_3 {offsets = [0, 0], sizes = [6, 6], strides = [1, 1]} : vector<8x8xf32> to vector<6x6xf32>
    %slice3A_4 = vector.extract_strided_slice %reduce_sum3A_3 {offsets = [0, 6], sizes = [6, 1], strides = [1, 1]} : vector<8x8xf32> to vector<6x1xf32>
    %get3A_5 = arith.constant 0 : index
    %get3A_6 = arith.constant 0 : index
    %get3A_7 = vector.load %arg4[%get3A_5, %get3A_6] : memref<64x6xf32, #tpu.memory_space<vmem>>, vector<64x6xf32>
    %div3A = arith.constant 5.242880e+05 : f32
    %div3A_8 = vector.broadcast %div3A : f32 to vector<6x1xf32>
    %div3A_9 = arith.divf %slice3A_4, %div3A_8 : vector<6x1xf32>
    %dot_general3A = arith.constant dense<0.000000e+00> : vector<64x1xf32>
    %dot_general3A_10 = tpu.matmul %get3A_7, %div3A_9, %dot_general3A {dimension_numbers = #tpu.dot_dimension_numbers<[1], [0], [0], [1], [0, 0, 1, 1], [], []>, transpose_lhs_hint = false} : vector<64x6xf32>, vector<6x1xf32>, vector<64x1xf32> -> vector<64x1xf32>
    %div3A_11 = arith.constant 5.242880e+05 : f32
    %div3A_12 = vector.broadcast %div3A_11 : f32 to vector<6x6xf32>
    %div3A_13 = arith.divf %slice3A, %div3A_12 : vector<6x6xf32>
    %dot_general3A_14 = arith.constant dense<0.000000e+00> : vector<64x6xf32>
    %dot_general3A_15 = tpu.matmul %get3A_7, %div3A_13, %dot_general3A_14 {dimension_numbers = #tpu.dot_dimension_numbers<[1], [0], [0], [1], [0, 0, 1, 1], [], []>, transpose_lhs_hint = false} : vector<64x6xf32>, vector<6x6xf32>, vector<64x6xf32> -> vector<64x6xf32>
    %mul3A = arith.mulf %dot_general3A_15, %get3A_7 : vector<64x6xf32>
    %reduce_sum3A_16 = arith.constant dense<0.000000e+00> : vector<64xf32>
    %reduce_sum3A_17 = vector.multi_reduction <add>, %mul3A, %reduce_sum3A_16 [1] : vector<64x6xf32> to vector<64xf32>
    %broadcast_in_dim3A = vector.shape_cast %reduce_sum3A_17 : vector<64xf32> to vector<64x1xf32>
    %mul3A_18 = arith.mulf %dot_general3A_10, %dot_general3A_10 : vector<64x1xf32>
    %sub3A = arith.subf %broadcast_in_dim3A, %mul3A_18 : vector<64x1xf32>
    %get3A_19 = arith.constant 0 : index
    %get3A_20 = arith.constant 0 : index
    %get3A_21 = vector.load %arg6[%get3A_19, %get3A_20] : memref<64x4xf32, #tpu.memory_space<vmem>>, vector<64x1xf32>
    %get3A_22 = arith.constant 0 : index
    %get3A_23 = arith.constant 1 : index
    %get3A_24 = vector.load %arg6[%get3A_22, %get3A_23] : memref<64x4xf32, #tpu.memory_space<vmem>>, vector<64x1xf32>
    %add3A = arith.constant 9.99999974E-6 : f32
    %add3A_25 = vector.broadcast %add3A : f32 to vector<64x1xf32>
    %add3A_26 = arith.addf %sub3A, %add3A_25 : vector<64x1xf32>
    %rsqrt3A = math.rsqrt %add3A_26 : vector<64x1xf32>
    %mul3A_27 = arith.mulf %get3A_21, %rsqrt3A : vector<64x1xf32>
    %mul3A_28 = arith.mulf %dot_general3A_10, %mul3A_27 : vector<64x1xf32>
    %sub3A_29 = arith.subf %get3A_24, %mul3A_28 : vector<64x1xf32>
    %mul3A_30 = vector.broadcast %mul3A_27 : vector<64x1xf32> to vector<64x6xf32>
    %mul3A_31 = arith.mulf %get3A_7, %mul3A_30 : vector<64x6xf32>
    %get3A_32 = arith.constant 0 : index
    %get3A_33 = arith.constant 0 : index
    %get3A_34 = arith.constant 0 : index
    %get3A_35 = vector.load %arg1[%get3A_32, %get3A_33, %get3A_34] : memref<1x3x2048xf32, #tpu.memory_space<vmem>>, vector<1x3x2048xf32>
    %get3A_36 = vector.shape_cast %get3A_35 : vector<1x3x2048xf32> to vector<3x2048xf32>
    %slice3A_37 = vector.extract_strided_slice %mul3A_31 {offsets = [0, 0], sizes = [64, 3], strides = [1, 1]} : vector<64x6xf32> to vector<64x3xf32>
    %dot_general3A_38 = arith.constant dense<0.000000e+00> : vector<64x2048xf32>
    %dot_general3A_39 = tpu.matmul %slice3A_37, %get3A_36, %dot_general3A_38 {dimension_numbers = #tpu.dot_dimension_numbers<[1], [0], [0], [1], [0, 0, 1, 1], [], []>, transpose_lhs_hint = false} : vector<64x3xf32>, vector<3x2048xf32>, vector<64x2048xf32> -> vector<64x2048xf32>
    %add3A_40 = vector.broadcast %sub3A_29 : vector<64x1xf32> to vector<64x2048xf32>
    %add3A_41 = arith.addf %dot_general3A_39, %add3A_40 : vector<64x2048xf32>
    %get3A_42 = arith.constant 0 : index
    %get3A_43 = arith.constant 0 : index
    %get3A_44 = vector.load %arg5[%get3A_42, %get3A_43] : memref<64x64xf32, #tpu.memory_space<vmem>>, vector<64x64xf32>
    %slice3A_45 = vector.extract_strided_slice %mul3A_31 {offsets = [0, 3], sizes = [64, 3], strides = [1, 1]} : vector<64x6xf32> to vector<64x3xf32>
    %broadcast_in_dim3A_46 = arith.constant -3.000000e+38 : f32
    %broadcast_in_dim3A_47 = vector.broadcast %broadcast_in_dim3A_46 : f32 to vector<64x2048xf32>
    %swap3A = arith.constant 0 : index
    %swap3A_48 = arith.constant 0 : index
    %swap3A_49 = arith.constant 0 : index
    %swap3A_50 = vector.load %arg7[%swap3A, %swap3A_48, %swap3A_49] : memref<1x64x2048xf32, #tpu.memory_space<vmem>>, vector<1x64x2048xf32>
    %swap3A_51 = vector.shape_cast %swap3A_50 : vector<1x64x2048xf32> to vector<64x2048xf32>
    %swap3A_52 = vector.shape_cast %broadcast_in_dim3A_47 : vector<64x2048xf32> to vector<1x64x2048xf32>
    tpu.vector_store %arg7[%swap3A, %swap3A_48, %swap3A_49], %swap3A_52 {strides = array<i32>} : memref<1x64x2048xf32, #tpu.memory_space<vmem>>, vector<1x64x2048xf32>,
    %broadcast_in_dim3A_53 = arith.constant 3.000000e+38 : f32
    %broadcast_in_dim3A_54 = vector.broadcast %broadcast_in_dim3A_53 : f32 to vector<64x2048xf32>
    %swap3A_55 = arith.constant 0 : index
    %swap3A_56 = arith.constant 0 : index
    %swap3A_57 = arith.constant 0 : index
    %swap3A_58 = vector.load %arg8[%swap3A_55, %swap3A_56, %swap3A_57] : memref<1x64x2048xf32, #tpu.memory_space<vmem>>, vector<1x64x2048xf32>
    %swap3A_59 = vector.shape_cast %swap3A_58 : vector<1x64x2048xf32> to vector<64x2048xf32>
    %swap3A_60 = vector.shape_cast %broadcast_in_dim3A_54 : vector<64x2048xf32> to vector<1x64x2048xf32>
    tpu.vector_store %arg8[%swap3A_55, %swap3A_56, %swap3A_57], %swap3A_60 {strides = array<i32>} : memref<1x64x2048xf32, #tpu.memory_space<vmem>>, vector<1x64x2048xf32>,
    %broadcast_in_dim3A_61 = arith.constant 0.000000e+00 : f32
    %broadcast_in_dim3A_62 = vector.broadcast %broadcast_in_dim3A_61 : f32 to vector<64x1xf32>
    %scan3A = arith.constant 0 : i32
    %scan3A_63 = arith.constant 32 : i32
    %scan3A_64 = arith.addi %scan3A, %scan3A_63 : i32
    %scan3A_65 = arith.constant 1 : i32
    %scan3A_66:2 = scf.for %scan3A_88 = %scan3A to %scan3A_64 step %scan3A_65 iter_args(%scan3A_89 = %broadcast_in_dim3A_62, %scan3A_90 = %broadcast_in_dim3A_62) -> (vector<64x1xf32>, vector<64x1xf32>)  : i32 {
      %get3A_91 = arith.constant 0 : index
      %get3A_92 = arith.index_cast %scan3A_88 : i32 to index
      %get3A_93 = arith.constant 0 : index
      %get3A_94 = arith.constant 0 : index
      %get3A_95 = vector.load %arg2[%get3A_91, %get3A_92, %get3A_93, %get3A_94] : memref<1x32x3x2048xf32, #tpu.memory_space<vmem>>, vector<1x1x3x2048xf32>
      %get3A_96 = vector.shape_cast %get3A_95 : vector<1x1x3x2048xf32> to vector<3x2048xf32>
      %dot_general3A_97 = arith.constant dense<0.000000e+00> : vector<64x2048xf32>
      %dot_general3A_98 = tpu.matmul %slice3A_45, %get3A_96, %dot_general3A_97 {dimension_numbers = #tpu.dot_dimension_numbers<[1], [0], [0], [1], [0, 0, 1, 1], [], []>, transpose_lhs_hint = false} : vector<64x3xf32>, vector<3x2048xf32>, vector<64x2048xf32> -> vector<64x2048xf32>
      %add3A_99 = arith.addf %add3A_41, %dot_general3A_98 : vector<64x2048xf32>
      %gt3A = arith.constant 0.000000e+00 : f32
      %gt3A_100 = vector.broadcast %gt3A : f32 to vector<64x2048xf32>
      %gt3A_101 = arith.cmpf ogt, %add3A_99, %gt3A_100 : vector<64x2048xf32>
      %mul3A_102 = arith.constant 2.000000e-01 : f32
      %mul3A_103 = vector.broadcast %mul3A_102 : f32 to vector<64x2048xf32>
      %mul3A_104 = arith.mulf %mul3A_103, %add3A_99 : vector<64x2048xf32>
      %select_n3A = arith.select %gt3A_101, %add3A_99, %mul3A_104 : vector<64x2048xi1>, vector<64x2048xf32>
      %dot_general3A_105 = arith.constant dense<0.000000e+00> : vector<64x2048xf32>
      %dot_general3A_106 = tpu.matmul %get3A_44, %select_n3A, %dot_general3A_105 {dimension_numbers = #tpu.dot_dimension_numbers<[1], [0], [0], [1], [0, 0, 1, 1], [], []>, transpose_lhs_hint = false} : vector<64x64xf32>, vector<64x2048xf32>, vector<64x2048xf32> -> vector<64x2048xf32>
      %get3A_107 = arith.constant 0 : index
      %get3A_108 = arith.constant 0 : index
      %get3A_109 = arith.constant 0 : index
      %get3A_110 = vector.load %arg7[%get3A_107, %get3A_108, %get3A_109] : memref<1x64x2048xf32, #tpu.memory_space<vmem>>, vector<1x64x2048xf32>
      %get3A_111 = vector.shape_cast %get3A_110 : vector<1x64x2048xf32> to vector<64x2048xf32>
      %max3A = arith.maximumf %get3A_111, %dot_general3A_106 : vector<64x2048xf32>
      %swap3A_112 = arith.constant 0 : index
      %swap3A_113 = arith.constant 0 : index
      %swap3A_114 = arith.constant 0 : index
      %swap3A_115 = vector.load %arg7[%swap3A_112, %swap3A_113, %swap3A_114] : memref<1x64x2048xf32, #tpu.memory_space<vmem>>, vector<1x64x2048xf32>
      %swap3A_116 = vector.shape_cast %swap3A_115 : vector<1x64x2048xf32> to vector<64x2048xf32>
      %swap3A_117 = vector.shape_cast %max3A : vector<64x2048xf32> to vector<1x64x2048xf32>
      tpu.vector_store %arg7[%swap3A_112, %swap3A_113, %swap3A_114], %swap3A_117 {strides = array<i32>} : memref<1x64x2048xf32, #tpu.memory_space<vmem>>, vector<1x64x2048xf32>,
      %get3A_118 = arith.constant 0 : index
      %get3A_119 = arith.constant 0 : index
      %get3A_120 = arith.constant 0 : index
      %get3A_121 = vector.load %arg8[%get3A_118, %get3A_119, %get3A_120] : memref<1x64x2048xf32, #tpu.memory_space<vmem>>, vector<1x64x2048xf32>
      %get3A_122 = vector.shape_cast %get3A_121 : vector<1x64x2048xf32> to vector<64x2048xf32>
      %min3A = arith.minimumf %get3A_122, %dot_general3A_106 : vector<64x2048xf32>
      %swap3A_123 = arith.constant 0 : index
      %swap3A_124 = arith.constant 0 : index
      %swap3A_125 = arith.constant 0 : index
      %swap3A_126 = vector.load %arg8[%swap3A_123, %swap3A_124, %swap3A_125] : memref<1x64x2048xf32, #tpu.memory_space<vmem>>, vector<1x64x2048xf32>
      %swap3A_127 = vector.shape_cast %swap3A_126 : vector<1x64x2048xf32> to vector<64x2048xf32>
      %swap3A_128 = vector.shape_cast %min3A : vector<64x2048xf32> to vector<1x64x2048xf32>
      tpu.vector_store %arg8[%swap3A_123, %swap3A_124, %swap3A_125], %swap3A_128 {strides = array<i32>} : memref<1x64x2048xf32, #tpu.memory_space<vmem>>, vector<1x64x2048xf32>,
      %reduce_sum3A_129 = arith.constant dense<0.000000e+00> : vector<64xf32>
      %reduce_sum3A_130 = vector.multi_reduction <add>, %dot_general3A_106, %reduce_sum3A_129 [1] : vector<64x2048xf32> to vector<64xf32>
      %broadcast_in_dim3A_131 = vector.shape_cast %reduce_sum3A_130 : vector<64xf32> to vector<64x1xf32>
      %add3A_132 = arith.addf %scan3A_89, %broadcast_in_dim3A_131 : vector<64x1xf32>
      %mul3A_133 = arith.mulf %dot_general3A_106, %dot_general3A_106 : vector<64x2048xf32>
      %reduce_sum3A_134 = arith.constant dense<0.000000e+00> : vector<64xf32>
      %reduce_sum3A_135 = vector.multi_reduction <add>, %mul3A_133, %reduce_sum3A_134 [1] : vector<64x2048xf32> to vector<64xf32>
      %broadcast_in_dim3A_136 = vector.shape_cast %reduce_sum3A_135 : vector<64xf32> to vector<64x1xf32>
      %add3A_137 = arith.addf %scan3A_90, %broadcast_in_dim3A_136 : vector<64x1xf32>
      scf.yield %add3A_132, %add3A_137 : vector<64x1xf32>, vector<64x1xf32>
    }
    %scan3A_67 = arith.constant 32 : i32
    %broadcast_in_dim3A_68 = arith.constant 0.000000e+00 : f32
    %broadcast_in_dim3A_69 = vector.broadcast %broadcast_in_dim3A_68 : f32 to vector<64x8xf32>
    %swap3A_70 = arith.constant 0 : index
    %swap3A_71 = arith.constant 0 : index
    %swap3A_72 = arith.constant 0 : index
    %swap3A_73 = vector.load %arg9[%swap3A_70, %swap3A_71, %swap3A_72] : memref<1x64x8xf32, #tpu.memory_space<vmem>>, vector<1x64x8xf32>
    %swap3A_74 = vector.shape_cast %swap3A_73 : vector<1x64x8xf32> to vector<64x8xf32>
    %swap3A_75 = vector.shape_cast %broadcast_in_dim3A_69 : vector<64x8xf32> to vector<1x64x8xf32>
    tpu.vector_store %arg9[%swap3A_70, %swap3A_71, %swap3A_72], %swap3A_75 {strides = array<i32>} : memref<1x64x8xf32, #tpu.memory_space<vmem>>, vector<1x64x8xf32>,
    %swap3A_76 = arith.constant 0 : index
    %swap3A_77 = arith.constant 0 : index
    %swap3A_78 = arith.constant 0 : index
    %swap3A_79 = vector.load %arg9[%swap3A_76, %swap3A_77, %swap3A_78] : memref<1x64x8xf32, #tpu.memory_space<vmem>>, vector<1x64x1xf32>
    %swap3A_80 = vector.shape_cast %swap3A_79 : vector<1x64x1xf32> to vector<64x1xf32>
    %swap3A_81 = vector.shape_cast %scan3A_66#0 : vector<64x1xf32> to vector<1x64x1xf32>
    tpu.vector_store %arg9[%swap3A_76, %swap3A_77, %swap3A_78], %swap3A_81 {strides = array<i32>} : memref<1x64x8xf32, #tpu.memory_space<vmem>>, vector<1x64x1xf32>,
    %swap3A_82 = arith.constant 0 : index
    %swap3A_83 = arith.constant 0 : index
    %swap3A_84 = arith.constant 1 : index
    %swap3A_85 = vector.load %arg9[%swap3A_82, %swap3A_83, %swap3A_84] : memref<1x64x8xf32, #tpu.memory_space<vmem>>, vector<1x64x1xf32>
    %swap3A_86 = vector.shape_cast %swap3A_85 : vector<1x64x1xf32> to vector<64x1xf32>
    %swap3A_87 = vector.shape_cast %scan3A_66#1 : vector<64x1xf32> to vector<1x64x1xf32>
    tpu.vector_store %arg9[%swap3A_82, %swap3A_83, %swap3A_84], %swap3A_87 {strides = array<i32>} : memref<1x64x8xf32, #tpu.memory_space<vmem>>, vector<1x64x1xf32>,
    return
  }
  func.func @transform_0(%arg0: i32) -> (i32, i32, i32) {
    %c0_i32 = arith.constant 0 : i32
    %c0_i32_0 = arith.constant 0 : i32
    %c0_i32_1 = arith.constant 0 : i32
    return %arg0, %c0_i32, %c0_i32_0 : i32, i32, i32
  }
  func.func @transform_1(%arg0: i32) -> (i32, i32, i32, i32) {
    %c0_i32 = arith.constant 0 : i32
    %c0_i32_0 = arith.constant 0 : i32
    %c0_i32_1 = arith.constant 0 : i32
    %c0_i32_2 = arith.constant 0 : i32
    return %arg0, %c0_i32, %c0_i32_0, %c0_i32_1 : i32, i32, i32, i32
  }
  func.func @transform_2(%arg0: i32) -> (i32, i32, i32) {
    %c0_i32 = arith.constant 0 : i32
    %c0_i32_0 = arith.constant 0 : i32
    %c0_i32_1 = arith.constant 0 : i32
    %c0_i32_2 = arith.constant 0 : i32
    return %c0_i32, %c0_i32_0, %c0_i32_1 : i32, i32, i32
  }
  func.func @transform_3(%arg0: i32) -> (i32, i32) {
    %c0_i32 = arith.constant 0 : i32
    %c0_i32_0 = arith.constant 0 : i32
    %c0_i32_1 = arith.constant 0 : i32
    return %c0_i32, %c0_i32_0 : i32, i32
  }
  func.func @transform_4(%arg0: i32) -> (i32, i32) {
    %c0_i32 = arith.constant 0 : i32
    %c0_i32_0 = arith.constant 0 : i32
    %c0_i32_1 = arith.constant 0 : i32
    return %c0_i32, %c0_i32_0 : i32, i32
  }
  func.func @transform_5(%arg0: i32) -> (i32, i32) {
    %c0_i32 = arith.constant 0 : i32
    %c0_i32_0 = arith.constant 0 : i32
    %c0_i32_1 = arith.constant 0 : i32
    return %c0_i32, %c0_i32_0 : i32, i32
  }
  func.func @transform_6(%arg0: i32) -> (i32, i32, i32) {
    %c0_i32 = arith.constant 0 : i32
    %c0_i32_0 = arith.constant 0 : i32
    %c0_i32_1 = arith.constant 0 : i32
    return %arg0, %c0_i32, %c0_i32_0 : i32, i32, i32
  }
  func.func @transform_7(%arg0: i32) -> (i32, i32, i32) {
    %c0_i32 = arith.constant 0 : i32
    %c0_i32_0 = arith.constant 0 : i32
    %c0_i32_1 = arith.constant 0 : i32
    return %arg0, %c0_i32, %c0_i32_0 : i32, i32, i32
  }
  func.func @transform_8(%arg0: i32) -> (i32, i32, i32) {
    %c0_i32 = arith.constant 0 : i32
    %c0_i32_0 = arith.constant 0 : i32
    %c0_i32_1 = arith.constant 0 : i32
    return %arg0, %c0_i32, %c0_i32_0 : i32, i32, i32
  }
}

module attributes {stable_mosaic.version = 14 : i64} {
  func.func @_fin_body(%arg0: i32, %arg1: memref<8x64x8xf32, #tpu.memory_space<vmem>>, %arg2: memref<64x4xf32, #tpu.memory_space<vmem>>, %arg3: memref<1x64x2048xf32, #tpu.memory_space<vmem>>, %arg4: memref<1x64x2048xf32, #tpu.memory_space<vmem>>, %arg5: memref<1x64x2048xf32, #tpu.memory_space<vmem>>) attributes {dimension_semantics = [#tpu.dimension_semantics<arbitrary>], iteration_bounds = array<i64: 8>, scalar_prefetch = 0 : i64, scratch_operands = 0 : i64, tpu.core_type = #tpu.core_type<tc>, window_params = [{pipeline_mode = #tpu.pipeline_mode<synchronous>, transform_indices = @transform_0, window_bounds = array<i64: 8, 64, 8>}, {pipeline_mode = #tpu.pipeline_mode<synchronous>, transform_indices = @transform_1, window_bounds = array<i64: 64, 4>}, {transform_indices = @transform_2, window_bounds = array<i64: 1, 64, 2048>}, {transform_indices = @transform_3, window_bounds = array<i64: 1, 64, 2048>}, {transform_indices = @transform_4, window_bounds = array<i64: 1, 64, 2048>}]} {
    %get3A = arith.constant 0 : index
    %get3A_0 = arith.constant 0 : index
    %get3A_1 = arith.constant 0 : index
    %get3A_2 = vector.load %arg1[%get3A, %get3A_0, %get3A_1] : memref<8x64x8xf32, #tpu.memory_space<vmem>>, vector<8x64x1xf32>
    %reduce_sum3A = arith.constant dense<0.000000e+00> : vector<64x1xf32>
    %reduce_sum3A_3 = vector.multi_reduction <add>, %get3A_2, %reduce_sum3A [0] : vector<8x64x1xf32> to vector<64x1xf32>
    %get3A_4 = arith.constant 0 : index
    %get3A_5 = arith.constant 0 : index
    %get3A_6 = arith.constant 1 : index
    %get3A_7 = vector.load %arg1[%get3A_4, %get3A_5, %get3A_6] : memref<8x64x8xf32, #tpu.memory_space<vmem>>, vector<8x64x1xf32>
    %reduce_sum3A_8 = arith.constant dense<0.000000e+00> : vector<64x1xf32>
    %reduce_sum3A_9 = vector.multi_reduction <add>, %get3A_7, %reduce_sum3A_8 [0] : vector<8x64x1xf32> to vector<64x1xf32>
    %div3A = arith.constant 5.242880e+05 : f32
    %div3A_10 = vector.broadcast %div3A : f32 to vector<64x1xf32>
    %div3A_11 = arith.divf %reduce_sum3A_3, %div3A_10 : vector<64x1xf32>
    %div3A_12 = arith.constant 5.242880e+05 : f32
    %div3A_13 = vector.broadcast %div3A_12 : f32 to vector<64x1xf32>
    %div3A_14 = arith.divf %reduce_sum3A_9, %div3A_13 : vector<64x1xf32>
    %mul3A = arith.mulf %div3A_11, %div3A_11 : vector<64x1xf32>
    %sub3A = arith.subf %div3A_14, %mul3A : vector<64x1xf32>
    %get3A_15 = arith.constant 0 : index
    %get3A_16 = arith.constant 2 : index
    %get3A_17 = vector.load %arg2[%get3A_15, %get3A_16] : memref<64x4xf32, #tpu.memory_space<vmem>>, vector<64x1xf32>
    %get3A_18 = arith.constant 0 : index
    %get3A_19 = arith.constant 3 : index
    %get3A_20 = vector.load %arg2[%get3A_18, %get3A_19] : memref<64x4xf32, #tpu.memory_space<vmem>>, vector<64x1xf32>
    %add3A = arith.constant 9.99999974E-6 : f32
    %add3A_21 = vector.broadcast %add3A : f32 to vector<64x1xf32>
    %add3A_22 = arith.addf %sub3A, %add3A_21 : vector<64x1xf32>
    %rsqrt3A = math.rsqrt %add3A_22 : vector<64x1xf32>
    %mul3A_23 = arith.mulf %get3A_17, %rsqrt3A : vector<64x1xf32>
    %mul3A_24 = arith.mulf %div3A_11, %mul3A_23 : vector<64x1xf32>
    %sub3A_25 = arith.subf %get3A_20, %mul3A_24 : vector<64x1xf32>
    %ge3A = arith.constant 0.000000e+00 : f32
    %ge3A_26 = vector.broadcast %ge3A : f32 to vector<64x1xf32>
    %ge3A_27 = arith.cmpf oge, %mul3A_23, %ge3A_26 : vector<64x1xf32>
    %get3A_28 = arith.constant 0 : index
    %get3A_29 = arith.constant 0 : index
    %get3A_30 = arith.constant 0 : index
    %get3A_31 = vector.load %arg3[%get3A_28, %get3A_29, %get3A_30] : memref<1x64x2048xf32, #tpu.memory_space<vmem>>, vector<1x64x2048xf32>
    %get3A_32 = vector.shape_cast %get3A_31 : vector<1x64x2048xf32> to vector<64x2048xf32>
    %get3A_33 = arith.constant 0 : index
    %get3A_34 = arith.constant 0 : index
    %get3A_35 = arith.constant 0 : index
    %get3A_36 = vector.load %arg4[%get3A_33, %get3A_34, %get3A_35] : memref<1x64x2048xf32, #tpu.memory_space<vmem>>, vector<1x64x2048xf32>
    %get3A_37 = vector.shape_cast %get3A_36 : vector<1x64x2048xf32> to vector<64x2048xf32>
    %broadcast_in_dim3A = vector.shape_cast %ge3A_27 : vector<64x1xi1> to vector<64x1xi1>
    %broadcast_in_dim3A_38 = vector.broadcast %broadcast_in_dim3A : vector<64x1xi1> to vector<64x2048xi1>
    %select_n3A = arith.select %broadcast_in_dim3A_38, %get3A_32, %get3A_37 : vector<64x2048xi1>, vector<64x2048xf32>
    %mul3A_39 = vector.broadcast %mul3A_23 : vector<64x1xf32> to vector<64x2048xf32>
    %mul3A_40 = arith.mulf %select_n3A, %mul3A_39 : vector<64x2048xf32>
    %add3A_41 = vector.broadcast %sub3A_25 : vector<64x1xf32> to vector<64x2048xf32>
    %add3A_42 = arith.addf %mul3A_40, %add3A_41 : vector<64x2048xf32>
    %gt3A = arith.constant 0.000000e+00 : f32
    %gt3A_43 = vector.broadcast %gt3A : f32 to vector<64x2048xf32>
    %gt3A_44 = arith.cmpf ogt, %add3A_42, %gt3A_43 : vector<64x2048xf32>
    %mul3A_45 = arith.constant 2.000000e-01 : f32
    %mul3A_46 = vector.broadcast %mul3A_45 : f32 to vector<64x2048xf32>
    %mul3A_47 = arith.mulf %mul3A_46, %add3A_42 : vector<64x2048xf32>
    %select_n3A_48 = arith.select %gt3A_44, %add3A_42, %mul3A_47 : vector<64x2048xi1>, vector<64x2048xf32>
    %swap3A = arith.constant 0 : index
    %swap3A_49 = arith.constant 0 : index
    %swap3A_50 = arith.constant 0 : index
    %swap3A_51 = vector.load %arg5[%swap3A, %swap3A_49, %swap3A_50] : memref<1x64x2048xf32, #tpu.memory_space<vmem>>, vector<1x64x2048xf32>
    %swap3A_52 = vector.shape_cast %swap3A_51 : vector<1x64x2048xf32> to vector<64x2048xf32>
    %swap3A_53 = vector.shape_cast %select_n3A_48 : vector<64x2048xf32> to vector<1x64x2048xf32>
    tpu.vector_store %arg5[%swap3A, %swap3A_49, %swap3A_50], %swap3A_53 {strides = array<i32>} : memref<1x64x2048xf32, #tpu.memory_space<vmem>>, vector<1x64x2048xf32>,
    return
  }
  func.func @transform_0(%arg0: i32) -> (i32, i32, i32) {
    %c0_i32 = arith.constant 0 : i32
    %c0_i32_0 = arith.constant 0 : i32
    %c0_i32_1 = arith.constant 0 : i32
    %c0_i32_2 = arith.constant 0 : i32
    return %c0_i32, %c0_i32_0, %c0_i32_1 : i32, i32, i32
  }
  func.func @transform_1(%arg0: i32) -> (i32, i32) {
    %c0_i32 = arith.constant 0 : i32
    %c0_i32_0 = arith.constant 0 : i32
    %c0_i32_1 = arith.constant 0 : i32
    return %c0_i32, %c0_i32_0 : i32, i32
  }
  func.func @transform_2(%arg0: i32) -> (i32, i32, i32) {
    %c0_i32 = arith.constant 0 : i32
    %c0_i32_0 = arith.constant 0 : i32
    %c0_i32_1 = arith.constant 0 : i32
    return %arg0, %c0_i32, %c0_i32_0 : i32, i32, i32
  }
  func.func @transform_3(%arg0: i32) -> (i32, i32, i32) {
    %c0_i32 = arith.constant 0 : i32
    %c0_i32_0 = arith.constant 0 : i32
    %c0_i32_1 = arith.constant 0 : i32
    return %arg0, %c0_i32, %c0_i32_0 : i32, i32, i32
  }
  func.func @transform_4(%arg0: i32) -> (i32, i32, i32) {
    %c0_i32 = arith.constant 0 : i32
    %c0_i32_0 = arith.constant 0 : i32
    %c0_i32_1 = arith.constant 0 : i32
    return %arg0, %c0_i32, %c0_i32_0 : i32, i32, i32
  }
}

</mosaic_0001>

<sc_bundles>
// kernel: kernel.7.cloned.1.call-start
scs
__scs_entry_jumppad:
0x0: {  	(pc) =	sbr.rel $0x88, $3  }
0x1: {  	(tag) =	ssettag $0x0;
	lr =	simm.s32 $0x1  }
0x2: {  	[smem:$0x3F9A] =	sst lr;
	_ =	strace $0xD0000000  }
0x3: {  	_ = 	snop  }
0x4: {  	_ = 	snop  }
0x5: {  	_ = 	snop  }
0x6: {  	_ = 	snop  }
0x7: {  	_ = 	snop  }
__scs_overlays_trampoline_lowered:
0x8: {  	[smem:$0x3FA9] =	sst s0  }
0x9: {  	[smem:$0x3FAA] =	sst s1  }
0xa: {  	[smem:$0x3FAB] =	sst s2  }
0xb: {  	[smem:$0x3FAC] =	sst s3  }
0xc: {  	[smem:$0x3FAD] =	sst s4  }
0xd: {  	[smem:$0x3FAE] =	sst s5  }
0xe: {  	[smem:$0x3FAF] =	sst s6  }
0xf: {  	[smem:$0x3FB0] =	sst s7  }
0x10: {  	[smem:$0x3FB1] =	sst s8  }
0x11: {  	[smem:$0x3FB2] =	sst s9;
	s0 =	simm.s32 @!p0 $0x0  }
0x12: {  	s1 =	sld [smem:$0x3F98];
	s0 =	simm.s32 @p0 $0x1  }
0x13: {  	[smem:$0x3FB3] =	sst s0;
	s0 =	simm.s32 @!p1 $0x0  }
0x14: {  	s2 =	sld [smem:$0x3F97];
	s0 =	simm.s32 @p1 $0x1  }
0x15: {  	[smem:$0x3FB4] =	sst s0;
	s0 =	simm.s32 @!p2 $0x0  }
0x16: {  	s3 =	sld [smem:$0x3FDB];
	s0 =	simm.s32 @p2 $0x1  }
0x17: {  	s4 =	simm.s32 $0x1BF5;
	[smem:$0x3FB6] =	sst s0  }
0x18: {  	s0 =	sld [smem:$0x3F99];
	_ =	swait.ge [sflag:s4], $0x0  }
0x19: {  	s7 =	sld [smem:$0x3F9A]  }
0x1a: {  	s8 =	sadd.s32 $0xFFFFE003, lr  }
0x1b: {  	s9 =	sadd.s32 $0xFFFFFEF7, lr;
	s5 =	simm.s32 $0xFFFFFFFF;
	p2 =	slt.u32 s8, $0xFFFFF086  }
0x1c: {  	p1 =	slt.u32 s9, $0xF7A;
	s5 =	simm.s32 @!p2 $0x0  }
0x1d: {  	s5 =	simm.s32 @p1 $0x1;
	p0 =	seq.s32 s7, s2  }
0x1e: {  	s7 =	smul.u32 @!p0 $0xF7A, s2;
	p2 =	seq.s32 @!p0 s5, $0x0  }
0x1f: {  	s9 =	smul.u32 $0xF7A, s1;
	s8 =	simm.s32 @!p0 $0x1BF5;
	p2 =	por !p2, p0  }
0x20: {  	[sflag:s8] =	ssyncset.s32 @!p0 $0xFFFFF086;
	s6 =	sadd.s32 @!p0 s3, s7;
	s7 =	simm.s32 @!p0 $0x108  }
0x21: {  	s3 =	sadd.s32 s3, s9;
	s6 =	sadd.s32 @!p0 $0x88, s6;
	s7 =	simm.s32 @p2 $0x1082  }
0x22: {  	[simem:s7], [sflag:s8] =	dma.local @!p0 [hbm:s6], $0xF7A  }
0x23: {  	s9 =	sor.u32 $0xD0000000, s2;
	s6 =	simm.s32 $0x108;
	_ =	swait.ge @!p0 [sflag:s8], $0x0  }
0x24: {  	s3 =	sadd.s32 $0x88, s3;
	s6 =	simm.s32 @!p1 $0x1082;
	[sflag:s4] =	ssyncset.s32 $0xFFFFF086  }
0x25: {  	[simem:s6], [sflag:s4] =	dma.local [hbm:s3], $0xF7A  }
0x26: {  	[smem:$0x3F9A] =	sst s1;
	(tag) =	ssettag s2;
	_ =	strace s9  }
0x27: {  	s1 =	sld [smem:$0x3FAA]  }
0x28: {  	s2 =	sld [smem:$0x3FAB]  }
0x29: {  	s4 =	sld [smem:$0x3FAD]  }
0x2a: {  	p0 =	seq.s32 s5, $0x0;
	s5 =	sld [smem:$0x3FAE]  }
0x2b: {  	s6 =	sld [smem:$0x3FAF]  }
0x2c: {  	s7 =	sld [smem:$0x3FB0]  }
0x2d: {  	s3 =	simm.s32 $0x108;
	s8 =	sld [smem:$0x3FB1]  }
0x2e: {  	s3 =	simm.s32 @!p0 $0x1082;
	s9 =	sld [smem:$0x3FB2]  }
0x2f: {  	lr =	sadd.s32 s0, s3;
	s0 =	sld [smem:$0x3FA9]  }
0x30: {  	s3 =	sld [smem:$0x3FAC]  }
0x31: {  	[smem:$0x3FB5] =	sst s10  }
0x32: {  	s10 =	sld [smem:$0x3FB3];
	_ =	sdelay $0x3  }
0x33: {  	p0 =	seq.s32 s10, $0x1;
	s10 =	sld [smem:$0x3FB5];
	_ =	sdelay $0x3  }
0x34: {  	[smem:$0x3FB5] =	sst s10  }
0x35: {  	s10 =	sld [smem:$0x3FB4];
	_ =	sdelay $0x3  }
0x36: {  	p1 =	seq.s32 s10, $0x1;
	s10 =	sld [smem:$0x3FB5];
	_ =	sdelay $0x3  }
0x37: {  	[smem:$0x3FB5] =	sst s10  }
0x38: {  	s10 =	sld [smem:$0x3FB6]  }
0x39: {  	_ = 	snop;
	(pc) =	sbr.ind lr, $3  }
0x3a: {  	_ = 	snop  }
0x3b: {  	_ = 	snop  }
0x3c: {  	p2 =	seq.s32 s10, $0x1;
	s10 =	sld [smem:$0x3FB5]  }
0x3d: {  	_ =	shalt  }
0x3e: {  	_ =	shalt  }
0x3f: {  	_ =	shalt  }
0x40: {  	_ =	shalt  }
0x41: {  	_ =	shalt  }
0x42: {  	_ =	shalt  }
0x43: {  	_ =	shalt  }
0x44: {  	_ =	shalt  }
0x45: {  	_ =	shalt  }
0x46: {  	_ =	shalt  }
0x47: {  	_ =	shalt  }
0x48: {  	_ =	shalt  }
0x49: {  	_ =	shalt  }
0x4a: {  	_ =	shalt  }
0x4b: {  	_ =	shalt  }
0x4c: {  	_ =	shalt  }
0x4d: {  	_ =	shalt  }
0x4e: {  	_ =	shalt  }
0x4f: {  	_ =	shalt  }
0x50: {  	_ =	shalt  }
0x51: {  	_ =	shalt  }
0x52: {  	_ =	shalt  }
0x53: {  	_ =	shalt  }
0x54: {  	_ =	shalt  }
0x55: {  	_ =	shalt  }
0x56: {  	_ =	shalt  }
0x57: {  	_ =	shalt  }
0x58: {  	_ =	shalt  }
0x59: {  	_ =	shalt  }
0x5a: {  	_ =	shalt  }
0x5b: {  	_ =	shalt  }
0x5c: {  	_ =	shalt  }
0x5d: {  	_ =	shalt  }
0x5e: {  	_ =	shalt  }
0x5f: {  	_ =	shalt  }
0x60: {  	_ =	shalt  }
0x61: {  	_ =	shalt  }
0x62: {  	_ =	shalt  }
0x63: {  	_ =	shalt  }
0x64: {  	_ =	shalt  }
0x65: {  	_ =	shalt  }
0x66: {  	_ =	shalt  }
0x67: {  	_ =	shalt  }
0x68: {  	_ =	shalt  }
0x69: {  	_ =	shalt  }
0x6a: {  	_ =	shalt  }
0x6b: {  	_ =	shalt  }
0x6c: {  	_ =	shalt  }
0x6d: {  	_ =	shalt  }
0x6e: {  	_ =	shalt  }
0x6f: {  	_ =	shalt  }
0x70: {  	_ =	shalt  }
0x71: {  	_ =	shalt  }
0x72: {  	_ =	shalt  }
0x73: {  	_ =	shalt  }
0x74: {  	_ =	shalt  }
0x75: {  	_ =	shalt  }
0x76: {  	_ =	shalt  }
0x77: {  	_ =	shalt  }
0x78: {  	_ =	shalt  }
0x79: {  	_ =	shalt  }
0x7a: {  	_ =	shalt  }
0x7b: {  	_ =	shalt  }
0x7c: {  	_ =	shalt  }
0x7d: {  	_ =	shalt  }
0x7e: {  	_ =	shalt  }
0x7f: {  	_ =	shalt  }
0x80: {  	_ =	shalt  }
0x81: {  	_ =	shalt  }
0x82: {  	_ =	shalt  }
0x83: {  	_ =	shalt  }
0x84: {  	_ =	shalt  }
0x85: {  	_ =	shalt  }
0x86: {  	_ =	shalt  }
0x87: {  	_ =	shalt  }
.Lfunc_end0:
.L_simem_size_0:
called_computation_lowered:
.L_overlay_start_0:
0x88: {  	s2 =	sld [smem:$0x3FD9]  }
0x89: {  	s3 =	sld [smem:$0x3FFE];
	_ =	sdelay $0x1  }
0x8a: {  	s1 =	srdreg.scid  }
0x8b: {  	s0 =	sand.u32 $0x1, s1  }
0x8c: {  	s17 =	sshll.u32 s0, $0xA;
	s2 =	sadd.s32 s3, s2  }
0x8d: {  	s2 =	sadd.s32 s2, s17  }
0x8e: {  	[smem:$0x3FC1] =	sst s2  }
0x8f: {  	_ = 	snop  }
0x90: {  	s2 =	sld [smem:$0x3FC9]  }
0x91: {  	s18 =	sld [smem:$0x3FD0];
	(tm) =	ssettm $0x1  }
0x92: {  	s4 =	sld [smem:$0x3FFB];
	_ =	sdelay $0x3  }
0x93: {  	_ =	strace s4  }
0x94: {  	s4 =	sld [smem:$0x3FFC];
	_ =	sdelay $0x3  }
0x95: {  	_ =	strace s4  }
0x96: {  	s4 =	sld [smem:$0x3FFD];
	_ =	sdelay $0x3  }
0x97: {  	_ =	strace s4  }
0x98: {  	_ =	strace $0x8FFFFFFF  }
0x99: {  	s19 =	sld [smem:$0x3FDB];
	_ =	sdelay $0x1  }
0x9a: {  	s5 =	simm.s32 $_scs_section_size  }
0x9b: {  	s6 =	simm.s32 $_size__tile_overlayer_lowered;
	s7 =	simm.s32 $_tile_overlayer_lowered  }
0x9c: {  	s22 =	simm.s32 $0x1BFF;
	s21 =	sshll.u32 s7, $0x1;
	s4 =	sadd.s32 s5, s19  }
0x9d: {  	s8 =	simm.s32 $0x0;
	s20 =	sshll.u32 s6, $0x1;
	s6 =	sadd.s32 s21, s4  }
0x9e: {  	[timem:s8], [sflag:s22] =	dma.local [hbm:s6], s20  }
0x9f: {  	_ =	swait.ge [sflag:s22], s20  }
0xa0: {  	s5 =	ssub.s32 $0x0, s20;
	[sflag:s22] =	ssyncset.done $0x0  }
0xa1: {  	[sflag:s22] =	ssyncadd.s32 s5;
	_ =	sdelay $0x1  }
0xa2: {  	s23 =	simm.s32 $0x1B8B  }
0xa3: {  	_ =	swait.ge [sflag:s23], $0x1  }
0xa4: {  	[sflag:s23] =	ssyncset.done $0x0  }
0xa5: {  	s25 =	simm.s32 $0x1B8E;
	s24 =	sld [smem:$0x3FFE];
	[sflag:s23] =	ssyncadd.s32 $0xFFFFFFFF  }
0xa6: {  	s26 =	simm.s32 $execute0_lowered;
	[smem:$0x3FD2] =	sst s25  }
0xa7: {  	s6 =	sshll.u32 s26, $0x1;
	_ =	strace $0x80000046;
	[dreg:$0x1] =	wrdreg $0xFFFFFFFF  }
0xa8: {  	s28 =	simm.s32 $_size_execute0_lowered;
	s4 =	sadd.s32 s4, s6;
	[dreg:$0x0] =	wrdreg $0x0  }
0xa9: {  	s6 =	sshll.u32 s28, $0x1;
	[dreg:$0x2] =	wrdreg s4  }
0xaa: {  	[dreg:$0x3] =	wrdreg s6  }
0xab: {  	[dreg:$0x4] =	wrdreg $0xC0  }
0xac: {  	_ =	task [dreg:s8], $0x5FFFF  }
0xad: {  	[dreg:$0x1] =	wrdreg $0xFFFFFFFF  }
0xae: {  	[dreg:$0x0] =	wrdreg $0x60  }
0xaf: {  	[dreg:$0x2] =	wrdreg s2  }
0xb0: {  	[dreg:$0x3] =	wrdreg s18  }
0xb1: {  	[dreg:$0x4] =	wrdreg s24  }
0xb2: {  	[dreg:$0x5] =	wrdreg $0x9  }
0xb3: {  	_ =	task.clear_ibuf [dreg:s8], $0x6FFFF;
	_ =	strace $0x90000046  }
0xb4: {  	s29 =	simm.s32 $0x9;
	_ =	strace $0x80000048  }
0xb5: {  	_ =	swait.ge [sflag:s29], $0x1  }
0xb6: {  	[sflag:s29] =	ssyncadd.s32 $0xFFFFFFFF  }
0xb7: {  	_ =	strace $0x90000048  }
0xb8: {  	_ =	sfence  }
0xb9: {  	s30 =	sld [smem:$0x0];
	_ =	sdelay $0x2  }
0xba: {  	s31 =	sshll.u32 s1, $0xD;
	s1 =	sshrl.u32 s1, $0x2  }
0xbb: {  	s3 =	sand.u32 $0x4000, s31;
	s1 =	sadd.s32 s1, s30  }
0xbc: {  	s0 =	sor.u32 s3, s0;
	s1 =	sshll.u32 s1, $0x11  }
0xbd: {  	s0 =	sor.u32 s1, s0  }
0xbe: {  	s0 =	sadd.s32 $0x8F2B, s0  }
0xbf: {  	[sflag:s0] =	ssyncadd.remote.s32 $0x1  }
0xc0: {  	_ =	sfence.sel $0xFFFF  }
0xc1: {  	[dreg:$0x0] =	wrdreg $0xFFFFFFFF;
	(pc) =	sbr.abs _section_cstart, $3  }
0xc2: {  	[dreg:$0x1] =	wrdreg $0xFFFFFFFF  }
0xc3: {  	_ =	task.clear_ibuf [dreg:s8], $0x2FFFF;
	_ =	strace $0x9FFFFFFF  }
0xc4: {  	(tm) =	ssettm $0x7FFFFFFF  }
0xc5: {  	_ =	shalt  }
tec
execute0_lowered:
.L_overlay_start_1:
0x0: {  	(tag) =	ssettag $0x1  }
0x1: {  	s3 =	rddreg [dreg:$0x0]  }
0x2: {  	s0 =	stileid.u32;
	s4 =	rddreg [dreg:$0x1]  }
0x3: {  	s1 =	srdreg.scid;
	s7 =	rddreg [dreg:$0x2];
	s2 =	sshll.u32 s0, $0x1  }
0x4: {  	s5 =	sand.u32 $0x1, s1;
	s6 =	sshrl.u32 s0, $0x1;
	s1 =	rddreg [dreg:$0x3]  }
0x5: {  	s29 =	sand.u32 $0x2, s2;
	s8 =	smul.u32 $0x30000, s6;
	s2 =	simm.s32 $0x0  }
0x6: {  	s6 =	sshll.u32 s6, $0x4;
	s12 =	sor.u32 s5, s29;
	[smem:$0x7FF] =	sst s2  }
0x7: {  	s5 =	ssub.s32 $0x2, s5;
	s3 =	sadd.s32 s3, s6;
	s4 =	sadd.s32 s4, s6  }
0x8: {  	s9 =	smul.u32 $0xC000, s12;
	_ =	strace $0x80000047;
	s30 =	sshrl.u32 s5, $0x1  }
0x9: {  	s11 =	sshll.u32 s12, $0x3;
	s31 =	sshllo.u32 s12, $0x3;
	s14 =	ssub.s32 s5, s30  }
0xa: {  	s15 =	sor.u32 $0x1, s11;
	s16 =	sor.u32 $0x2, s11;
	s17 =	sor.u32 $0x3, s11  }
0xb: {  	s18 =	sor.u32 $0x4, s11;
	s19 =	sor.u32 $0x5, s11;
	s8 =	sadd.s32 s8, s9  }
0xc: {  	s20 =	sor.u32 $0x6, s11;
	v1 =	vmov s15;
	s15 =	simm.s32 $0x400;
	s8 =	sshrl.u32 s8, $0x3  }
0xd: {  	v2 =	vmov s16;
	v3 =	vmov s17;
	s16 =	simm.s32 $0x1;
	s17 =	simm.s32 $0x1800;
	s13 =	sadd.s32 s8, s7  }
0xe: {  	v4 =	vmov s18;
	v5 =	vmov s19;
	s18 =	simm.s32 $0x11800;
	s19 =	simm.s32 $0x0;
	s5 =	sadd.s32 $0x1200, s13  }
0xf: {  	s6 =	sadd.s32 $0x1210, s13;
	s7 =	sadd.s32 $0x1220, s13;
	s8 =	sadd.s32 $0x1230, s13  }
0x10: {  	v8 =	vlaneseq.u32;
	v0 =	vmov s11;
	s9 =	sadd.s32 $0x1240, s13;
	s10 =	sadd.s32 $0x1250, s13;
	s11 =	sadd.s32 $0x1260, s13  }
0x11: {  	v8 =	vmul.u32 $0x20, v8;
	v7 =	vmov s31;
	v6 =	vmov s20;
	s12 =	sadd.s32 $0x1270, s13;
	s13 =	smax.u32 s14, $0x1;
	s14 =	simm.s32 $0x80  }
.LBB2_1:
0x12: {  	[tilespmem:s2], [sflag:$0x1] =	stream.strided.gather [hbm4b:s3+s14], $0x1800, s15, s14, $0x38;
	v9 =	vmov s2;
	[tilespmem:$0x13000] =	vst v63  }
0x13: {  	_ =	swait.ge [sflag:s16], $0x1800;
	v9 =	vshll.u32 v9, $0x5  }
0x14: {  	[sflag:s16] =	ssyncset.done $0x0;
	v9 =	vor.u32 v8, v9  }
0x15: {  	[sflag:s16] =	ssyncadd.s32 $0xFFFFE800;
	v9 =	vor.u32 v0, v9  }
0x16: {  	[tilespmem:s17], [sflag:$0x1] =	stream.strided.gather [hbm4b:s4+s14], $0x10000, s15, s14, $0x38;
	[tilespmem:$0x13000] =	vst v63  }
0x17: {  	_ =	swait.ge [sflag:s16], $0x10000  }
0x18: {  	[sflag:s16] =	ssyncset.done $0x0  }
0x19: {  	[sflag:s16] =	ssyncadd.s32 $0xFFFF0000  }
0x1a: {  	v9 =	vld.idx.msk [tilespmem:v9+s17+$0x0], $0xffff;
	_ =	sdelay $0x5  }
0x1b: {  	s21 =	simm.s32 $0x800  }
0x1c: {  	v10 =	vld [tilespmem:s21+$0xFFFFF800]  }
0x1d: {  	v11 =	vld.idx.msk [tilespmem:v9+s2+$0x0], $0xffff;
	_ =	sdelay $0x2  }
0x1e: {  	v12 =	vadd.s32 $0x800, v9;
	_ =	sdelay $0x1  }
0x1f: {  	v10 =	vsub.f32 v11, v10  }
0x20: {  	s20 =	simm.s32 $0x12000  }
0x21: {  	[tilespmem:s20+$0xFFFFF800] =	vst v10  }
0x22: {  	v10 =	vld.idx.msk [tilespmem:v12+s2+$0x0], $0xffff  }
0x23: {  	v11 =	vld [tilespmem:s21+$0x0];
	_ =	sdelay $0x2  }
0x24: {  	v9 =	vadd.s32 $0x1000, v9;
	_ =	sdelay $0x1  }
0x25: {  	v10 =	vsub.f32 v10, v11;
	_ =	sdelay $0x1  }
0x26: {  	[tilespmem:s20+$0x0] =	vst v10  }
0x27: {  	s22 =	simm.s32 $0x10;
	v9 =	vld.idx.msk [tilespmem:v9+s2+$0x0], $0xffff  }
0x28: {  	v11 =	vmov s22;
	s22 =	simm.s32 $0x20;
	v10 =	vld [tilespmem:s21+$0x800]  }
.LBB2_2:
0x29: {  	p0 =	sne.s32 s22, $0x7F0;
	v11 =	vshll.u32 v11, $0x5  }
0x2a: {  	v11 =	vor.u32 v8, v11  }
0x2b: {  	v11 =	vor.u32 v0, v11;
	_ =	sdelay $0x1  }
0x2c: {  	v9 =	vsub.f32 v9, v10;
	_ =	sdelay $0x1  }
0x2d: {  	[tilespmem:s20+$0x800] =	vst v9  }
0x2e: {  	s21 =	sadd.s32 $0x10, s21;
	v9 =	vld.idx.msk [tilespmem:v11+s17+$0x0], $0xffff  }
0x2f: {  	v10 =	vld [tilespmem:s21+$0xFFFFF800];
	_ =	sdelay $0x4  }
0x30: {  	v11 =	vadd.s32 $0x800, v9;
	_ =	sdelay $0x1  }
0x31: {  	v12 =	vld.idx.msk [tilespmem:v9+s2+$0x0], $0xffff;
	_ =	sdelay $0x5  }
0x32: {  	v10 =	vsub.f32 v12, v10  }
0x33: {  	s20 =	sadd.s32 $0x10, s20  }
0x34: {  	[tilespmem:s20+$0xFFFFF800] =	vst v10  }
0x35: {  	v10 =	vld.idx.msk [tilespmem:v11+s2+$0x0], $0xffff  }
0x36: {  	v11 =	vld [tilespmem:s21+$0x0];
	_ =	sdelay $0x2  }
0x37: {  	v9 =	vadd.s32 $0x1000, v9;
	_ =	sdelay $0x1  }
.Ltmp0:
0x38: {  	v10 =	vsub.f32 v10, v11;
	(pc) =	sbr.rel @p0 .LBB2_2-.Ltmp0, $4  }
0x39: {  	_ = 	snop  }
0x3a: {  	[tilespmem:s20+$0x0] =	vst v10  }
0x3b: {  	v9 =	vld.idx.msk [tilespmem:v9+s2+$0x0], $0xffff  }
0x3c: {  	v11 =	vmov s22;
	s22 =	sadd.s32 $0x10, s22;
	v10 =	vld [tilespmem:s21+$0x800]  }
0x3d: {  	v11 =	vshll.u32 v11, $0x5  }
0x3e: {  	v11 =	vor.u32 v8, v11  }
0x3f: {  	v11 =	vor.u32 v0, v11;
	_ =	sdelay $0x1  }
0x40: {  	v9 =	vsub.f32 v9, v10;
	_ =	sdelay $0x1  }
0x41: {  	[tilespmem:s20+$0x800] =	vst v9  }
0x42: {  	v9 =	vld.idx.msk [tilespmem:v11+s17+$0x0], $0xffff;
	_ =	sdelay $0x5  }
0x43: {  	s21 =	sadd.s32 $0x10, s21  }
0x44: {  	v10 =	vld [tilespmem:s21+$0xFFFFF800]  }
0x45: {  	v11 =	vld.idx.msk [tilespmem:v9+s2+$0x0], $0xffff;
	_ =	sdelay $0x2  }
0x46: {  	v12 =	vadd.s32 $0x800, v9;
	_ =	sdelay $0x1  }
0x47: {  	v10 =	vsub.f32 v11, v10  }
0x48: {  	s30 =	sadd.s32 $0x10, s20  }
0x49: {  	[tilespmem:s30+$0xFFFFF800] =	vst v10  }
0x4a: {  	v10 =	vld.idx.msk [tilespmem:v12+s2+$0x0], $0xffff  }
0x4b: {  	v11 =	vld [tilespmem:s21+$0x0];
	_ =	sdelay $0x2  }
0x4c: {  	v9 =	vadd.s32 $0x1000, v9;
	_ =	sdelay $0x1  }
0x4d: {  	v10 =	vsub.f32 v10, v11;
	_ =	sdelay $0x1  }
0x4e: {  	[tilespmem:s30+$0x0] =	vst v10  }
0x4f: {  	v9 =	vld.idx.msk [tilespmem:v9+s2+$0x0], $0xffff  }
0x50: {  	v10 =	vld [tilespmem:s21+$0x800];
	_ =	sdelay $0x2  }
0x51: {  	s31 =	simm.s32 $0x0  }
0x52: {  	v11 =	vmov s31  }
0x53: {  	v9 =	vsub.f32 v9, v10;
	v10 =	vshll.u32 v11, $0x5  }
0x54: {  	v10 =	vor.u32 v8, v10  }
0x55: {  	[tilespmem:s30+$0x800] =	vst v9;
	v9 =	vor.u32 v1, v10  }
0x56: {  	[hbm4b:s5+s14] =	stream.strided.scatter [tilespmem:s18], [sflag:$0x1], $0x1800, s15, s14, $0x38;
	[tilespmem:$0x13000] =	vst v63  }
0x57: {  	_ =	swait.ge [sflag:s16], $0x1800  }
0x58: {  	[sflag:s16] =	ssyncset.done $0x0  }
0x59: {  	[sflag:s16] =	ssyncadd.s32 $0xFFFFE800  }
0x5a: {  	v9 =	vld.idx.msk [tilespmem:v9+s17+$0x0], $0xffff;
	_ =	sdelay $0x5  }
0x5b: {  	s21 =	simm.s32 $0x800  }
0x5c: {  	v10 =	vld [tilespmem:s21+$0xFFFFF800]  }
0x5d: {  	v11 =	vld.idx.msk [tilespmem:v9+s2+$0x0], $0xffff;
	_ =	sdelay $0x2  }
0x5e: {  	v63 =	vadd.s32 $0x800, v9;
	_ =	sdelay $0x1  }
0x5f: {  	v10 =	vsub.f32 v11, v10  }
0x60: {  	s20 =	simm.s32 $0x12000  }
0x61: {  	[tilespmem:s20+$0xFFFFF800] =	vst v10  }
0x62: {  	v10 =	vld.idx.msk [tilespmem:v63+s2+$0x0], $0xffff  }
0x63: {  	v11 =	vld [tilespmem:s21+$0x0];
	_ =	sdelay $0x2  }
0x64: {  	v9 =	vadd.s32 $0x1000, v9;
	_ =	sdelay $0x1  }
0x65: {  	v10 =	vsub.f32 v10, v11;
	_ =	sdelay $0x1  }
0x66: {  	[tilespmem:s20+$0x0] =	vst v10  }
0x67: {  	s22 =	simm.s32 $0x10;
	v9 =	vld.idx.msk [tilespmem:v9+s2+$0x0], $0xffff  }
0x68: {  	v11 =	vmov s22;
	s22 =	simm.s32 $0x20;
	v10 =	vld [tilespmem:s21+$0x800]  }
.LBB2_4:
0x69: {  	p0 =	sne.s32 s22, $0x7F0;
	v11 =	vshll.u32 v11, $0x5  }
0x6a: {  	v11 =	vor.u32 v8, v11  }
0x6b: {  	v11 =	vor.u32 v1, v11;
	_ =	sdelay $0x1  }
0x6c: {  	v9 =	vsub.f32 v9, v10;
	_ =	sdelay $0x1  }
0x6d: {  	[tilespmem:s20+$0x800] =	vst v9  }
0x6e: {  	s21 =	sadd.s32 $0x10, s21;
	v9 =	vld.idx.msk [tilespmem:v11+s17+$0x0], $0xffff  }
0x6f: {  	v10 =	vld [tilespmem:s21+$0xFFFFF800];
	_ =	sdelay $0x4  }
0x70: {  	v11 =	vadd.s32 $0x800, v9;
	_ =	sdelay $0x1  }
0x71: {  	v12 =	vld.idx.msk [tilespmem:v9+s2+$0x0], $0xffff;
	_ =	sdelay $0x5  }
0x72: {  	v10 =	vsub.f32 v12, v10  }
0x73: {  	s20 =	sadd.s32 $0x10, s20  }
0x74: {  	[tilespmem:s20+$0xFFFFF800] =	vst v10  }
0x75: {  	v10 =	vld.idx.msk [tilespmem:v11+s2+$0x0], $0xffff  }
0x76: {  	v11 =	vld [tilespmem:s21+$0x0];
	_ =	sdelay $0x2  }
0x77: {  	v9 =	vadd.s32 $0x1000, v9;
	_ =	sdelay $0x1  }
.Ltmp1:
0x78: {  	v10 =	vsub.f32 v10, v11;
	(pc) =	sbr.rel @p0 .LBB2_4-.Ltmp1, $4  }
0x79: {  	_ = 	snop  }
0x7a: {  	[tilespmem:s20+$0x0] =	vst v10  }
0x7b: {  	v9 =	vld.idx.msk [tilespmem:v9+s2+$0x0], $0xffff  }
0x7c: {  	v11 =	vmov s22;
	s22 =	sadd.s32 $0x10, s22;
	v10 =	vld [tilespmem:s21+$0x800]  }
0x7d: {  	v11 =	vshll.u32 v11, $0x5  }
0x7e: {  	v11 =	vor.u32 v8, v11  }
0x7f: {  	v11 =	vor.u32 v1, v11;
	_ =	sdelay $0x1  }
0x80: {  	v9 =	vsub.f32 v9, v10;
	_ =	sdelay $0x1  }
0x81: {  	[tilespmem:s20+$0x800] =	vst v9  }
0x82: {  	v9 =	vld.idx.msk [tilespmem:v11+s17+$0x0], $0xffff;
	_ =	sdelay $0x5  }
0x83: {  	s21 =	sadd.s32 $0x10, s21  }
0x84: {  	v10 =	vld [tilespmem:s21+$0xFFFFF800]  }
0x85: {  	v11 =	vld.idx.msk [tilespmem:v9+s2+$0x0], $0xffff;
	_ =	sdelay $0x2  }
0x86: {  	v12 =	vadd.s32 $0x800, v9;
	_ =	sdelay $0x1  }
0x87: {  	v10 =	vsub.f32 v11, v10  }
0x88: {  	s30 =	sadd.s32 $0x10, s20  }
0x89: {  	[tilespmem:s30+$0xFFFFF800] =	vst v10  }
0x8a: {  	v10 =	vld.idx.msk [tilespmem:v12+s2+$0x0], $0xffff  }
0x8b: {  	v11 =	vld [tilespmem:s21+$0x0];
	_ =	sdelay $0x2  }
0x8c: {  	v9 =	vadd.s32 $0x1000, v9;
	_ =	sdelay $0x1  }
0x8d: {  	v10 =	vsub.f32 v10, v11;
	_ =	sdelay $0x1  }
0x8e: {  	[tilespmem:s30+$0x0] =	vst v10  }
0x8f: {  	v9 =	vld.idx.msk [tilespmem:v9+s2+$0x0], $0xffff  }
0x90: {  	v10 =	vld [tilespmem:s21+$0x800];
	_ =	sdelay $0x2  }
0x91: {  	s31 =	simm.s32 $0x0  }
0x92: {  	v11 =	vmov s31  }
0x93: {  	v9 =	vsub.f32 v9, v10;
	v10 =	vshll.u32 v11, $0x5  }
0x94: {  	v10 =	vor.u32 v8, v10  }
0x95: {  	[tilespmem:s30+$0x800] =	vst v9;
	v9 =	vor.u32 v2, v10  }
0x96: {  	[hbm4b:s6+s14] =	stream.strided.scatter [tilespmem:s18], [sflag:$0x1], $0x1800, s15, s14, $0x38;
	[tilespmem:$0x13000] =	vst v63  }
0x97: {  	_ =	swait.ge [sflag:s16], $0x1800  }
0x98: {  	[sflag:s16] =	ssyncset.done $0x0  }
0x99: {  	[sflag:s16] =	ssyncadd.s32 $0xFFFFE800  }
0x9a: {  	v9 =	vld.idx.msk [tilespmem:v9+s17+$0x0], $0xffff;
	_ =	sdelay $0x5  }
0x9b: {  	s21 =	simm.s32 $0x800  }
0x9c: {  	v10 =	vld [tilespmem:s21+$0xFFFFF800]  }
0x9d: {  	v11 =	vld.idx.msk [tilespmem:v9+s2+$0x0], $0xffff;
	_ =	sdelay $0x2  }
0x9e: {  	v63 =	vadd.s32 $0x800, v9;
	_ =	sdelay $0x1  }
0x9f: {  	v10 =	vsub.f32 v11, v10  }
0xa0: {  	s20 =	simm.s32 $0x12000  }
0xa1: {  	[tilespmem:s20+$0xFFFFF800] =	vst v10  }
0xa2: {  	v10 =	vld.idx.msk [tilespmem:v63+s2+$0x0], $0xffff  }
0xa3: {  	v11 =	vld [tilespmem:s21+$0x0];
	_ =	sdelay $0x2  }
0xa4: {  	v9 =	vadd.s32 $0x1000, v9;
	_ =	sdelay $0x1  }
0xa5: {  	v10 =	vsub.f32 v10, v11;
	_ =	sdelay $0x1  }
0xa6: {  	[tilespmem:s20+$0x0] =	vst v10  }
0xa7: {  	s22 =	simm.s32 $0x10;
	v9 =	vld.idx.msk [tilespmem:v9+s2+$0x0], $0xffff  }
0xa8: {  	v11 =	vmov s22;
	s22 =	simm.s32 $0x20;
	v10 =	vld [tilespmem:s21+$0x800]  }
.LBB2_6:
0xa9: {  	p0 =	sne.s32 s22, $0x7F0;
	v11 =	vshll.u32 v11, $0x5  }
0xaa: {  	v11 =	vor.u32 v8, v11  }
0xab: {  	v11 =	vor.u32 v2, v11;
	_ =	sdelay $0x1  }
0xac: {  	v9 =	vsub.f32 v9, v10;
	_ =	sdelay $0x1  }
0xad: {  	[tilespmem:s20+$0x800] =	vst v9  }
0xae: {  	s21 =	sadd.s32 $0x10, s21;
	v9 =	vld.idx.msk [tilespmem:v11+s17+$0x0], $0xffff  }
0xaf: {  	v10 =	vld [tilespmem:s21+$0xFFFFF800];
	_ =	sdelay $0x4  }
0xb0: {  	v11 =	vadd.s32 $0x800, v9;
	_ =	sdelay $0x1  }
0xb1: {  	v12 =	vld.idx.msk [tilespmem:v9+s2+$0x0], $0xffff;
	_ =	sdelay $0x5  }
0xb2: {  	v10 =	vsub.f32 v12, v10  }
0xb3: {  	s20 =	sadd.s32 $0x10, s20  }
0xb4: {  	[tilespmem:s20+$0xFFFFF800] =	vst v10  }
0xb5: {  	v10 =	vld.idx.msk [tilespmem:v11+s2+$0x0], $0xffff  }
0xb6: {  	v11 =	vld [tilespmem:s21+$0x0];
	_ =	sdelay $0x2  }
0xb7: {  	v9 =	vadd.s32 $0x1000, v9;
	_ =	sdelay $0x1  }
.Ltmp2:
0xb8: {  	v10 =	vsub.f32 v10, v11;
	(pc) =	sbr.rel @p0 .LBB2_6-.Ltmp2, $4  }
0xb9: {  	_ = 	snop  }
0xba: {  	[tilespmem:s20+$0x0] =	vst v10  }
0xbb: {  	v9 =	vld.idx.msk [tilespmem:v9+s2+$0x0], $0xffff  }
0xbc: {  	v11 =	vmov s22;
	s22 =	sadd.s32 $0x10, s22;
	v10 =	vld [tilespmem:s21+$0x800]  }
0xbd: {  	v11 =	vshll.u32 v11, $0x5  }
0xbe: {  	v11 =	vor.u32 v8, v11  }
0xbf: {  	v11 =	vor.u32 v2, v11;
	_ =	sdelay $0x1  }
0xc0: {  	v9 =	vsub.f32 v9, v10;
	_ =	sdelay $0x1  }
0xc1: {  	[tilespmem:s20+$0x800] =	vst v9  }
0xc2: {  	v9 =	vld.idx.msk [tilespmem:v11+s17+$0x0], $0xffff;
	_ =	sdelay $0x5  }
0xc3: {  	s21 =	sadd.s32 $0x10, s21  }
0xc4: {  	v10 =	vld [tilespmem:s21+$0xFFFFF800]  }
0xc5: {  	v11 =	vld.idx.msk [tilespmem:v9+s2+$0x0], $0xffff;
	_ =	sdelay $0x2  }
0xc6: {  	v12 =	vadd.s32 $0x800, v9;
	_ =	sdelay $0x1  }
0xc7: {  	v10 =	vsub.f32 v11, v10  }
0xc8: {  	s30 =	sadd.s32 $0x10, s20  }
0xc9: {  	[tilespmem:s30+$0xFFFFF800] =	vst v10  }
0xca: {  	v10 =	vld.idx.msk [tilespmem:v12+s2+$0x0], $0xffff  }
0xcb: {  	v11 =	vld [tilespmem:s21+$0x0];
	_ =	sdelay $0x2  }
0xcc: {  	v9 =	vadd.s32 $0x1000, v9;
	_ =	sdelay $0x1  }
0xcd: {  	v10 =	vsub.f32 v10, v11;
	_ =	sdelay $0x1  }
0xce: {  	[tilespmem:s30+$0x0] =	vst v10  }
0xcf: {  	v9 =	vld.idx.msk [tilespmem:v9+s2+$0x0], $0xffff  }
0xd0: {  	v10 =	vld [tilespmem:s21+$0x800];
	_ =	sdelay $0x2  }
0xd1: {  	s31 =	simm.s32 $0x0  }
0xd2: {  	v11 =	vmov s31  }
0xd3: {  	v9 =	vsub.f32 v9, v10;
	v10 =	vshll.u32 v11, $0x5  }
0xd4: {  	v10 =	vor.u32 v8, v10  }
0xd5: {  	[tilespmem:s30+$0x800] =	vst v9;
	v9 =	vor.u32 v3, v10  }
0xd6: {  	[hbm4b:s7+s14] =	stream.strided.scatter [tilespmem:s18], [sflag:$0x1], $0x1800, s15, s14, $0x38;
	[tilespmem:$0x13000] =	vst v63  }
0xd7: {  	_ =	swait.ge [sflag:s16], $0x1800  }
0xd8: {  	[sflag:s16] =	ssyncset.done $0x0  }
0xd9: {  	[sflag:s16] =	ssyncadd.s32 $0xFFFFE800  }
0xda: {  	v9 =	vld.idx.msk [tilespmem:v9+s17+$0x0], $0xffff;
	_ =	sdelay $0x5  }
0xdb: {  	s21 =	simm.s32 $0x800  }
0xdc: {  	v10 =	vld [tilespmem:s21+$0xFFFFF800]  }
0xdd: {  	v11 =	vld.idx.msk [tilespmem:v9+s2+$0x0], $0xffff;
	_ =	sdelay $0x2  }
0xde: {  	v63 =	vadd.s32 $0x800, v9;
	_ =	sdelay $0x1  }
0xdf: {  	v10 =	vsub.f32 v11, v10  }
0xe0: {  	s20 =	simm.s32 $0x12000  }
0xe1: {  	[tilespmem:s20+$0xFFFFF800] =	vst v10  }
0xe2: {  	v10 =	vld.idx.msk [tilespmem:v63+s2+$0x0], $0xffff  }
0xe3: {  	v11 =	vld [tilespmem:s21+$0x0];
	_ =	sdelay $0x2  }
0xe4: {  	v9 =	vadd.s32 $0x1000, v9;
	_ =	sdelay $0x1  }
0xe5: {  	v10 =	vsub.f32 v10, v11;
	_ =	sdelay $0x1  }
0xe6: {  	[tilespmem:s20+$0x0] =	vst v10  }
0xe7: {  	s22 =	simm.s32 $0x10;
	v9 =	vld.idx.msk [tilespmem:v9+s2+$0x0], $0xffff  }
0xe8: {  	v11 =	vmov s22;
	s22 =	simm.s32 $0x20;
	v10 =	vld [tilespmem:s21+$0x800]  }
.LBB2_8:
0xe9: {  	p0 =	sne.s32 s22, $0x7F0;
	v11 =	vshll.u32 v11, $0x5  }
0xea: {  	v11 =	vor.u32 v8, v11  }
0xeb: {  	v11 =	vor.u32 v3, v11;
	_ =	sdelay $0x1  }
0xec: {  	v9 =	vsub.f32 v9, v10;
	_ =	sdelay $0x1  }
0xed: {  	[tilespmem:s20+$0x800] =	vst v9  }
0xee: {  	s21 =	sadd.s32 $0x10, s21;
	v9 =	vld.idx.msk [tilespmem:v11+s17+$0x0], $0xffff  }
0xef: {  	v10 =	vld [tilespmem:s21+$0xFFFFF800];
	_ =	sdelay $0x4  }
0xf0: {  	v11 =	vadd.s32 $0x800, v9;
	_ =	sdelay $0x1  }
0xf1: {  	v12 =	vld.idx.msk [tilespmem:v9+s2+$0x0], $0xffff;
	_ =	sdelay $0x5  }
0xf2: {  	v10 =	vsub.f32 v12, v10  }
0xf3: {  	s20 =	sadd.s32 $0x10, s20  }
0xf4: {  	[tilespmem:s20+$0xFFFFF800] =	vst v10  }
0xf5: {  	v10 =	vld.idx.msk [tilespmem:v11+s2+$0x0], $0xffff  }
0xf6: {  	v11 =	vld [tilespmem:s21+$0x0];
	_ =	sdelay $0x2  }
0xf7: {  	v9 =	vadd.s32 $0x1000, v9;
	_ =	sdelay $0x1  }
.Ltmp3:
0xf8: {  	v10 =	vsub.f32 v10, v11;
	(pc) =	sbr.rel @p0 .LBB2_8-.Ltmp3, $4  }
0xf9: {  	_ = 	snop  }
0xfa: {  	[tilespmem:s20+$0x0] =	vst v10  }
0xfb: {  	v9 =	vld.idx.msk [tilespmem:v9+s2+$0x0], $0xffff  }
0xfc: {  	v11 =	vmov s22;
	s22 =	sadd.s32 $0x10, s22;
	v10 =	vld [tilespmem:s21+$0x800]  }
0xfd: {  	v11 =	vshll.u32 v11, $0x5  }
0xfe: {  	v11 =	vor.u32 v8, v11  }
0xff: {  	v11 =	vor.u32 v3, v11;
	_ =	sdelay $0x1  }
0x100: {  	v9 =	vsub.f32 v9, v10;
	_ =	sdelay $0x1  }
0x101: {  	[tilespmem:s20+$0x800] =	vst v9  }
0x102: {  	v9 =	vld.idx.msk [tilespmem:v11+s17+$0x0], $0xffff;
	_ =	sdelay $0x5  }
0x103: {  	s21 =	sadd.s32 $0x10, s21  }
0x104: {  	v10 =	vld [tilespmem:s21+$0xFFFFF800]  }
0x105: {  	v11 =	vld.idx.msk [tilespmem:v9+s2+$0x0], $0xffff;
	_ =	sdelay $0x2  }
0x106: {  	v12 =	vadd.s32 $0x800, v9;
	_ =	sdelay $0x1  }
0x107: {  	v10 =	vsub.f32 v11, v10  }
0x108: {  	s30 =	sadd.s32 $0x10, s20  }
0x109: {  	[tilespmem:s30+$0xFFFFF800] =	vst v10  }
0x10a: {  	v10 =	vld.idx.msk [tilespmem:v12+s2+$0x0], $0xffff  }
0x10b: {  	v11 =	vld [tilespmem:s21+$0x0];
	_ =	sdelay $0x2  }
0x10c: {  	v9 =	vadd.s32 $0x1000, v9;
	_ =	sdelay $0x1  }
0x10d: {  	v10 =	vsub.f32 v10, v11;
	_ =	sdelay $0x1  }
0x10e: {  	[tilespmem:s30+$0x0] =	vst v10  }
0x10f: {  	v9 =	vld.idx.msk [tilespmem:v9+s2+$0x0], $0xffff  }
0x110: {  	v10 =	vld [tilespmem:s21+$0x800];
	_ =	sdelay $0x2  }
0x111: {  	s31 =	simm.s32 $0x0  }
0x112: {  	v11 =	vmov s31  }
0x113: {  	v9 =	vsub.f32 v9, v10;
	v10 =	vshll.u32 v11, $0x5  }
0x114: {  	v10 =	vor.u32 v8, v10  }
0x115: {  	[tilespmem:s30+$0x800] =	vst v9;
	v9 =	vor.u32 v4, v10  }
0x116: {  	[hbm4b:s8+s14] =	stream.strided.scatter [tilespmem:s18], [sflag:$0x1], $0x1800, s15, s14, $0x38;
	[tilespmem:$0x13000] =	vst v63  }
0x117: {  	_ =	swait.ge [sflag:s16], $0x1800  }
0x118: {  	[sflag:s16] =	ssyncset.done $0x0  }
0x119: {  	[sflag:s16] =	ssyncadd.s32 $0xFFFFE800  }
0x11a: {  	v9 =	vld.idx.msk [tilespmem:v9+s17+$0x0], $0xffff;
	_ =	sdelay $0x5  }
0x11b: {  	s21 =	simm.s32 $0x800  }
0x11c: {  	v10 =	vld [tilespmem:s21+$0xFFFFF800]  }
0x11d: {  	v11 =	vld.idx.msk [tilespmem:v9+s2+$0x0], $0xffff;
	_ =	sdelay $0x2  }
0x11e: {  	v63 =	vadd.s32 $0x800, v9;
	_ =	sdelay $0x1  }
0x11f: {  	v10 =	vsub.f32 v11, v10  }
0x120: {  	s20 =	simm.s32 $0x12000  }
0x121: {  	[tilespmem:s20+$0xFFFFF800] =	vst v10  }
0x122: {  	v10 =	vld.idx.msk [tilespmem:v63+s2+$0x0], $0xffff  }
0x123: {  	v11 =	vld [tilespmem:s21+$0x0];
	_ =	sdelay $0x2  }
0x124: {  	v9 =	vadd.s32 $0x1000, v9;
	_ =	sdelay $0x1  }
0x125: {  	v10 =	vsub.f32 v10, v11;
	_ =	sdelay $0x1  }
0x126: {  	[tilespmem:s20+$0x0] =	vst v10  }
0x127: {  	s22 =	simm.s32 $0x10;
	v9 =	vld.idx.msk [tilespmem:v9+s2+$0x0], $0xffff  }
0x128: {  	v11 =	vmov s22;
	s22 =	simm.s32 $0x20;
	v10 =	vld [tilespmem:s21+$0x800]  }
.LBB2_10:
0x129: {  	p0 =	sne.s32 s22, $0x7F0;
	v11 =	vshll.u32 v11, $0x5  }
0x12a: {  	v11 =	vor.u32 v8, v11  }
0x12b: {  	v11 =	vor.u32 v4, v11;
	_ =	sdelay $0x1  }
0x12c: {  	v9 =	vsub.f32 v9, v10;
	_ =	sdelay $0x1  }
0x12d: {  	[tilespmem:s20+$0x800] =	vst v9  }
0x12e: {  	s21 =	sadd.s32 $0x10, s21;
	v9 =	vld.idx.msk [tilespmem:v11+s17+$0x0], $0xffff  }
0x12f: {  	v10 =	vld [tilespmem:s21+$0xFFFFF800];
	_ =	sdelay $0x4  }
0x130: {  	v11 =	vadd.s32 $0x800, v9;
	_ =	sdelay $0x1  }
0x131: {  	v12 =	vld.idx.msk [tilespmem:v9+s2+$0x0], $0xffff;
	_ =	sdelay $0x5  }
0x132: {  	v10 =	vsub.f32 v12, v10  }
0x133: {  	s20 =	sadd.s32 $0x10, s20  }
0x134: {  	[tilespmem:s20+$0xFFFFF800] =	vst v10  }
0x135: {  	v10 =	vld.idx.msk [tilespmem:v11+s2+$0x0], $0xffff  }
0x136: {  	v11 =	vld [tilespmem:s21+$0x0];
	_ =	sdelay $0x2  }
0x137: {  	v9 =	vadd.s32 $0x1000, v9;
	_ =	sdelay $0x1  }
.Ltmp4:
0x138: {  	v10 =	vsub.f32 v10, v11;
	(pc) =	sbr.rel @p0 .LBB2_10-.Ltmp4, $4  }
0x139: {  	_ = 	snop  }
0x13a: {  	[tilespmem:s20+$0x0] =	vst v10  }
0x13b: {  	v9 =	vld.idx.msk [tilespmem:v9+s2+$0x0], $0xffff  }
0x13c: {  	v11 =	vmov s22;
	s22 =	sadd.s32 $0x10, s22;
	v10 =	vld [tilespmem:s21+$0x800]  }
0x13d: {  	v11 =	vshll.u32 v11, $0x5  }
0x13e: {  	v11 =	vor.u32 v8, v11  }
0x13f: {  	v11 =	vor.u32 v4, v11;
	_ =	sdelay $0x1  }
0x140: {  	v9 =	vsub.f32 v9, v10;
	_ =	sdelay $0x1  }
0x141: {  	[tilespmem:s20+$0x800] =	vst v9  }
0x142: {  	v9 =	vld.idx.msk [tilespmem:v11+s17+$0x0], $0xffff;
	_ =	sdelay $0x5  }
0x143: {  	s21 =	sadd.s32 $0x10, s21  }
0x144: {  	v10 =	vld [tilespmem:s21+$0xFFFFF800]  }
0x145: {  	v11 =	vld.idx.msk [tilespmem:v9+s2+$0x0], $0xffff;
	_ =	sdelay $0x2  }
0x146: {  	v12 =	vadd.s32 $0x800, v9;
	_ =	sdelay $0x1  }
0x147: {  	v10 =	vsub.f32 v11, v10  }
0x148: {  	s30 =	sadd.s32 $0x10, s20  }
0x149: {  	[tilespmem:s30+$0xFFFFF800] =	vst v10  }
0x14a: {  	v10 =	vld.idx.msk [tilespmem:v12+s2+$0x0], $0xffff  }
0x14b: {  	v11 =	vld [tilespmem:s21+$0x0];
	_ =	sdelay $0x2  }
0x14c: {  	v9 =	vadd.s32 $0x1000, v9;
	_ =	sdelay $0x1  }
0x14d: {  	v10 =	vsub.f32 v10, v11;
	_ =	sdelay $0x1  }
0x14e: {  	[tilespmem:s30+$0x0] =	vst v10  }
0x14f: {  	v9 =	vld.idx.msk [tilespmem:v9+s2+$0x0], $0xffff  }
0x150: {  	v10 =	vld [tilespmem:s21+$0x800];
	_ =	sdelay $0x2  }
0x151: {  	s31 =	simm.s32 $0x0  }
0x152: {  	v11 =	vmov s31  }
0x153: {  	v9 =	vsub.f32 v9, v10;
	v10 =	vshll.u32 v11, $0x5  }
0x154: {  	v10 =	vor.u32 v8, v10  }
0x155: {  	[tilespmem:s30+$0x800] =	vst v9;
	v9 =	vor.u32 v5, v10  }
0x156: {  	[hbm4b:s9+s14] =	stream.strided.scatter [tilespmem:s18], [sflag:$0x1], $0x1800, s15, s14, $0x38;
	[tilespmem:$0x13000] =	vst v63  }
0x157: {  	_ =	swait.ge [sflag:s16], $0x1800  }
0x158: {  	[sflag:s16] =	ssyncset.done $0x0  }
0x159: {  	[sflag:s16] =	ssyncadd.s32 $0xFFFFE800  }
0x15a: {  	v9 =	vld.idx.msk [tilespmem:v9+s17+$0x0], $0xffff;
	_ =	sdelay $0x5  }
0x15b: {  	s21 =	simm.s32 $0x800  }
0x15c: {  	v10 =	vld [tilespmem:s21+$0xFFFFF800]  }
0x15d: {  	v11 =	vld.idx.msk [tilespmem:v9+s2+$0x0], $0xffff;
	_ =	sdelay $0x2  }
0x15e: {  	v63 =	vadd.s32 $0x800, v9;
	_ =	sdelay $0x1  }
0x15f: {  	v10 =	vsub.f32 v11, v10  }
0x160: {  	s20 =	simm.s32 $0x12000  }
0x161: {  	[tilespmem:s20+$0xFFFFF800] =	vst v10  }
0x162: {  	v10 =	vld.idx.msk [tilespmem:v63+s2+$0x0], $0xffff  }
0x163: {  	v11 =	vld [tilespmem:s21+$0x0];
	_ =	sdelay $0x2  }
0x164: {  	v9 =	vadd.s32 $0x1000, v9;
	_ =	sdelay $0x1  }
0x165: {  	v10 =	vsub.f32 v10, v11;
	_ =	sdelay $0x1  }
0x166: {  	[tilespmem:s20+$0x0] =	vst v10  }
0x167: {  	s22 =	simm.s32 $0x10;
	v9 =	vld.idx.msk [tilespmem:v9+s2+$0x0], $0xffff  }
0x168: {  	v11 =	vmov s22;
	s22 =	simm.s32 $0x20;
	v10 =	vld [tilespmem:s21+$0x800]  }
.LBB2_12:
0x169: {  	p0 =	sne.s32 s22, $0x7F0;
	v11 =	vshll.u32 v11, $0x5  }
0x16a: {  	v11 =	vor.u32 v8, v11  }
0x16b: {  	v11 =	vor.u32 v5, v11;
	_ =	sdelay $0x1  }
0x16c: {  	v9 =	vsub.f32 v9, v10;
	_ =	sdelay $0x1  }
0x16d: {  	[tilespmem:s20+$0x800] =	vst v9  }
0x16e: {  	s21 =	sadd.s32 $0x10, s21;
	v9 =	vld.idx.msk [tilespmem:v11+s17+$0x0], $0xffff  }
0x16f: {  	v10 =	vld [tilespmem:s21+$0xFFFFF800];
	_ =	sdelay $0x4  }
0x170: {  	v11 =	vadd.s32 $0x800, v9;
	_ =	sdelay $0x1  }
0x171: {  	v12 =	vld.idx.msk [tilespmem:v9+s2+$0x0], $0xffff;
	_ =	sdelay $0x5  }
0x172: {  	v10 =	vsub.f32 v12, v10  }
0x173: {  	s20 =	sadd.s32 $0x10, s20  }
0x174: {  	[tilespmem:s20+$0xFFFFF800] =	vst v10  }
0x175: {  	v10 =	vld.idx.msk [tilespmem:v11+s2+$0x0], $0xffff  }
0x176: {  	v11 =	vld [tilespmem:s21+$0x0];
	_ =	sdelay $0x2  }
0x177: {  	v9 =	vadd.s32 $0x1000, v9;
	_ =	sdelay $0x1  }
.Ltmp5:
0x178: {  	v10 =	vsub.f32 v10, v11;
	(pc) =	sbr.rel @p0 .LBB2_12-.Ltmp5, $4  }
0x179: {  	_ = 	snop  }
0x17a: {  	[tilespmem:s20+$0x0] =	vst v10  }
0x17b: {  	v9 =	vld.idx.msk [tilespmem:v9+s2+$0x0], $0xffff  }
0x17c: {  	v11 =	vmov s22;
	s22 =	sadd.s32 $0x10, s22;
	v10 =	vld [tilespmem:s21+$0x800]  }
0x17d: {  	v11 =	vshll.u32 v11, $0x5  }
0x17e: {  	v11 =	vor.u32 v8, v11  }
0x17f: {  	v11 =	vor.u32 v5, v11;
	_ =	sdelay $0x1  }
0x180: {  	v9 =	vsub.f32 v9, v10;
	_ =	sdelay $0x1  }
0x181: {  	[tilespmem:s20+$0x800] =	vst v9  }
0x182: {  	v9 =	vld.idx.msk [tilespmem:v11+s17+$0x0], $0xffff;
	_ =	sdelay $0x5  }
0x183: {  	s21 =	sadd.s32 $0x10, s21  }
0x184: {  	v10 =	vld [tilespmem:s21+$0xFFFFF800]  }
0x185: {  	v11 =	vld.idx.msk [tilespmem:v9+s2+$0x0], $0xffff;
	_ =	sdelay $0x2  }
0x186: {  	v12 =	vadd.s32 $0x800, v9;
	_ =	sdelay $0x1  }
0x187: {  	v10 =	vsub.f32 v11, v10  }
0x188: {  	s30 =	sadd.s32 $0x10, s20  }
0x189: {  	[tilespmem:s30+$0xFFFFF800] =	vst v10  }
0x18a: {  	v10 =	vld.idx.msk [tilespmem:v12+s2+$0x0], $0xffff  }
0x18b: {  	v11 =	vld [tilespmem:s21+$0x0];
	_ =	sdelay $0x2  }
0x18c: {  	v9 =	vadd.s32 $0x1000, v9;
	_ =	sdelay $0x1  }
0x18d: {  	v10 =	vsub.f32 v10, v11;
	_ =	sdelay $0x1  }
0x18e: {  	[tilespmem:s30+$0x0] =	vst v10  }
0x18f: {  	v9 =	vld.idx.msk [tilespmem:v9+s2+$0x0], $0xffff  }
0x190: {  	v10 =	vld [tilespmem:s21+$0x800];
	_ =	sdelay $0x2  }
0x191: {  	s31 =	simm.s32 $0x0  }
0x192: {  	v11 =	vmov s31  }
0x193: {  	v9 =	vsub.f32 v9, v10;
	v10 =	vshll.u32 v11, $0x5  }
0x194: {  	v10 =	vor.u32 v8, v10  }
0x195: {  	[tilespmem:s30+$0x800] =	vst v9;
	v9 =	vor.u32 v6, v10  }
0x196: {  	[hbm4b:s10+s14] =	stream.strided.scatter [tilespmem:s18], [sflag:$0x1], $0x1800, s15, s14, $0x38;
	[tilespmem:$0x13000] =	vst v63  }
0x197: {  	_ =	swait.ge [sflag:s16], $0x1800  }
0x198: {  	[sflag:s16] =	ssyncset.done $0x0  }
0x199: {  	[sflag:s16] =	ssyncadd.s32 $0xFFFFE800  }
0x19a: {  	v9 =	vld.idx.msk [tilespmem:v9+s17+$0x0], $0xffff;
	_ =	sdelay $0x5  }
0x19b: {  	s21 =	simm.s32 $0x800  }
0x19c: {  	v10 =	vld [tilespmem:s21+$0xFFFFF800]  }
0x19d: {  	v11 =	vld.idx.msk [tilespmem:v9+s2+$0x0], $0xffff;
	_ =	sdelay $0x2  }
0x19e: {  	v63 =	vadd.s32 $0x800, v9;
	_ =	sdelay $0x1  }
0x19f: {  	v10 =	vsub.f32 v11, v10  }
0x1a0: {  	s20 =	simm.s32 $0x12000  }
0x1a1: {  	[tilespmem:s20+$0xFFFFF800] =	vst v10  }
0x1a2: {  	v10 =	vld.idx.msk [tilespmem:v63+s2+$0x0], $0xffff  }
0x1a3: {  	v11 =	vld [tilespmem:s21+$0x0];
	_ =	sdelay $0x2  }
0x1a4: {  	v9 =	vadd.s32 $0x1000, v9;
	_ =	sdelay $0x1  }
0x1a5: {  	v10 =	vsub.f32 v10, v11;
	_ =	sdelay $0x1  }
0x1a6: {  	[tilespmem:s20+$0x0] =	vst v10  }
0x1a7: {  	s22 =	simm.s32 $0x10;
	v9 =	vld.idx.msk [tilespmem:v9+s2+$0x0], $0xffff  }
0x1a8: {  	v11 =	vmov s22;
	s22 =	simm.s32 $0x20;
	v10 =	vld [tilespmem:s21+$0x800]  }
.LBB2_14:
0x1a9: {  	p0 =	sne.s32 s22, $0x7F0;
	v11 =	vshll.u32 v11, $0x5  }
0x1aa: {  	v11 =	vor.u32 v8, v11  }
0x1ab: {  	v11 =	vor.u32 v6, v11;
	_ =	sdelay $0x1  }
0x1ac: {  	v9 =	vsub.f32 v9, v10;
	_ =	sdelay $0x1  }
0x1ad: {  	[tilespmem:s20+$0x800] =	vst v9  }
0x1ae: {  	s21 =	sadd.s32 $0x10, s21;
	v9 =	vld.idx.msk [tilespmem:v11+s17+$0x0], $0xffff  }
0x1af: {  	v10 =	vld [tilespmem:s21+$0xFFFFF800];
	_ =	sdelay $0x4  }
0x1b0: {  	v11 =	vadd.s32 $0x800, v9;
	_ =	sdelay $0x1  }
0x1b1: {  	v12 =	vld.idx.msk [tilespmem:v9+s2+$0x0], $0xffff;
	_ =	sdelay $0x5  }
0x1b2: {  	v10 =	vsub.f32 v12, v10  }
0x1b3: {  	s20 =	sadd.s32 $0x10, s20  }
0x1b4: {  	[tilespmem:s20+$0xFFFFF800] =	vst v10  }
0x1b5: {  	v10 =	vld.idx.msk [tilespmem:v11+s2+$0x0], $0xffff  }
0x1b6: {  	v11 =	vld [tilespmem:s21+$0x0];
	_ =	sdelay $0x2  }
0x1b7: {  	v9 =	vadd.s32 $0x1000, v9;
	_ =	sdelay $0x1  }
.Ltmp6:
0x1b8: {  	v10 =	vsub.f32 v10, v11;
	(pc) =	sbr.rel @p0 .LBB2_14-.Ltmp6, $4  }
0x1b9: {  	_ = 	snop  }
0x1ba: {  	[tilespmem:s20+$0x0] =	vst v10  }
0x1bb: {  	v9 =	vld.idx.msk [tilespmem:v9+s2+$0x0], $0xffff  }
0x1bc: {  	v11 =	vmov s22;
	s22 =	sadd.s32 $0x10, s22;
	v10 =	vld [tilespmem:s21+$0x800]  }
0x1bd: {  	v11 =	vshll.u32 v11, $0x5  }
0x1be: {  	v11 =	vor.u32 v8, v11  }
0x1bf: {  	v11 =	vor.u32 v6, v11;
	_ =	sdelay $0x1  }
0x1c0: {  	v9 =	vsub.f32 v9, v10;
	_ =	sdelay $0x1  }
0x1c1: {  	[tilespmem:s20+$0x800] =	vst v9  }
0x1c2: {  	v9 =	vld.idx.msk [tilespmem:v11+s17+$0x0], $0xffff;
	_ =	sdelay $0x5  }
0x1c3: {  	s21 =	sadd.s32 $0x10, s21  }
0x1c4: {  	v10 =	vld [tilespmem:s21+$0xFFFFF800]  }
0x1c5: {  	v11 =	vld.idx.msk [tilespmem:v9+s2+$0x0], $0xffff;
	_ =	sdelay $0x2  }
0x1c6: {  	v12 =	vadd.s32 $0x800, v9;
	_ =	sdelay $0x1  }
0x1c7: {  	v10 =	vsub.f32 v11, v10  }
0x1c8: {  	s30 =	sadd.s32 $0x10, s20  }
0x1c9: {  	[tilespmem:s30+$0xFFFFF800] =	vst v10  }
0x1ca: {  	v10 =	vld.idx.msk [tilespmem:v12+s2+$0x0], $0xffff  }
0x1cb: {  	v11 =	vld [tilespmem:s21+$0x0];
	_ =	sdelay $0x2  }
0x1cc: {  	v9 =	vadd.s32 $0x1000, v9;
	_ =	sdelay $0x1  }
0x1cd: {  	v10 =	vsub.f32 v10, v11;
	_ =	sdelay $0x1  }
0x1ce: {  	[tilespmem:s30+$0x0] =	vst v10  }
0x1cf: {  	v9 =	vld.idx.msk [tilespmem:v9+s2+$0x0], $0xffff  }
0x1d0: {  	v10 =	vld [tilespmem:s21+$0x800];
	_ =	sdelay $0x2  }
0x1d1: {  	s31 =	simm.s32 $0x0  }
0x1d2: {  	v11 =	vmov s31  }
0x1d3: {  	v9 =	vsub.f32 v9, v10;
	v10 =	vshll.u32 v11, $0x5  }
0x1d4: {  	v10 =	vor.u32 v8, v10  }
0x1d5: {  	[tilespmem:s30+$0x800] =	vst v9;
	v9 =	vor.u32 v7, v10  }
0x1d6: {  	[hbm4b:s11+s14] =	stream.strided.scatter [tilespmem:s18], [sflag:$0x1], $0x1800, s15, s14, $0x38;
	[tilespmem:$0x13000] =	vst v63  }
0x1d7: {  	_ =	swait.ge [sflag:s16], $0x1800  }
0x1d8: {  	[sflag:s16] =	ssyncset.done $0x0  }
0x1d9: {  	[sflag:s16] =	ssyncadd.s32 $0xFFFFE800  }
0x1da: {  	v9 =	vld.idx.msk [tilespmem:v9+s17+$0x0], $0xffff;
	_ =	sdelay $0x5  }
0x1db: {  	s21 =	simm.s32 $0x800  }
0x1dc: {  	v10 =	vld [tilespmem:s21+$0xFFFFF800]  }
0x1dd: {  	v11 =	vld.idx.msk [tilespmem:v9+s2+$0x0], $0xffff;
	_ =	sdelay $0x2  }
0x1de: {  	v63 =	vadd.s32 $0x800, v9;
	_ =	sdelay $0x1  }
0x1df: {  	v10 =	vsub.f32 v11, v10  }
0x1e0: {  	s20 =	simm.s32 $0x12000  }
0x1e1: {  	[tilespmem:s20+$0xFFFFF800] =	vst v10  }
0x1e2: {  	v10 =	vld.idx.msk [tilespmem:v63+s2+$0x0], $0xffff  }
0x1e3: {  	v11 =	vld [tilespmem:s21+$0x0];
	_ =	sdelay $0x2  }
0x1e4: {  	v9 =	vadd.s32 $0x1000, v9;
	_ =	sdelay $0x1  }
0x1e5: {  	v10 =	vsub.f32 v10, v11;
	_ =	sdelay $0x1  }
0x1e6: {  	[tilespmem:s20+$0x0] =	vst v10  }
0x1e7: {  	s22 =	simm.s32 $0x10;
	v9 =	vld.idx.msk [tilespmem:v9+s2+$0x0], $0xffff  }
0x1e8: {  	v11 =	vmov s22;
	s22 =	simm.s32 $0x20;
	v10 =	vld [tilespmem:s21+$0x800]  }
.LBB2_16:
0x1e9: {  	p0 =	sne.s32 s22, $0x7F0;
	v11 =	vshll.u32 v11, $0x5  }
0x1ea: {  	v11 =	vor.u32 v8, v11  }
0x1eb: {  	v11 =	vor.u32 v7, v11;
	_ =	sdelay $0x1  }
0x1ec: {  	v9 =	vsub.f32 v9, v10;
	_ =	sdelay $0x1  }
0x1ed: {  	[tilespmem:s20+$0x800] =	vst v9  }
0x1ee: {  	s21 =	sadd.s32 $0x10, s21;
	v9 =	vld.idx.msk [tilespmem:v11+s17+$0x0], $0xffff  }
0x1ef: {  	v10 =	vld [tilespmem:s21+$0xFFFFF800];
	_ =	sdelay $0x4  }
0x1f0: {  	v11 =	vadd.s32 $0x800, v9;
	_ =	sdelay $0x1  }
0x1f1: {  	v12 =	vld.idx.msk [tilespmem:v9+s2+$0x0], $0xffff;
	_ =	sdelay $0x5  }
0x1f2: {  	v10 =	vsub.f32 v12, v10  }
0x1f3: {  	s20 =	sadd.s32 $0x10, s20  }
0x1f4: {  	[tilespmem:s20+$0xFFFFF800] =	vst v10  }
0x1f5: {  	v10 =	vld.idx.msk [tilespmem:v11+s2+$0x0], $0xffff  }
0x1f6: {  	v11 =	vld [tilespmem:s21+$0x0];
	_ =	sdelay $0x2  }
0x1f7: {  	v9 =	vadd.s32 $0x1000, v9;
	_ =	sdelay $0x1  }
.Ltmp7:
0x1f8: {  	v10 =	vsub.f32 v10, v11;
	(pc) =	sbr.rel @p0 .LBB2_16-.Ltmp7, $4  }
0x1f9: {  	_ = 	snop  }
0x1fa: {  	[tilespmem:s20+$0x0] =	vst v10  }
0x1fb: {  	v9 =	vld.idx.msk [tilespmem:v9+s2+$0x0], $0xffff  }
0x1fc: {  	v11 =	vmov s22;
	s22 =	sadd.s32 $0x10, s22;
	v10 =	vld [tilespmem:s21+$0x800]  }
0x1fd: {  	v11 =	vshll.u32 v11, $0x5  }
0x1fe: {  	v11 =	vor.u32 v8, v11  }
0x1ff: {  	v11 =	vor.u32 v7, v11;
	_ =	sdelay $0x1  }
0x200: {  	v9 =	vsub.f32 v9, v10;
	_ =	sdelay $0x1  }
0x201: {  	[tilespmem:s20+$0x800] =	vst v9  }
0x202: {  	v9 =	vld.idx.msk [tilespmem:v11+s17+$0x0], $0xffff;
	_ =	sdelay $0x5  }
0x203: {  	s21 =	sadd.s32 $0x10, s21  }
0x204: {  	v10 =	vld [tilespmem:s21+$0xFFFFF800]  }
0x205: {  	v11 =	vld.idx.msk [tilespmem:v9+s2+$0x0], $0xffff;
	_ =	sdelay $0x2  }
0x206: {  	v12 =	vadd.s32 $0x800, v9;
	_ =	sdelay $0x1  }
0x207: {  	v10 =	vsub.f32 v11, v10  }
0x208: {  	s31 =	sadd.s32 $0x10, s20  }
0x209: {  	[tilespmem:s31+$0xFFFFF800] =	vst v10  }
0x20a: {  	v10 =	vld.idx.msk [tilespmem:v12+s2+$0x0], $0xffff  }
0x20b: {  	v11 =	vld [tilespmem:s21+$0x0];
	_ =	sdelay $0x2  }
0x20c: {  	v9 =	vadd.s32 $0x1000, v9;
	_ =	sdelay $0x1  }
0x20d: {  	v10 =	vsub.f32 v10, v11;
	_ =	sdelay $0x1  }
0x20e: {  	[tilespmem:s31+$0x0] =	vst v10  }
0x20f: {  	v9 =	vld.idx.msk [tilespmem:v9+s2+$0x0], $0xffff  }
0x210: {  	v10 =	vld [tilespmem:s21+$0x800];
	_ =	sdelay $0x4  }
0x211: {  	s19 =	sadd.s32 $0x1, s19;
	v9 =	vsub.f32 v9, v10  }
0x212: {  	p0 =	sne.s32 s19, s13  }
.Ltmp8:
0x213: {  	[tilespmem:s31+$0x800] =	vst v9;
	(pc) =	sbr.rel @p0 .LBB2_1-.Ltmp8, $4  }
0x214: {  	[hbm4b:s12+s14] =	stream.strided.scatter [tilespmem:s18], [sflag:$0x1], $0x1800, s15, s14, $0x38;
	[tilespmem:$0x13000] =	vst v63  }
0x215: {  	_ =	swait.ge [sflag:s16], $0x1800  }
0x216: {  	[sflag:s16] =	ssyncset.done $0x0  }
0x217: {  	[sflag:s16] =	ssyncadd.s32 $0xFFFFE800  }
0x218: {  	_ =	sfence.sel $0x180000  }
0x219: {  	[bflag:$0x0] =	sbarrier.arrive $0xFFFF  }
0x21a: {  	p0 =	sne.s32 s0, $0x0;
	_ =	strace $0x90000047  }
0x21b: {  	s0 =	sadd.s32 @!p0 $0x100000, s1;
	[bflag:$0x2] =	sbarrier.arrive $0xFFFF  }
0x21c: {  	[sflag:s0] =	ssyncadd.tile.s32 @!p0 $0x1;
	_ =	shalt  }
.Lfunc_end2:
_tile_overlayer_lowered:
.L_overlay_start_2:
0x21d: {  	(tag) =	ssettag $0x2  }
0x21e: {  	s0 =	rddreg [dreg:$0x0];
	s2 =	stileid.u32  }
0x21f: {  	s1 =	rddreg [dreg:$0x1];
	p0 =	sne.s32 s2, $0x0  }
0x220: {  	s3 =	rddreg [dreg:$0x2];
	[bflag:$0x3] =	sbarrier.arrive $0xFFFF;
	s2 =	simm.s32 @!p0 $0x1C01  }
0x221: {  	[timem:s3], [sflag:s2] =	dma.local @!p0 [hbm:s0], s1  }
0x222: {  	s0 =	simm.s32 @!p0 $0x1  }
0x223: {  	_ =	swait.ge @!p0 [sflag:s0], s1  }
0x224: {  	s1 =	ssub.s32 @!p0 $0x0, s1;
	[sflag:s0] =	ssyncset.done @!p0 $0x0  }
0x225: {  	[sflag:s0] =	ssyncadd.s32 @!p0 s1  }
0x226: {  	[bflag:$0x3] =	sbarrier.arrive $0xFFFF  }
0x227: {  	_ =	shalt  }

</sc_bundles>
